<compile_context>
chip_gen: v7x
topology: tpu7x:2x2x1
jax: 0.10.2.dev20260603
libtpu: 0.0.44.dev20260713+nightly
codegen_flags: <defaults>
</compile_context>

<pallas_src>
import jax
import jax.numpy as jnp
from jax import lax
from jax.experimental import pallas as pl
from jax.experimental.pallas import tpu as pltpu
from jax.experimental.pallas import tpu_sc as plsc

_N_EMBED = 64
_BATCH = 16384
_M = 100000
_TCOLS = 8192
_TBLOCKS = -(-_M // _TCOLS)
_TROWS = _TBLOCKS * _TCOLS
_NC, _NS = 2, 16
_NW = _NC * _NS
_BW = _BATCH // _NW
_CHUNK = 128
_NCHUNK = _BW // _CHUNK


def _dot_chunk(pbuf, qbuf, bias, outv, c):

    def group(g, carry):
        lane = lax.iota(jnp.int32, 16)
        rows = g * 16 + lane
        zero = jnp.zeros((16,), jnp.float32)

        def kblock(b, accs):
            out = []
            for a in range(4):
                acc = accs[a]
                for u in range(4):
                    cols = (a * 16 + b * 4 + u + lane) & 63
                    pv = plsc.load_gather(pbuf, [rows, cols])
                    qv = plsc.load_gather(qbuf, [rows, cols + 64])
                    acc = acc + pv * qv
                out.append(acc)
            return tuple(out)

        accs = lax.fori_loop(0, 4, kblock, (zero, zero, zero, zero))
        off = c * _CHUNK + g * 16
        bv = bias[pl.ds(pl.multiple_of(off, 16), 16)]
        outv[pl.ds(pl.multiple_of(off, 16), 16)] = (
            (accs[0] + accs[1]) + (accs[2] + accs[3]) + (bv + bv))
        return carry

    lax.fori_loop(0, _CHUNK // 16, group, 0)


def _sc_body(ent_hbm, T_hbm, Pb_hbm, out_hbm,
             eidx, pbuf, qbuf, bias, outv, sems):
    wid = lax.axis_index("s") * _NC + lax.axis_index("c")
    base = wid * _BW

    pltpu.sync_copy(ent_hbm.at[pl.ds(wid * _NCHUNK, _NCHUNK)], eidx)

    def fire(c):
        buf = c % 2
        return [
            pltpu.async_copy(T_hbm.at[eidx.at[c, 0]], pbuf.at[buf], sems.at[buf]),
            pltpu.async_copy(T_hbm.at[eidx.at[c, 1]], qbuf.at[buf], sems.at[buf]),
            pltpu.async_copy(Pb_hbm.at[eidx.at[c, 0]],
                             bias.at[pl.ds(c * _CHUNK, _CHUNK)], sems.at[buf]),
        ]

    inflight = {0: fire(0), 1: fire(1)}
    for c in range(_NCHUNK):
        for cp in inflight.pop(c):
            cp.wait()
        _dot_chunk(pbuf.at[c % 2], qbuf.at[c % 2], bias, outv, c)
        if c + 2 < _NCHUNK:
            inflight[c + 2] = fire(c + 2)

    pltpu.sync_copy(outv, out_hbm.at[pl.ds(base, _BW)])


@jax.jit
def _mf(ent_view, T, Pb_flat):
    mesh = plsc.VectorSubcoreMesh(core_axis_name="c", subcore_axis_name="s",
                                  num_cores=_NC, num_subcores=_NS)
    f = pl.kernel(
        _sc_body,
        out_type=jax.ShapeDtypeStruct((_BATCH,), jnp.float32),
        mesh=mesh,
        compiler_params=pltpu.CompilerParams(needs_layout_passes=False,
                                             use_tc_tiling_on_sc=False),
        scratch_types=[
            pltpu.VMEM((_NCHUNK, 2, _CHUNK), jnp.int32),
            pltpu.VMEM((2, _CHUNK, 2 * _N_EMBED), jnp.float32),
            pltpu.VMEM((2, _CHUNK, 2 * _N_EMBED), jnp.float32),
            pltpu.VMEM((_BW,), jnp.float32),
            pltpu.VMEM((_BW,), jnp.float32),
            pltpu.SemaphoreType.DMA((2,)),
        ],
    )
    return f(ent_view, T, Pb_flat)


def _tr_body(p_ref, q_ref, t_ref):
    t_ref[:, 0:_N_EMBED] = jnp.swapaxes(p_ref[...], 0, 1)
    t_ref[:, _N_EMBED:2 * _N_EMBED] = jnp.swapaxes(q_ref[...], 0, 1)


def _build_table(P_t, Q_t):
    return pl.pallas_call(
        _tr_body,
        grid=(_TBLOCKS,),
        in_specs=[pl.BlockSpec((_N_EMBED, _TCOLS), lambda j: (0, j)),
                  pl.BlockSpec((_N_EMBED, _TCOLS), lambda j: (0, j))],
        out_specs=pl.BlockSpec((_TCOLS, 2 * _N_EMBED), lambda j: (j, 0)),
        out_shape=jax.ShapeDtypeStruct((_TROWS, 2 * _N_EMBED), jnp.float32),
    )(P_t, Q_t)


def kernel(entry, P, Q, P_bias, Q_bias):
    del Q_bias
    ent_view = entry.reshape(_BATCH // _CHUNK, _CHUNK, 2).transpose(0, 2, 1)
    T = _build_table(P.T, Q.T)
    Pb_head = lax.slice(P_bias, (0, 0), (_M, 1)).reshape(-1)
    return _mf(ent_view, T, Pb_head)

# --- scband reference (transcript-rebuilt; emitter-appended) ---
"""Pipeline reference for scband-matrix-factorization-16612933501209 (READ-ONLY COPY).

The authoritative reference and input builder live on the scoring server;
editing this copy changes nothing except your own understanding.
"""

import jax, jax.numpy as jnp
import numpy as np

N_EMBED = 64
N = 1000000
M = 100000
BATCH = 16384


def setup_inputs(seed: int = 0) -> dict:
    key = jax.random.key(seed)
    k_entry, k_P, k_Q, k_Pb, k_Qb = jax.random.split(key, 5)
    entry = jax.random.randint(k_entry, (BATCH, 2), 0, M, dtype=jnp.int64) if jax.config.jax_enable_x64 else jax.random.randint(k_entry, (BATCH, 2), 0, M, dtype=jnp.int32)
    P = jax.random.normal(k_P, (N, N_EMBED), dtype=jnp.float32)
    Q = jax.random.normal(k_Q, (M, N_EMBED), dtype=jnp.float32)
    P_bias = jax.random.normal(k_Pb, (N, 1), dtype=jnp.float32)
    Q_bias = jax.random.normal(k_Qb, (M, 1), dtype=jnp.float32)
    return {"entry": entry, "P": P, "Q": Q, "P_bias": P_bias, "Q_bias": Q_bias}


def reference(entry, P, Q, P_bias, Q_bias):
    row_idx = entry[:, 0]
    col_idx = entry[:, 1]
    p_row = jnp.take(P, row_idx, axis=0)
    q_col = jnp.take(Q, col_idx, axis=0)
    row_bias = jnp.take(P_bias, row_idx, axis=0)
    col_bias = jnp.take(Q_bias, col_idx, axis=0)
    # NOTE: original torch module adds row_bias twice (col_bias is computed but unused)
    outputs = (p_row * q_col).sum(axis=1) + jnp.squeeze(row_bias) + jnp.squeeze(row_bias)
    return outputs.flatten()

if __name__ == "__main__":
    import jax
    _d = setup_inputs()
    print(jax.jit(kernel)(*tuple(_d.values())))

</pallas_src>

<mosaic_0001>
#map = affine_map<(d0, d1) -> (0, 0, 0)>
#map1 = affine_map<(d0, d1) -> (0, 0)>
#map2 = affine_map<(d0, d1) -> (0)>
module attributes {stable_mosaic.version = 14 : i64} {
  func.func @_sc_body(%arg0: i32, %arg1: i32, %arg2: memref<128x2x128xi32, #tpu.memory_space<hbm>>, %arg3: memref<106496x128xf32, #tpu.memory_space<hbm>>, %arg4: memref<100000xf32, #tpu.memory_space<hbm>>, %arg5: memref<16384xf32, #tpu.memory_space<hbm>>, %arg6: memref<4x2x128xi32, #tpu.memory_space<vmem>>, %arg7: memref<2x128x128xf32, #tpu.memory_space<vmem>>, %arg8: memref<2x128x128xf32, #tpu.memory_space<vmem>>, %arg9: memref<512xf32, #tpu.memory_space<vmem>>, %arg10: memref<512xf32, #tpu.memory_space<vmem>>, %arg11: memref<2x!tpu.dma_semaphore, #tpu.memory_space<semaphore_mem>>) attributes {dimension_semantics = [#tpu.dimension_semantics<core_parallel>, #tpu.dimension_semantics<subcore_parallel>], iteration_bounds = array<i64: 2, 16>, scalar_prefetch = 0 : i64, scratch_operands = 6 : i64, tpu.core_type = #tpu.core_type<sc_vector_subcore>, window_params = [{transform_indices = #map}, {transform_indices = #map1}, {transform_indices = #map2}, {transform_indices = #map2}]} {
    %mul3A = arith.constant 2 : i32
    %mul3A_0 = arith.muli %arg1, %mul3A : i32
    %add3A = arith.addi %mul3A_0, %arg0 : i32
    %mul3A_1 = arith.constant 512 : i32
    %mul3A_2 = arith.muli %add3A, %mul3A_1 : i32
    %mul3A_3 = arith.constant 4 : i32
    %mul3A_4 = arith.muli %add3A, %mul3A_3 : i32
    "tpu.region"() ({
      %run_scoped3A = tpu.sem_alloc : memref<!tpu.dma_semaphore, #tpu.memory_space<semaphore_mem>>
      %dma_start3A_386 = arith.constant 0 : i32
      %dma_start3A_387 = arith.constant 0 : i32
      %dma_start3A_388 = tpu.memref_slice %arg2[%mul3A_4, %dma_start3A_386, %dma_start3A_387] : memref<128x2x128xi32, #tpu.memory_space<hbm>> -> memref<4x2x128xi32, #tpu.memory_space<hbm>>
      %dma_start3A_389 = arith.constant 0 : i32
      %dma_start3A_390 = arith.constant 0 : i32
      %dma_start3A_391 = tpu.memref_slice %arg2[%mul3A_4, %dma_start3A_389, %dma_start3A_390] : memref<128x2x128xi32, #tpu.memory_space<hbm>> -> memref<4x2x128xi32, #tpu.memory_space<hbm>>
      tpu.enqueue_dma source(%dma_start3A_391 : memref<4x2x128xi32, #tpu.memory_space<hbm>>) target(%arg6 : memref<4x2x128xi32, #tpu.memory_space<vmem>>) target_semaphore(%run_scoped3A : memref<!tpu.dma_semaphore, #tpu.memory_space<semaphore_mem>>)
      %dma_wait3A_392 = arith.constant 0 : i32
      %dma_wait3A_393 = arith.constant 0 : i32
      %dma_wait3A_394 = tpu.memref_slice %arg2[%mul3A_4, %dma_wait3A_392, %dma_wait3A_393] : memref<128x2x128xi32, #tpu.memory_space<hbm>> -> memref<4x2x128xi32, #tpu.memory_space<hbm>>
      %dma_wait3A_395 = arith.constant 0 : i32
      %dma_wait3A_396 = arith.constant 0 : i32
      %dma_wait3A_397 = tpu.memref_slice %arg2[%mul3A_4, %dma_wait3A_395, %dma_wait3A_396] : memref<128x2x128xi32, #tpu.memory_space<hbm>> -> memref<4x2x128xi32, #tpu.memory_space<hbm>>
      tpu.wait_dma2 semaphore(%run_scoped3A : memref<!tpu.dma_semaphore, #tpu.memory_space<semaphore_mem>>) src(%dma_wait3A_397 : memref<4x2x128xi32, #tpu.memory_space<hbm>>) dst(%arg6 : memref<4x2x128xi32, #tpu.memory_space<vmem>>)
      tpu.yield
    }) : () -> ()
    %dma_start3A = arith.constant 0 : i32
    %dma_start3A_5 = arith.constant 0 : i32
    %dma_start3A_6 = arith.constant 0 : i32
    %dma_start3A_7 = arith.constant 0 : i32
    %dma_start3A_8 = arith.constant 0 : i32
    %dma_start3A_9 = arith.constant 0 : i32
    %dma_start3A_10 = tpu.memref_slice %arg7[%dma_start3A_6, %dma_start3A_8, %dma_start3A_9] : memref<2x128x128xf32, #tpu.memory_space<vmem>> -> memref<1x128x128xf32, #tpu.memory_space<vmem>>
    %dma_start3A_11 = tpu.memref_squeeze %dma_start3A_10 : memref<1x128x128xf32, #tpu.memory_space<vmem>> -> memref<128x128xf32, #tpu.memory_space<vmem>>
    %dma_start3A_12 = arith.constant 0 : i32
    %dma_start3A_13 = tpu.memref_slice %arg6[%dma_start3A, %dma_start3A_5, %dma_start3A_12] : memref<4x2x128xi32, #tpu.memory_space<vmem>> -> memref<1x1x128xi32, #tpu.memory_space<vmem>>
    %dma_start3A_14 = tpu.memref_squeeze %dma_start3A_13 : memref<1x1x128xi32, #tpu.memory_space<vmem>> -> memref<128xi32, #tpu.memory_space<vmem>>
    %dma_start3A_15 = arith.constant 0 : i32
    %dma_start3A_16 = arith.constant 0 : i32
    %dma_start3A_17 = tpu.memref_slice %arg3[%dma_start3A_15, %dma_start3A_16] : memref<106496x128xf32, #tpu.memory_space<hbm>> -> memref<106496x128xf32, #tpu.memory_space<hbm>>
    %dma_start3A_18 = tpu.memref_slice %arg11[%dma_start3A_7] : memref<2x!tpu.dma_semaphore, #tpu.memory_space<semaphore_mem>> -> memref<1x!tpu.dma_semaphore, #tpu.memory_space<semaphore_mem>>
    %dma_start3A_19 = tpu.memref_squeeze %dma_start3A_18 : memref<1x!tpu.dma_semaphore, #tpu.memory_space<semaphore_mem>> -> memref<!tpu.dma_semaphore, #tpu.memory_space<semaphore_mem>>
    tpu.enqueue_indirect_dma source(%dma_start3A_17 : memref<106496x128xf32, #tpu.memory_space<hbm>>) target(%dma_start3A_11 : memref<128x128xf32, #tpu.memory_space<vmem>>) offsets(%dma_start3A_14 : memref<128xi32, #tpu.memory_space<vmem>>) semaphore(%dma_start3A_19 : memref<!tpu.dma_semaphore, #tpu.memory_space<semaphore_mem>>)
    %dma_start3A_20 = arith.constant 0 : i32
    %dma_start3A_21 = arith.constant 1 : i32
    %dma_start3A_22 = arith.constant 0 : i32
    %dma_start3A_23 = arith.constant 0 : i32
    %dma_start3A_24 = arith.constant 0 : i32
    %dma_start3A_25 = arith.constant 0 : i32
    %dma_start3A_26 = tpu.memref_slice %arg8[%dma_start3A_22, %dma_start3A_24, %dma_start3A_25] : memref<2x128x128xf32, #tpu.memory_space<vmem>> -> memref<1x128x128xf32, #tpu.memory_space<vmem>>
    %dma_start3A_27 = tpu.memref_squeeze %dma_start3A_26 : memref<1x128x128xf32, #tpu.memory_space<vmem>> -> memref<128x128xf32, #tpu.memory_space<vmem>>
    %dma_start3A_28 = arith.constant 0 : i32
    %dma_start3A_29 = tpu.memref_slice %arg6[%dma_start3A_20, %dma_start3A_21, %dma_start3A_28] : memref<4x2x128xi32, #tpu.memory_space<vmem>> -> memref<1x1x128xi32, #tpu.memory_space<vmem>>
    %dma_start3A_30 = tpu.memref_squeeze %dma_start3A_29 : memref<1x1x128xi32, #tpu.memory_space<vmem>> -> memref<128xi32, #tpu.memory_space<vmem>>
    %dma_start3A_31 = arith.constant 0 : i32
    %dma_start3A_32 = arith.constant 0 : i32
    %dma_start3A_33 = tpu.memref_slice %arg3[%dma_start3A_31, %dma_start3A_32] : memref<106496x128xf32, #tpu.memory_space<hbm>> -> memref<106496x128xf32, #tpu.memory_space<hbm>>
    %dma_start3A_34 = tpu.memref_slice %arg11[%dma_start3A_23] : memref<2x!tpu.dma_semaphore, #tpu.memory_space<semaphore_mem>> -> memref<1x!tpu.dma_semaphore, #tpu.memory_space<semaphore_mem>>
    %dma_start3A_35 = tpu.memref_squeeze %dma_start3A_34 : memref<1x!tpu.dma_semaphore, #tpu.memory_space<semaphore_mem>> -> memref<!tpu.dma_semaphore, #tpu.memory_space<semaphore_mem>>
    tpu.enqueue_indirect_dma source(%dma_start3A_33 : memref<106496x128xf32, #tpu.memory_space<hbm>>) target(%dma_start3A_27 : memref<128x128xf32, #tpu.memory_space<vmem>>) offsets(%dma_start3A_30 : memref<128xi32, #tpu.memory_space<vmem>>) semaphore(%dma_start3A_35 : memref<!tpu.dma_semaphore, #tpu.memory_space<semaphore_mem>>)
    %dma_start3A_36 = arith.constant 0 : i32
    %dma_start3A_37 = arith.constant 0 : i32
    %dma_start3A_38 = arith.constant 0 : i32
    %dma_start3A_39 = arith.constant 0 : i32
    %dma_start3A_40 = tpu.memref_slice %arg9[%dma_start3A_39] : memref<512xf32, #tpu.memory_space<vmem>> -> memref<128xf32, #tpu.memory_space<vmem>>
    %dma_start3A_41 = arith.constant 0 : i32
    %dma_start3A_42 = tpu.memref_slice %arg6[%dma_start3A_36, %dma_start3A_37, %dma_start3A_41] : memref<4x2x128xi32, #tpu.memory_space<vmem>> -> memref<1x1x128xi32, #tpu.memory_space<vmem>>
    %dma_start3A_43 = tpu.memref_squeeze %dma_start3A_42 : memref<1x1x128xi32, #tpu.memory_space<vmem>> -> memref<128xi32, #tpu.memory_space<vmem>>
    %dma_start3A_44 = arith.constant 0 : i32
    %dma_start3A_45 = tpu.memref_slice %arg4[%dma_start3A_44] : memref<100000xf32, #tpu.memory_space<hbm>> -> memref<100000xf32, #tpu.memory_space<hbm>>
    %dma_start3A_46 = tpu.memref_slice %arg11[%dma_start3A_38] : memref<2x!tpu.dma_semaphore, #tpu.memory_space<semaphore_mem>> -> memref<1x!tpu.dma_semaphore, #tpu.memory_space<semaphore_mem>>
    %dma_start3A_47 = tpu.memref_squeeze %dma_start3A_46 : memref<1x!tpu.dma_semaphore, #tpu.memory_space<semaphore_mem>> -> memref<!tpu.dma_semaphore, #tpu.memory_space<semaphore_mem>>
    tpu.enqueue_indirect_dma source(%dma_start3A_45 : memref<100000xf32, #tpu.memory_space<hbm>>) target(%dma_start3A_40 : memref<128xf32, #tpu.memory_space<vmem>>) offsets(%dma_start3A_43 : memref<128xi32, #tpu.memory_space<vmem>>) semaphore(%dma_start3A_47 : memref<!tpu.dma_semaphore, #tpu.memory_space<semaphore_mem>>)
    %dma_start3A_48 = arith.constant 1 : i32
    %dma_start3A_49 = arith.constant 0 : i32
    %dma_start3A_50 = arith.constant 1 : i32
    %dma_start3A_51 = arith.constant 1 : i32
    %dma_start3A_52 = arith.constant 0 : i32
    %dma_start3A_53 = arith.constant 0 : i32
    %dma_start3A_54 = tpu.memref_slice %arg7[%dma_start3A_50, %dma_start3A_52, %dma_start3A_53] : memref<2x128x128xf32, #tpu.memory_space<vmem>> -> memref<1x128x128xf32, #tpu.memory_space<vmem>>
    %dma_start3A_55 = tpu.memref_squeeze %dma_start3A_54 : memref<1x128x128xf32, #tpu.memory_space<vmem>> -> memref<128x128xf32, #tpu.memory_space<vmem>>
    %dma_start3A_56 = arith.constant 0 : i32
    %dma_start3A_57 = tpu.memref_slice %arg6[%dma_start3A_48, %dma_start3A_49, %dma_start3A_56] : memref<4x2x128xi32, #tpu.memory_space<vmem>> -> memref<1x1x128xi32, #tpu.memory_space<vmem>>
    %dma_start3A_58 = tpu.memref_squeeze %dma_start3A_57 : memref<1x1x128xi32, #tpu.memory_space<vmem>> -> memref<128xi32, #tpu.memory_space<vmem>>
    %dma_start3A_59 = arith.constant 0 : i32
    %dma_start3A_60 = arith.constant 0 : i32
    %dma_start3A_61 = tpu.memref_slice %arg3[%dma_start3A_59, %dma_start3A_60] : memref<106496x128xf32, #tpu.memory_space<hbm>> -> memref<106496x128xf32, #tpu.memory_space<hbm>>
    %dma_start3A_62 = tpu.memref_slice %arg11[%dma_start3A_51] : memref<2x!tpu.dma_semaphore, #tpu.memory_space<semaphore_mem>> -> memref<1x!tpu.dma_semaphore, #tpu.memory_space<semaphore_mem>>
    %dma_start3A_63 = tpu.memref_squeeze %dma_start3A_62 : memref<1x!tpu.dma_semaphore, #tpu.memory_space<semaphore_mem>> -> memref<!tpu.dma_semaphore, #tpu.memory_space<semaphore_mem>>
    tpu.enqueue_indirect_dma source(%dma_start3A_61 : memref<106496x128xf32, #tpu.memory_space<hbm>>) target(%dma_start3A_55 : memref<128x128xf32, #tpu.memory_space<vmem>>) offsets(%dma_start3A_58 : memref<128xi32, #tpu.memory_space<vmem>>) semaphore(%dma_start3A_63 : memref<!tpu.dma_semaphore, #tpu.memory_space<semaphore_mem>>)
    %dma_start3A_64 = arith.constant 1 : i32
    %dma_start3A_65 = arith.constant 1 : i32
    %dma_start3A_66 = arith.constant 1 : i32
    %dma_start3A_67 = arith.constant 1 : i32
    %dma_start3A_68 = arith.constant 0 : i32
    %dma_start3A_69 = arith.constant 0 : i32
    %dma_start3A_70 = tpu.memref_slice %arg8[%dma_start3A_66, %dma_start3A_68, %dma_start3A_69] : memref<2x128x128xf32, #tpu.memory_space<vmem>> -> memref<1x128x128xf32, #tpu.memory_space<vmem>>
    %dma_start3A_71 = tpu.memref_squeeze %dma_start3A_70 : memref<1x128x128xf32, #tpu.memory_space<vmem>> -> memref<128x128xf32, #tpu.memory_space<vmem>>
    %dma_start3A_72 = arith.constant 0 : i32
    %dma_start3A_73 = tpu.memref_slice %arg6[%dma_start3A_64, %dma_start3A_65, %dma_start3A_72] : memref<4x2x128xi32, #tpu.memory_space<vmem>> -> memref<1x1x128xi32, #tpu.memory_space<vmem>>
    %dma_start3A_74 = tpu.memref_squeeze %dma_start3A_73 : memref<1x1x128xi32, #tpu.memory_space<vmem>> -> memref<128xi32, #tpu.memory_space<vmem>>
    %dma_start3A_75 = arith.constant 0 : i32
    %dma_start3A_76 = arith.constant 0 : i32
    %dma_start3A_77 = tpu.memref_slice %arg3[%dma_start3A_75, %dma_start3A_76] : memref<106496x128xf32, #tpu.memory_space<hbm>> -> memref<106496x128xf32, #tpu.memory_space<hbm>>
    %dma_start3A_78 = tpu.memref_slice %arg11[%dma_start3A_67] : memref<2x!tpu.dma_semaphore, #tpu.memory_space<semaphore_mem>> -> memref<1x!tpu.dma_semaphore, #tpu.memory_space<semaphore_mem>>
    %dma_start3A_79 = tpu.memref_squeeze %dma_start3A_78 : memref<1x!tpu.dma_semaphore, #tpu.memory_space<semaphore_mem>> -> memref<!tpu.dma_semaphore, #tpu.memory_space<semaphore_mem>>
    tpu.enqueue_indirect_dma source(%dma_start3A_77 : memref<106496x128xf32, #tpu.memory_space<hbm>>) target(%dma_start3A_71 : memref<128x128xf32, #tpu.memory_space<vmem>>) offsets(%dma_start3A_74 : memref<128xi32, #tpu.memory_space<vmem>>) semaphore(%dma_start3A_79 : memref<!tpu.dma_semaphore, #tpu.memory_space<semaphore_mem>>)
    %dma_start3A_80 = arith.constant 1 : i32
    %dma_start3A_81 = arith.constant 0 : i32
    %dma_start3A_82 = arith.constant 1 : i32
    %dma_start3A_83 = arith.constant 128 : i32
    %dma_start3A_84 = tpu.memref_slice %arg9[%dma_start3A_83] : memref<512xf32, #tpu.memory_space<vmem>> -> memref<128xf32, #tpu.memory_space<vmem>>
    %dma_start3A_85 = arith.constant 0 : i32
    %dma_start3A_86 = tpu.memref_slice %arg6[%dma_start3A_80, %dma_start3A_81, %dma_start3A_85] : memref<4x2x128xi32, #tpu.memory_space<vmem>> -> memref<1x1x128xi32, #tpu.memory_space<vmem>>
    %dma_start3A_87 = tpu.memref_squeeze %dma_start3A_86 : memref<1x1x128xi32, #tpu.memory_space<vmem>> -> memref<128xi32, #tpu.memory_space<vmem>>
    %dma_start3A_88 = arith.constant 0 : i32
    %dma_start3A_89 = tpu.memref_slice %arg4[%dma_start3A_88] : memref<100000xf32, #tpu.memory_space<hbm>> -> memref<100000xf32, #tpu.memory_space<hbm>>
    %dma_start3A_90 = tpu.memref_slice %arg11[%dma_start3A_82] : memref<2x!tpu.dma_semaphore, #tpu.memory_space<semaphore_mem>> -> memref<1x!tpu.dma_semaphore, #tpu.memory_space<semaphore_mem>>
    %dma_start3A_91 = tpu.memref_squeeze %dma_start3A_90 : memref<1x!tpu.dma_semaphore, #tpu.memory_space<semaphore_mem>> -> memref<!tpu.dma_semaphore, #tpu.memory_space<semaphore_mem>>
    tpu.enqueue_indirect_dma source(%dma_start3A_89 : memref<100000xf32, #tpu.memory_space<hbm>>) target(%dma_start3A_84 : memref<128xf32, #tpu.memory_space<vmem>>) offsets(%dma_start3A_87 : memref<128xi32, #tpu.memory_space<vmem>>) semaphore(%dma_start3A_91 : memref<!tpu.dma_semaphore, #tpu.memory_space<semaphore_mem>>)
    %dma_wait3A = arith.constant 0 : i32
    %dma_wait3A_92 = arith.constant 0 : i32
    %dma_wait3A_93 = arith.constant 0 : i32
    %dma_wait3A_94 = arith.constant 0 : i32
    %dma_wait3A_95 = arith.constant 0 : i32
    %dma_wait3A_96 = arith.constant 0 : i32
    %dma_wait3A_97 = tpu.memref_slice %arg7[%dma_wait3A_93, %dma_wait3A_95, %dma_wait3A_96] : memref<2x128x128xf32, #tpu.memory_space<vmem>> -> memref<1x128x128xf32, #tpu.memory_space<vmem>>
    %dma_wait3A_98 = tpu.memref_squeeze %dma_wait3A_97 : memref<1x128x128xf32, #tpu.memory_space<vmem>> -> memref<128x128xf32, #tpu.memory_space<vmem>>
    %dma_wait3A_99 = arith.constant 0 : i32
    %dma_wait3A_100 = tpu.memref_slice %arg6[%dma_wait3A, %dma_wait3A_92, %dma_wait3A_99] : memref<4x2x128xi32, #tpu.memory_space<vmem>> -> memref<1x1x128xi32, #tpu.memory_space<vmem>>
    %dma_wait3A_101 = tpu.memref_squeeze %dma_wait3A_100 : memref<1x1x128xi32, #tpu.memory_space<vmem>> -> memref<128xi32, #tpu.memory_space<vmem>>
    %dma_wait3A_102 = arith.constant 0 : i32
    %dma_wait3A_103 = arith.constant 0 : i32
    %dma_wait3A_104 = tpu.memref_slice %arg3[%dma_wait3A_102, %dma_wait3A_103] : memref<106496x128xf32, #tpu.memory_space<hbm>> -> memref<106496x128xf32, #tpu.memory_space<hbm>>
    %dma_wait3A_105 = tpu.memref_slice %arg11[%dma_wait3A_94] : memref<2x!tpu.dma_semaphore, #tpu.memory_space<semaphore_mem>> -> memref<1x!tpu.dma_semaphore, #tpu.memory_space<semaphore_mem>>
    %dma_wait3A_106 = tpu.memref_squeeze %dma_wait3A_105 : memref<1x!tpu.dma_semaphore, #tpu.memory_space<semaphore_mem>> -> memref<!tpu.dma_semaphore, #tpu.memory_space<semaphore_mem>>
    tpu.wait_indirect_dma semaphore(%dma_wait3A_106 : memref<!tpu.dma_semaphore, #tpu.memory_space<semaphore_mem>>) src(%dma_wait3A_104 : memref<106496x128xf32, #tpu.memory_space<hbm>>) dst(%dma_wait3A_98 : memref<128x128xf32, #tpu.memory_space<vmem>>)
    %dma_wait3A_107 = arith.constant 0 : i32
    %dma_wait3A_108 = arith.constant 1 : i32
    %dma_wait3A_109 = arith.constant 0 : i32
    %dma_wait3A_110 = arith.constant 0 : i32
    %dma_wait3A_111 = arith.constant 0 : i32
    %dma_wait3A_112 = arith.constant 0 : i32
    %dma_wait3A_113 = tpu.memref_slice %arg8[%dma_wait3A_109, %dma_wait3A_111, %dma_wait3A_112] : memref<2x128x128xf32, #tpu.memory_space<vmem>> -> memref<1x128x128xf32, #tpu.memory_space<vmem>>
    %dma_wait3A_114 = tpu.memref_squeeze %dma_wait3A_113 : memref<1x128x128xf32, #tpu.memory_space<vmem>> -> memref<128x128xf32, #tpu.memory_space<vmem>>
    %dma_wait3A_115 = arith.constant 0 : i32
    %dma_wait3A_116 = tpu.memref_slice %arg6[%dma_wait3A_107, %dma_wait3A_108, %dma_wait3A_115] : memref<4x2x128xi32, #tpu.memory_space<vmem>> -> memref<1x1x128xi32, #tpu.memory_space<vmem>>
    %dma_wait3A_117 = tpu.memref_squeeze %dma_wait3A_116 : memref<1x1x128xi32, #tpu.memory_space<vmem>> -> memref<128xi32, #tpu.memory_space<vmem>>
    %dma_wait3A_118 = arith.constant 0 : i32
    %dma_wait3A_119 = arith.constant 0 : i32
    %dma_wait3A_120 = tpu.memref_slice %arg3[%dma_wait3A_118, %dma_wait3A_119] : memref<106496x128xf32, #tpu.memory_space<hbm>> -> memref<106496x128xf32, #tpu.memory_space<hbm>>
    %dma_wait3A_121 = tpu.memref_slice %arg11[%dma_wait3A_110] : memref<2x!tpu.dma_semaphore, #tpu.memory_space<semaphore_mem>> -> memref<1x!tpu.dma_semaphore, #tpu.memory_space<semaphore_mem>>
    %dma_wait3A_122 = tpu.memref_squeeze %dma_wait3A_121 : memref<1x!tpu.dma_semaphore, #tpu.memory_space<semaphore_mem>> -> memref<!tpu.dma_semaphore, #tpu.memory_space<semaphore_mem>>
    tpu.wait_indirect_dma semaphore(%dma_wait3A_122 : memref<!tpu.dma_semaphore, #tpu.memory_space<semaphore_mem>>) src(%dma_wait3A_120 : memref<106496x128xf32, #tpu.memory_space<hbm>>) dst(%dma_wait3A_114 : memref<128x128xf32, #tpu.memory_space<vmem>>)
    %dma_wait3A_123 = arith.constant 0 : i32
    %dma_wait3A_124 = arith.constant 0 : i32
    %dma_wait3A_125 = arith.constant 0 : i32
    %dma_wait3A_126 = arith.constant 0 : i32
    %dma_wait3A_127 = tpu.memref_slice %arg9[%dma_wait3A_126] : memref<512xf32, #tpu.memory_space<vmem>> -> memref<128xf32, #tpu.memory_space<vmem>>
    %dma_wait3A_128 = arith.constant 0 : i32
    %dma_wait3A_129 = tpu.memref_slice %arg6[%dma_wait3A_123, %dma_wait3A_124, %dma_wait3A_128] : memref<4x2x128xi32, #tpu.memory_space<vmem>> -> memref<1x1x128xi32, #tpu.memory_space<vmem>>
    %dma_wait3A_130 = tpu.memref_squeeze %dma_wait3A_129 : memref<1x1x128xi32, #tpu.memory_space<vmem>> -> memref<128xi32, #tpu.memory_space<vmem>>
    %dma_wait3A_131 = arith.constant 0 : i32
    %dma_wait3A_132 = tpu.memref_slice %arg4[%dma_wait3A_131] : memref<100000xf32, #tpu.memory_space<hbm>> -> memref<100000xf32, #tpu.memory_space<hbm>>
    %dma_wait3A_133 = tpu.memref_slice %arg11[%dma_wait3A_125] : memref<2x!tpu.dma_semaphore, #tpu.memory_space<semaphore_mem>> -> memref<1x!tpu.dma_semaphore, #tpu.memory_space<semaphore_mem>>
    %dma_wait3A_134 = tpu.memref_squeeze %dma_wait3A_133 : memref<1x!tpu.dma_semaphore, #tpu.memory_space<semaphore_mem>> -> memref<!tpu.dma_semaphore, #tpu.memory_space<semaphore_mem>>
    tpu.wait_indirect_dma semaphore(%dma_wait3A_134 : memref<!tpu.dma_semaphore, #tpu.memory_space<semaphore_mem>>) src(%dma_wait3A_132 : memref<100000xf32, #tpu.memory_space<hbm>>) dst(%dma_wait3A_127 : memref<128xf32, #tpu.memory_space<vmem>>)
    %scan3A = arith.constant 0 : i32
    %scan3A_135 = arith.constant 0 : i32
    %scan3A_136 = arith.constant 0 : i32
    %scan3A_137 = arith.constant 0 : i32
    %scan3A_138 = arith.constant 8 : i32
    %scan3A_139 = arith.addi %scan3A_137, %scan3A_138 : i32
    %scan3A_140 = arith.constant 1 : i32
    scf.for %scan3A_386 = %scan3A_137 to %scan3A_139 step %scan3A_140  : i32 {
      %iota3A = tpu.iota {dimensions = array<i32: 0>} : vector<16xi32>
      %mul3A_387 = arith.constant 16 : i32
      %mul3A_388 = arith.muli %scan3A_386, %mul3A_387 : i32
      %add3A_389 = vector.broadcast %mul3A_388 : i32 to vector<16xi32>
      %add3A_390 = arith.addi %add3A_389, %iota3A : vector<16xi32>
      %broadcast_in_dim3A = arith.constant 0.000000e+00 : f32
      %broadcast_in_dim3A_391 = vector.broadcast %broadcast_in_dim3A : f32 to vector<16xf32>
      %scan3A_392 = arith.constant 0 : i32
      %scan3A_393 = arith.constant 4 : i32
      %scan3A_394 = arith.addi %scan3A_392, %scan3A_393 : i32
      %scan3A_395 = arith.constant 1 : i32
      %scan3A_396:4 = scf.for %scan3A_410 = %scan3A_392 to %scan3A_394 step %scan3A_395 iter_args(%scan3A_411 = %broadcast_in_dim3A_391, %scan3A_412 = %broadcast_in_dim3A_391, %scan3A_413 = %broadcast_in_dim3A_391, %scan3A_414 = %broadcast_in_dim3A_391) -> (vector<16xf32>, vector<16xf32>, vector<16xf32>, vector<16xf32>)  : i32 {
        %mul3A_415 = arith.constant 4 : i32
        %mul3A_416 = arith.muli %scan3A_410, %mul3A_415 : i32
        %add3A_417 = arith.constant 0 : i32
        %add3A_418 = arith.addi %add3A_417, %mul3A_416 : i32
        %add3A_419 = arith.constant 0 : i32
        %add3A_420 = arith.addi %add3A_418, %add3A_419 : i32
        %add3A_421 = vector.broadcast %add3A_420 : i32 to vector<16xi32>
        %add3A_422 = arith.addi %add3A_421, %iota3A : vector<16xi32>
        %and3A = arith.constant 63 : i32
        %and3A_423 = vector.broadcast %and3A : i32 to vector<16xi32>
        %and3A_424 = arith.andi %add3A_422, %and3A_423 : vector<16xi32>
        %gather3A = arith.constant 0 : i32
        %gather3A_425 = arith.constant 0 : i32
        %gather3A_426 = tpu.memref_slice %arg7[%scan3A_135, %gather3A, %gather3A_425] : memref<2x128x128xf32, #tpu.memory_space<vmem>> -> memref<1x128x128xf32, #tpu.memory_space<vmem>>
        %gather3A_427 = tpu.memref_squeeze %gather3A_426 : memref<1x128x128xf32, #tpu.memory_space<vmem>> -> memref<128x128xf32, #tpu.memory_space<vmem>>
        %gather3A_428 = tpu.vector_load_idx %gather3A_427[%add3A_390, %and3A_424] : memref<128x128xf32, #tpu.memory_space<vmem>>[vector<16xi32>, vector<16xi32>], vector<16xf32>,
        %add3A_429 = arith.constant 64 : i32
        %add3A_430 = vector.broadcast %add3A_429 : i32 to vector<16xi32>
        %add3A_431 = arith.addi %and3A_424, %add3A_430 : vector<16xi32>
        %gather3A_432 = arith.constant 0 : i32
        %gather3A_433 = arith.constant 0 : i32
        %gather3A_434 = tpu.memref_slice %arg8[%scan3A_136, %gather3A_432, %gather3A_433] : memref<2x128x128xf32, #tpu.memory_space<vmem>> -> memref<1x128x128xf32, #tpu.memory_space<vmem>>
        %gather3A_435 = tpu.memref_squeeze %gather3A_434 : memref<1x128x128xf32, #tpu.memory_space<vmem>> -> memref<128x128xf32, #tpu.memory_space<vmem>>
        %gather3A_436 = tpu.vector_load_idx %gather3A_435[%add3A_390, %add3A_431] : memref<128x128xf32, #tpu.memory_space<vmem>>[vector<16xi32>, vector<16xi32>], vector<16xf32>,
        %mul3A_437 = arith.mulf %gather3A_428, %gather3A_436 : vector<16xf32>
        %add3A_438 = arith.addf %scan3A_411, %mul3A_437 : vector<16xf32>
        %mul3A_439 = arith.constant 4 : i32
        %mul3A_440 = arith.muli %scan3A_410, %mul3A_439 : i32
        %add3A_441 = arith.constant 0 : i32
        %add3A_442 = arith.addi %add3A_441, %mul3A_440 : i32
        %add3A_443 = arith.constant 1 : i32
        %add3A_444 = arith.addi %add3A_442, %add3A_443 : i32
        %add3A_445 = vector.broadcast %add3A_444 : i32 to vector<16xi32>
        %add3A_446 = arith.addi %add3A_445, %iota3A : vector<16xi32>
        %and3A_447 = arith.constant 63 : i32
        %and3A_448 = vector.broadcast %and3A_447 : i32 to vector<16xi32>
        %and3A_449 = arith.andi %add3A_446, %and3A_448 : vector<16xi32>
        %gather3A_450 = arith.constant 0 : i32
        %gather3A_451 = arith.constant 0 : i32
        %gather3A_452 = tpu.memref_slice %arg7[%scan3A_135, %gather3A_450, %gather3A_451] : memref<2x128x128xf32, #tpu.memory_space<vmem>> -> memref<1x128x128xf32, #tpu.memory_space<vmem>>
        %gather3A_453 = tpu.memref_squeeze %gather3A_452 : memref<1x128x128xf32, #tpu.memory_space<vmem>> -> memref<128x128xf32, #tpu.memory_space<vmem>>
        %gather3A_454 = tpu.vector_load_idx %gather3A_453[%add3A_390, %and3A_449] : memref<128x128xf32, #tpu.memory_space<vmem>>[vector<16xi32>, vector<16xi32>], vector<16xf32>,
        %add3A_455 = arith.constant 64 : i32
        %add3A_456 = vector.broadcast %add3A_455 : i32 to vector<16xi32>
        %add3A_457 = arith.addi %and3A_449, %add3A_456 : vector<16xi32>
        %gather3A_458 = arith.constant 0 : i32
        %gather3A_459 = arith.constant 0 : i32
        %gather3A_460 = tpu.memref_slice %arg8[%scan3A_136, %gather3A_458, %gather3A_459] : memref<2x128x128xf32, #tpu.memory_space<vmem>> -> memref<1x128x128xf32, #tpu.memory_space<vmem>>
        %gather3A_461 = tpu.memref_squeeze %gather3A_460 : memref<1x128x128xf32, #tpu.memory_space<vmem>> -> memref<128x128xf32, #tpu.memory_space<vmem>>
        %gather3A_462 = tpu.vector_load_idx %gather3A_461[%add3A_390, %add3A_457] : memref<128x128xf32, #tpu.memory_space<vmem>>[vector<16xi32>, vector<16xi32>], vector<16xf32>,
        %mul3A_463 = arith.mulf %gather3A_454, %gather3A_462 : vector<16xf32>
        %add3A_464 = arith.addf %add3A_438, %mul3A_463 : vector<16xf32>
        %mul3A_465 = arith.constant 4 : i32
        %mul3A_466 = arith.muli %scan3A_410, %mul3A_465 : i32
        %add3A_467 = arith.constant 0 : i32
        %add3A_468 = arith.addi %add3A_467, %mul3A_466 : i32
        %add3A_469 = arith.constant 2 : i32
        %add3A_470 = arith.addi %add3A_468, %add3A_469 : i32
        %add3A_471 = vector.broadcast %add3A_470 : i32 to vector<16xi32>
        %add3A_472 = arith.addi %add3A_471, %iota3A : vector<16xi32>
        %and3A_473 = arith.constant 63 : i32
        %and3A_474 = vector.broadcast %and3A_473 : i32 to vector<16xi32>
        %and3A_475 = arith.andi %add3A_472, %and3A_474 : vector<16xi32>
        %gather3A_476 = arith.constant 0 : i32
        %gather3A_477 = arith.constant 0 : i32
        %gather3A_478 = tpu.memref_slice %arg7[%scan3A_135, %gather3A_476, %gather3A_477] : memref<2x128x128xf32, #tpu.memory_space<vmem>> -> memref<1x128x128xf32, #tpu.memory_space<vmem>>
        %gather3A_479 = tpu.memref_squeeze %gather3A_478 : memref<1x128x128xf32, #tpu.memory_space<vmem>> -> memref<128x128xf32, #tpu.memory_space<vmem>>
        %gather3A_480 = tpu.vector_load_idx %gather3A_479[%add3A_390, %and3A_475] : memref<128x128xf32, #tpu.memory_space<vmem>>[vector<16xi32>, vector<16xi32>], vector<16xf32>,
        %add3A_481 = arith.constant 64 : i32
        %add3A_482 = vector.broadcast %add3A_481 : i32 to vector<16xi32>
        %add3A_483 = arith.addi %and3A_475, %add3A_482 : vector<16xi32>
        %gather3A_484 = arith.constant 0 : i32
        %gather3A_485 = arith.constant 0 : i32
        %gather3A_486 = tpu.memref_slice %arg8[%scan3A_136, %gather3A_484, %gather3A_485] : memref<2x128x128xf32, #tpu.memory_space<vmem>> -> memref<1x128x128xf32, #tpu.memory_space<vmem>>
        %gather3A_487 = tpu.memref_squeeze %gather3A_486 : memref<1x128x128xf32, #tpu.memory_space<vmem>> -> memref<128x128xf32, #tpu.memory_space<vmem>>
        %gather3A_488 = tpu.vector_load_idx %gather3A_487[%add3A_390, %add3A_483] : memref<128x128xf32, #tpu.memory_space<vmem>>[vector<16xi32>, vector<16xi32>], vector<16xf32>,
        %mul3A_489 = arith.mulf %gather3A_480, %gather3A_488 : vector<16xf32>
        %add3A_490 = arith.addf %add3A_464, %mul3A_489 : vector<16xf32>
        %mul3A_491 = arith.constant 4 : i32
        %mul3A_492 = arith.muli %scan3A_410, %mul3A_491 : i32
        %add3A_493 = arith.constant 0 : i32
        %add3A_494 = arith.addi %add3A_493, %mul3A_492 : i32
        %add3A_495 = arith.constant 3 : i32
        %add3A_496 = arith.addi %add3A_494, %add3A_495 : i32
        %add3A_497 = vector.broadcast %add3A_496 : i32 to vector<16xi32>
        %add3A_498 = arith.addi %add3A_497, %iota3A : vector<16xi32>
        %and3A_499 = arith.constant 63 : i32
        %and3A_500 = vector.broadcast %and3A_499 : i32 to vector<16xi32>
        %and3A_501 = arith.andi %add3A_498, %and3A_500 : vector<16xi32>
        %gather3A_502 = arith.constant 0 : i32
        %gather3A_503 = arith.constant 0 : i32
        %gather3A_504 = tpu.memref_slice %arg7[%scan3A_135, %gather3A_502, %gather3A_503] : memref<2x128x128xf32, #tpu.memory_space<vmem>> -> memref<1x128x128xf32, #tpu.memory_space<vmem>>
        %gather3A_505 = tpu.memref_squeeze %gather3A_504 : memref<1x128x128xf32, #tpu.memory_space<vmem>> -> memref<128x128xf32, #tpu.memory_space<vmem>>
        %gather3A_506 = tpu.vector_load_idx %gather3A_505[%add3A_390, %and3A_501] : memref<128x128xf32, #tpu.memory_space<vmem>>[vector<16xi32>, vector<16xi32>], vector<16xf32>,
        %add3A_507 = arith.constant 64 : i32
        %add3A_508 = vector.broadcast %add3A_507 : i32 to vector<16xi32>
        %add3A_509 = arith.addi %and3A_501, %add3A_508 : vector<16xi32>
        %gather3A_510 = arith.constant 0 : i32
        %gather3A_511 = arith.constant 0 : i32
        %gather3A_512 = tpu.memref_slice %arg8[%scan3A_136, %gather3A_510, %gather3A_511] : memref<2x128x128xf32, #tpu.memory_space<vmem>> -> memref<1x128x128xf32, #tpu.memory_space<vmem>>
        %gather3A_513 = tpu.memref_squeeze %gather3A_512 : memref<1x128x128xf32, #tpu.memory_space<vmem>> -> memref<128x128xf32, #tpu.memory_space<vmem>>
        %gather3A_514 = tpu.vector_load_idx %gather3A_513[%add3A_390, %add3A_509] : memref<128x128xf32, #tpu.memory_space<vmem>>[vector<16xi32>, vector<16xi32>], vector<16xf32>,
        %mul3A_515 = arith.mulf %gather3A_506, %gather3A_514 : vector<16xf32>
        %add3A_516 = arith.addf %add3A_490, %mul3A_515 : vector<16xf32>
        %mul3A_517 = arith.constant 4 : i32
        %mul3A_518 = arith.muli %scan3A_410, %mul3A_517 : i32
        %add3A_519 = arith.constant 16 : i32
        %add3A_520 = arith.addi %add3A_519, %mul3A_518 : i32
        %add3A_521 = arith.constant 0 : i32
        %add3A_522 = arith.addi %add3A_520, %add3A_521 : i32
        %add3A_523 = vector.broadcast %add3A_522 : i32 to vector<16xi32>
        %add3A_524 = arith.addi %add3A_523, %iota3A : vector<16xi32>
        %and3A_525 = arith.constant 63 : i32
        %and3A_526 = vector.broadcast %and3A_525 : i32 to vector<16xi32>
        %and3A_527 = arith.andi %add3A_524, %and3A_526 : vector<16xi32>
        %gather3A_528 = arith.constant 0 : i32
        %gather3A_529 = arith.constant 0 : i32
        %gather3A_530 = tpu.memref_slice %arg7[%scan3A_135, %gather3A_528, %gather3A_529] : memref<2x128x128xf32, #tpu.memory_space<vmem>> -> memref<1x128x128xf32, #tpu.memory_space<vmem>>
        %gather3A_531 = tpu.memref_squeeze %gather3A_530 : memref<1x128x128xf32, #tpu.memory_space<vmem>> -> memref<128x128xf32, #tpu.memory_space<vmem>>
        %gather3A_532 = tpu.vector_load_idx %gather3A_531[%add3A_390, %and3A_527] : memref<128x128xf32, #tpu.memory_space<vmem>>[vector<16xi32>, vector<16xi32>], vector<16xf32>,
        %add3A_533 = arith.constant 64 : i32
        %add3A_534 = vector.broadcast %add3A_533 : i32 to vector<16xi32>
        %add3A_535 = arith.addi %and3A_527, %add3A_534 : vector<16xi32>
        %gather3A_536 = arith.constant 0 : i32
        %gather3A_537 = arith.constant 0 : i32
        %gather3A_538 = tpu.memref_slice %arg8[%scan3A_136, %gather3A_536, %gather3A_537] : memref<2x128x128xf32, #tpu.memory_space<vmem>> -> memref<1x128x128xf32, #tpu.memory_space<vmem>>
        %gather3A_539 = tpu.memref_squeeze %gather3A_538 : memref<1x128x128xf32, #tpu.memory_space<vmem>> -> memref<128x128xf32, #tpu.memory_space<vmem>>
        %gather3A_540 = tpu.vector_load_idx %gather3A_539[%add3A_390, %add3A_535] : memref<128x128xf32, #tpu.memory_space<vmem>>[vector<16xi32>, vector<16xi32>], vector<16xf32>,
        %mul3A_541 = arith.mulf %gather3A_532, %gather3A_540 : vector<16xf32>
        %add3A_542 = arith.addf %scan3A_412, %mul3A_541 : vector<16xf32>
        %mul3A_543 = arith.constant 4 : i32
        %mul3A_544 = arith.muli %scan3A_410, %mul3A_543 : i32
        %add3A_545 = arith.constant 16 : i32
        %add3A_546 = arith.addi %add3A_545, %mul3A_544 : i32
        %add3A_547 = arith.constant 1 : i32
        %add3A_548 = arith.addi %add3A_546, %add3A_547 : i32
        %add3A_549 = vector.broadcast %add3A_548 : i32 to vector<16xi32>
        %add3A_550 = arith.addi %add3A_549, %iota3A : vector<16xi32>
        %and3A_551 = arith.constant 63 : i32
        %and3A_552 = vector.broadcast %and3A_551 : i32 to vector<16xi32>
        %and3A_553 = arith.andi %add3A_550, %and3A_552 : vector<16xi32>
        %gather3A_554 = arith.constant 0 : i32
        %gather3A_555 = arith.constant 0 : i32
        %gather3A_556 = tpu.memref_slice %arg7[%scan3A_135, %gather3A_554, %gather3A_555] : memref<2x128x128xf32, #tpu.memory_space<vmem>> -> memref<1x128x128xf32, #tpu.memory_space<vmem>>
        %gather3A_557 = tpu.memref_squeeze %gather3A_556 : memref<1x128x128xf32, #tpu.memory_space<vmem>> -> memref<128x128xf32, #tpu.memory_space<vmem>>
        %gather3A_558 = tpu.vector_load_idx %gather3A_557[%add3A_390, %and3A_553] : memref<128x128xf32, #tpu.memory_space<vmem>>[vector<16xi32>, vector<16xi32>], vector<16xf32>,
        %add3A_559 = arith.constant 64 : i32
        %add3A_560 = vector.broadcast %add3A_559 : i32 to vector<16xi32>
        %add3A_561 = arith.addi %and3A_553, %add3A_560 : vector<16xi32>
        %gather3A_562 = arith.constant 0 : i32
        %gather3A_563 = arith.constant 0 : i32
        %gather3A_564 = tpu.memref_slice %arg8[%scan3A_136, %gather3A_562, %gather3A_563] : memref<2x128x128xf32, #tpu.memory_space<vmem>> -> memref<1x128x128xf32, #tpu.memory_space<vmem>>
        %gather3A_565 = tpu.memref_squeeze %gather3A_564 : memref<1x128x128xf32, #tpu.memory_space<vmem>> -> memref<128x128xf32, #tpu.memory_space<vmem>>
        %gather3A_566 = tpu.vector_load_idx %gather3A_565[%add3A_390, %add3A_561] : memref<128x128xf32, #tpu.memory_space<vmem>>[vector<16xi32>, vector<16xi32>], vector<16xf32>,
        %mul3A_567 = arith.mulf %gather3A_558, %gather3A_566 : vector<16xf32>
        %add3A_568 = arith.addf %add3A_542, %mul3A_567 : vector<16xf32>
        %mul3A_569 = arith.constant 4 : i32
        %mul3A_570 = arith.muli %scan3A_410, %mul3A_569 : i32
        %add3A_571 = arith.constant 16 : i32
        %add3A_572 = arith.addi %add3A_571, %mul3A_570 : i32
        %add3A_573 = arith.constant 2 : i32
        %add3A_574 = arith.addi %add3A_572, %add3A_573 : i32
        %add3A_575 = vector.broadcast %add3A_574 : i32 to vector<16xi32>
        %add3A_576 = arith.addi %add3A_575, %iota3A : vector<16xi32>
        %and3A_577 = arith.constant 63 : i32
        %and3A_578 = vector.broadcast %and3A_577 : i32 to vector<16xi32>
        %and3A_579 = arith.andi %add3A_576, %and3A_578 : vector<16xi32>
        %gather3A_580 = arith.constant 0 : i32
        %gather3A_581 = arith.constant 0 : i32
        %gather3A_582 = tpu.memref_slice %arg7[%scan3A_135, %gather3A_580, %gather3A_581] : memref<2x128x128xf32, #tpu.memory_space<vmem>> -> memref<1x128x128xf32, #tpu.memory_space<vmem>>
        %gather3A_583 = tpu.memref_squeeze %gather3A_582 : memref<1x128x128xf32, #tpu.memory_space<vmem>> -> memref<128x128xf32, #tpu.memory_space<vmem>>
        %gather3A_584 = tpu.vector_load_idx %gather3A_583[%add3A_390, %and3A_579] : memref<128x128xf32, #tpu.memory_space<vmem>>[vector<16xi32>, vector<16xi32>], vector<16xf32>,
        %add3A_585 = arith.constant 64 : i32
        %add3A_586 = vector.broadcast %add3A_585 : i32 to vector<16xi32>
        %add3A_587 = arith.addi %and3A_579, %add3A_586 : vector<16xi32>
        %gather3A_588 = arith.constant 0 : i32
        %gather3A_589 = arith.constant 0 : i32
        %gather3A_590 = tpu.memref_slice %arg8[%scan3A_136, %gather3A_588, %gather3A_589] : memref<2x128x128xf32, #tpu.memory_space<vmem>> -> memref<1x128x128xf32, #tpu.memory_space<vmem>>
        %gather3A_591 = tpu.memref_squeeze %gather3A_590 : memref<1x128x128xf32, #tpu.memory_space<vmem>> -> memref<128x128xf32, #tpu.memory_space<vmem>>
        %gather3A_592 = tpu.vector_load_idx %gather3A_591[%add3A_390, %add3A_587] : memref<128x128xf32, #tpu.memory_space<vmem>>[vector<16xi32>, vector<16xi32>], vector<16xf32>,
        %mul3A_593 = arith.mulf %gather3A_584, %gather3A_592 : vector<16xf32>
        %add3A_594 = arith.addf %add3A_568, %mul3A_593 : vector<16xf32>
        %mul3A_595 = arith.constant 4 : i32
        %mul3A_596 = arith.muli %scan3A_410, %mul3A_595 : i32
        %add3A_597 = arith.constant 16 : i32
        %add3A_598 = arith.addi %add3A_597, %mul3A_596 : i32
        %add3A_599 = arith.constant 3 : i32
        %add3A_600 = arith.addi %add3A_598, %add3A_599 : i32
        %add3A_601 = vector.broadcast %add3A_600 : i32 to vector<16xi32>
        %add3A_602 = arith.addi %add3A_601, %iota3A : vector<16xi32>
        %and3A_603 = arith.constant 63 : i32
        %and3A_604 = vector.broadcast %and3A_603 : i32 to vector<16xi32>
        %and3A_605 = arith.andi %add3A_602, %and3A_604 : vector<16xi32>
        %gather3A_606 = arith.constant 0 : i32
        %gather3A_607 = arith.constant 0 : i32
        %gather3A_608 = tpu.memref_slice %arg7[%scan3A_135, %gather3A_606, %gather3A_607] : memref<2x128x128xf32, #tpu.memory_space<vmem>> -> memref<1x128x128xf32, #tpu.memory_space<vmem>>
        %gather3A_609 = tpu.memref_squeeze %gather3A_608 : memref<1x128x128xf32, #tpu.memory_space<vmem>> -> memref<128x128xf32, #tpu.memory_space<vmem>>
        %gather3A_610 = tpu.vector_load_idx %gather3A_609[%add3A_390, %and3A_605] : memref<128x128xf32, #tpu.memory_space<vmem>>[vector<16xi32>, vector<16xi32>], vector<16xf32>,
        %add3A_611 = arith.constant 64 : i32
        %add3A_612 = vector.broadcast %add3A_611 : i32 to vector<16xi32>
        %add3A_613 = arith.addi %and3A_605, %add3A_612 : vector<16xi32>
        %gather3A_614 = arith.constant 0 : i32
        %gather3A_615 = arith.constant 0 : i32
        %gather3A_616 = tpu.memref_slice %arg8[%scan3A_136, %gather3A_614, %gather3A_615] : memref<2x128x128xf32, #tpu.memory_space<vmem>> -> memref<1x128x128xf32, #tpu.memory_space<vmem>>
        %gather3A_617 = tpu.memref_squeeze %gather3A_616 : memref<1x128x128xf32, #tpu.memory_space<vmem>> -> memref<128x128xf32, #tpu.memory_space<vmem>>
        %gather3A_618 = tpu.vector_load_idx %gather3A_617[%add3A_390, %add3A_613] : memref<128x128xf32, #tpu.memory_space<vmem>>[vector<16xi32>, vector<16xi32>], vector<16xf32>,
        %mul3A_619 = arith.mulf %gather3A_610, %gather3A_618 : vector<16xf32>
        %add3A_620 = arith.addf %add3A_594, %mul3A_619 : vector<16xf32>
        %mul3A_621 = arith.constant 4 : i32
        %mul3A_622 = arith.muli %scan3A_410, %mul3A_621 : i32
        %add3A_623 = arith.constant 32 : i32
        %add3A_624 = arith.addi %add3A_623, %mul3A_622 : i32
        %add3A_625 = arith.constant 0 : i32
        %add3A_626 = arith.addi %add3A_624, %add3A_625 : i32
        %add3A_627 = vector.broadcast %add3A_626 : i32 to vector<16xi32>
        %add3A_628 = arith.addi %add3A_627, %iota3A : vector<16xi32>
        %and3A_629 = arith.constant 63 : i32
        %and3A_630 = vector.broadcast %and3A_629 : i32 to vector<16xi32>
        %and3A_631 = arith.andi %add3A_628, %and3A_630 : vector<16xi32>
        %gather3A_632 = arith.constant 0 : i32
        %gather3A_633 = arith.constant 0 : i32
        %gather3A_634 = tpu.memref_slice %arg7[%scan3A_135, %gather3A_632, %gather3A_633] : memref<2x128x128xf32, #tpu.memory_space<vmem>> -> memref<1x128x128xf32, #tpu.memory_space<vmem>>
        %gather3A_635 = tpu.memref_squeeze %gather3A_634 : memref<1x128x128xf32, #tpu.memory_space<vmem>> -> memref<128x128xf32, #tpu.memory_space<vmem>>
        %gather3A_636 = tpu.vector_load_idx %gather3A_635[%add3A_390, %and3A_631] : memref<128x128xf32, #tpu.memory_space<vmem>>[vector<16xi32>, vector<16xi32>], vector<16xf32>,
        %add3A_637 = arith.constant 64 : i32
        %add3A_638 = vector.broadcast %add3A_637 : i32 to vector<16xi32>
        %add3A_639 = arith.addi %and3A_631, %add3A_638 : vector<16xi32>
        %gather3A_640 = arith.constant 0 : i32
        %gather3A_641 = arith.constant 0 : i32
        %gather3A_642 = tpu.memref_slice %arg8[%scan3A_136, %gather3A_640, %gather3A_641] : memref<2x128x128xf32, #tpu.memory_space<vmem>> -> memref<1x128x128xf32, #tpu.memory_space<vmem>>
        %gather3A_643 = tpu.memref_squeeze %gather3A_642 : memref<1x128x128xf32, #tpu.memory_space<vmem>> -> memref<128x128xf32, #tpu.memory_space<vmem>>
        %gather3A_644 = tpu.vector_load_idx %gather3A_643[%add3A_390, %add3A_639] : memref<128x128xf32, #tpu.memory_space<vmem>>[vector<16xi32>, vector<16xi32>], vector<16xf32>,
        %mul3A_645 = arith.mulf %gather3A_636, %gather3A_644 : vector<16xf32>
        %add3A_646 = arith.addf %scan3A_413, %mul3A_645 : vector<16xf32>
        %mul3A_647 = arith.constant 4 : i32
        %mul3A_648 = arith.muli %scan3A_410, %mul3A_647 : i32
        %add3A_649 = arith.constant 32 : i32
        %add3A_650 = arith.addi %add3A_649, %mul3A_648 : i32
        %add3A_651 = arith.constant 1 : i32
        %add3A_652 = arith.addi %add3A_650, %add3A_651 : i32
        %add3A_653 = vector.broadcast %add3A_652 : i32 to vector<16xi32>
        %add3A_654 = arith.addi %add3A_653, %iota3A : vector<16xi32>
        %and3A_655 = arith.constant 63 : i32
        %and3A_656 = vector.broadcast %and3A_655 : i32 to vector<16xi32>
        %and3A_657 = arith.andi %add3A_654, %and3A_656 : vector<16xi32>
        %gather3A_658 = arith.constant 0 : i32
        %gather3A_659 = arith.constant 0 : i32
        %gather3A_660 = tpu.memref_slice %arg7[%scan3A_135, %gather3A_658, %gather3A_659] : memref<2x128x128xf32, #tpu.memory_space<vmem>> -> memref<1x128x128xf32, #tpu.memory_space<vmem>>
        %gather3A_661 = tpu.memref_squeeze %gather3A_660 : memref<1x128x128xf32, #tpu.memory_space<vmem>> -> memref<128x128xf32, #tpu.memory_space<vmem>>
        %gather3A_662 = tpu.vector_load_idx %gather3A_661[%add3A_390, %and3A_657] : memref<128x128xf32, #tpu.memory_space<vmem>>[vector<16xi32>, vector<16xi32>], vector<16xf32>,
        %add3A_663 = arith.constant 64 : i32
        %add3A_664 = vector.broadcast %add3A_663 : i32 to vector<16xi32>
        %add3A_665 = arith.addi %and3A_657, %add3A_664 : vector<16xi32>
        %gather3A_666 = arith.constant 0 : i32
        %gather3A_667 = arith.constant 0 : i32
        %gather3A_668 = tpu.memref_slice %arg8[%scan3A_136, %gather3A_666, %gather3A_667] : memref<2x128x128xf32, #tpu.memory_space<vmem>> -> memref<1x128x128xf32, #tpu.memory_space<vmem>>
        %gather3A_669 = tpu.memref_squeeze %gather3A_668 : memref<1x128x128xf32, #tpu.memory_space<vmem>> -> memref<128x128xf32, #tpu.memory_space<vmem>>
        %gather3A_670 = tpu.vector_load_idx %gather3A_669[%add3A_390, %add3A_665] : memref<128x128xf32, #tpu.memory_space<vmem>>[vector<16xi32>, vector<16xi32>], vector<16xf32>,
        %mul3A_671 = arith.mulf %gather3A_662, %gather3A_670 : vector<16xf32>
        %add3A_672 = arith.addf %add3A_646, %mul3A_671 : vector<16xf32>
        %mul3A_673 = arith.constant 4 : i32
        %mul3A_674 = arith.muli %scan3A_410, %mul3A_673 : i32
        %add3A_675 = arith.constant 32 : i32
        %add3A_676 = arith.addi %add3A_675, %mul3A_674 : i32
        %add3A_677 = arith.constant 2 : i32
        %add3A_678 = arith.addi %add3A_676, %add3A_677 : i32
        %add3A_679 = vector.broadcast %add3A_678 : i32 to vector<16xi32>
        %add3A_680 = arith.addi %add3A_679, %iota3A : vector<16xi32>
        %and3A_681 = arith.constant 63 : i32
        %and3A_682 = vector.broadcast %and3A_681 : i32 to vector<16xi32>
        %and3A_683 = arith.andi %add3A_680, %and3A_682 : vector<16xi32>
        %gather3A_684 = arith.constant 0 : i32
        %gather3A_685 = arith.constant 0 : i32
        %gather3A_686 = tpu.memref_slice %arg7[%scan3A_135, %gather3A_684, %gather3A_685] : memref<2x128x128xf32, #tpu.memory_space<vmem>> -> memref<1x128x128xf32, #tpu.memory_space<vmem>>
        %gather3A_687 = tpu.memref_squeeze %gather3A_686 : memref<1x128x128xf32, #tpu.memory_space<vmem>> -> memref<128x128xf32, #tpu.memory_space<vmem>>
        %gather3A_688 = tpu.vector_load_idx %gather3A_687[%add3A_390, %and3A_683] : memref<128x128xf32, #tpu.memory_space<vmem>>[vector<16xi32>, vector<16xi32>], vector<16xf32>,
        %add3A_689 = arith.constant 64 : i32
        %add3A_690 = vector.broadcast %add3A_689 : i32 to vector<16xi32>
        %add3A_691 = arith.addi %and3A_683, %add3A_690 : vector<16xi32>
        %gather3A_692 = arith.constant 0 : i32
        %gather3A_693 = arith.constant 0 : i32
        %gather3A_694 = tpu.memref_slice %arg8[%scan3A_136, %gather3A_692, %gather3A_693] : memref<2x128x128xf32, #tpu.memory_space<vmem>> -> memref<1x128x128xf32, #tpu.memory_space<vmem>>
        %gather3A_695 = tpu.memref_squeeze %gather3A_694 : memref<1x128x128xf32, #tpu.memory_space<vmem>> -> memref<128x128xf32, #tpu.memory_space<vmem>>
        %gather3A_696 = tpu.vector_load_idx %gather3A_695[%add3A_390, %add3A_691] : memref<128x128xf32, #tpu.memory_space<vmem>>[vector<16xi32>, vector<16xi32>], vector<16xf32>,
        %mul3A_697 = arith.mulf %gather3A_688, %gather3A_696 : vector<16xf32>
        %add3A_698 = arith.addf %add3A_672, %mul3A_697 : vector<16xf32>
        %mul3A_699 = arith.constant 4 : i32
        %mul3A_700 = arith.muli %scan3A_410, %mul3A_699 : i32
        %add3A_701 = arith.constant 32 : i32
        %add3A_702 = arith.addi %add3A_701, %mul3A_700 : i32
        %add3A_703 = arith.constant 3 : i32
        %add3A_704 = arith.addi %add3A_702, %add3A_703 : i32
        %add3A_705 = vector.broadcast %add3A_704 : i32 to vector<16xi32>
        %add3A_706 = arith.addi %add3A_705, %iota3A : vector<16xi32>
        %and3A_707 = arith.constant 63 : i32
        %and3A_708 = vector.broadcast %and3A_707 : i32 to vector<16xi32>
        %and3A_709 = arith.andi %add3A_706, %and3A_708 : vector<16xi32>
        %gather3A_710 = arith.constant 0 : i32
        %gather3A_711 = arith.constant 0 : i32
        %gather3A_712 = tpu.memref_slice %arg7[%scan3A_135, %gather3A_710, %gather3A_711] : memref<2x128x128xf32, #tpu.memory_space<vmem>> -> memref<1x128x128xf32, #tpu.memory_space<vmem>>
        %gather3A_713 = tpu.memref_squeeze %gather3A_712 : memref<1x128x128xf32, #tpu.memory_space<vmem>> -> memref<128x128xf32, #tpu.memory_space<vmem>>
        %gather3A_714 = tpu.vector_load_idx %gather3A_713[%add3A_390, %and3A_709] : memref<128x128xf32, #tpu.memory_space<vmem>>[vector<16xi32>, vector<16xi32>], vector<16xf32>,
        %add3A_715 = arith.constant 64 : i32
        %add3A_716 = vector.broadcast %add3A_715 : i32 to vector<16xi32>
        %add3A_717 = arith.addi %and3A_709, %add3A_716 : vector<16xi32>
        %gather3A_718 = arith.constant 0 : i32
        %gather3A_719 = arith.constant 0 : i32
        %gather3A_720 = tpu.memref_slice %arg8[%scan3A_136, %gather3A_718, %gather3A_719] : memref<2x128x128xf32, #tpu.memory_space<vmem>> -> memref<1x128x128xf32, #tpu.memory_space<vmem>>
        %gather3A_721 = tpu.memref_squeeze %gather3A_720 : memref<1x128x128xf32, #tpu.memory_space<vmem>> -> memref<128x128xf32, #tpu.memory_space<vmem>>
        %gather3A_722 = tpu.vector_load_idx %gather3A_721[%add3A_390, %add3A_717] : memref<128x128xf32, #tpu.memory_space<vmem>>[vector<16xi32>, vector<16xi32>], vector<16xf32>,
        %mul3A_723 = arith.mulf %gather3A_714, %gather3A_722 : vector<16xf32>
        %add3A_724 = arith.addf %add3A_698, %mul3A_723 : vector<16xf32>
        %mul3A_725 = arith.constant 4 : i32
        %mul3A_726 = arith.muli %scan3A_410, %mul3A_725 : i32
        %add3A_727 = arith.constant 48 : i32
        %add3A_728 = arith.addi %add3A_727, %mul3A_726 : i32
        %add3A_729 = arith.constant 0 : i32
        %add3A_730 = arith.addi %add3A_728, %add3A_729 : i32
        %add3A_731 = vector.broadcast %add3A_730 : i32 to vector<16xi32>
        %add3A_732 = arith.addi %add3A_731, %iota3A : vector<16xi32>
        %and3A_733 = arith.constant 63 : i32
        %and3A_734 = vector.broadcast %and3A_733 : i32 to vector<16xi32>
        %and3A_735 = arith.andi %add3A_732, %and3A_734 : vector<16xi32>
        %gather3A_736 = arith.constant 0 : i32
        %gather3A_737 = arith.constant 0 : i32
        %gather3A_738 = tpu.memref_slice %arg7[%scan3A_135, %gather3A_736, %gather3A_737] : memref<2x128x128xf32, #tpu.memory_space<vmem>> -> memref<1x128x128xf32, #tpu.memory_space<vmem>>
        %gather3A_739 = tpu.memref_squeeze %gather3A_738 : memref<1x128x128xf32, #tpu.memory_space<vmem>> -> memref<128x128xf32, #tpu.memory_space<vmem>>
        %gather3A_740 = tpu.vector_load_idx %gather3A_739[%add3A_390, %and3A_735] : memref<128x128xf32, #tpu.memory_space<vmem>>[vector<16xi32>, vector<16xi32>], vector<16xf32>,
        %add3A_741 = arith.constant 64 : i32
        %add3A_742 = vector.broadcast %add3A_741 : i32 to vector<16xi32>
        %add3A_743 = arith.addi %and3A_735, %add3A_742 : vector<16xi32>
        %gather3A_744 = arith.constant 0 : i32
        %gather3A_745 = arith.constant 0 : i32
        %gather3A_746 = tpu.memref_slice %arg8[%scan3A_136, %gather3A_744, %gather3A_745] : memref<2x128x128xf32, #tpu.memory_space<vmem>> -> memref<1x128x128xf32, #tpu.memory_space<vmem>>
        %gather3A_747 = tpu.memref_squeeze %gather3A_746 : memref<1x128x128xf32, #tpu.memory_space<vmem>> -> memref<128x128xf32, #tpu.memory_space<vmem>>
        %gather3A_748 = tpu.vector_load_idx %gather3A_747[%add3A_390, %add3A_743] : memref<128x128xf32, #tpu.memory_space<vmem>>[vector<16xi32>, vector<16xi32>], vector<16xf32>,
        %mul3A_749 = arith.mulf %gather3A_740, %gather3A_748 : vector<16xf32>
        %add3A_750 = arith.addf %scan3A_414, %mul3A_749 : vector<16xf32>
        %mul3A_751 = arith.constant 4 : i32
        %mul3A_752 = arith.muli %scan3A_410, %mul3A_751 : i32
        %add3A_753 = arith.constant 48 : i32
        %add3A_754 = arith.addi %add3A_753, %mul3A_752 : i32
        %add3A_755 = arith.constant 1 : i32
        %add3A_756 = arith.addi %add3A_754, %add3A_755 : i32
        %add3A_757 = vector.broadcast %add3A_756 : i32 to vector<16xi32>
        %add3A_758 = arith.addi %add3A_757, %iota3A : vector<16xi32>
        %and3A_759 = arith.constant 63 : i32
        %and3A_760 = vector.broadcast %and3A_759 : i32 to vector<16xi32>
        %and3A_761 = arith.andi %add3A_758, %and3A_760 : vector<16xi32>
        %gather3A_762 = arith.constant 0 : i32
        %gather3A_763 = arith.constant 0 : i32
        %gather3A_764 = tpu.memref_slice %arg7[%scan3A_135, %gather3A_762, %gather3A_763] : memref<2x128x128xf32, #tpu.memory_space<vmem>> -> memref<1x128x128xf32, #tpu.memory_space<vmem>>
        %gather3A_765 = tpu.memref_squeeze %gather3A_764 : memref<1x128x128xf32, #tpu.memory_space<vmem>> -> memref<128x128xf32, #tpu.memory_space<vmem>>
        %gather3A_766 = tpu.vector_load_idx %gather3A_765[%add3A_390, %and3A_761] : memref<128x128xf32, #tpu.memory_space<vmem>>[vector<16xi32>, vector<16xi32>], vector<16xf32>,
        %add3A_767 = arith.constant 64 : i32
        %add3A_768 = vector.broadcast %add3A_767 : i32 to vector<16xi32>
        %add3A_769 = arith.addi %and3A_761, %add3A_768 : vector<16xi32>
        %gather3A_770 = arith.constant 0 : i32
        %gather3A_771 = arith.constant 0 : i32
        %gather3A_772 = tpu.memref_slice %arg8[%scan3A_136, %gather3A_770, %gather3A_771] : memref<2x128x128xf32, #tpu.memory_space<vmem>> -> memref<1x128x128xf32, #tpu.memory_space<vmem>>
        %gather3A_773 = tpu.memref_squeeze %gather3A_772 : memref<1x128x128xf32, #tpu.memory_space<vmem>> -> memref<128x128xf32, #tpu.memory_space<vmem>>
        %gather3A_774 = tpu.vector_load_idx %gather3A_773[%add3A_390, %add3A_769] : memref<128x128xf32, #tpu.memory_space<vmem>>[vector<16xi32>, vector<16xi32>], vector<16xf32>,
        %mul3A_775 = arith.mulf %gather3A_766, %gather3A_774 : vector<16xf32>
        %add3A_776 = arith.addf %add3A_750, %mul3A_775 : vector<16xf32>
        %mul3A_777 = arith.constant 4 : i32
        %mul3A_778 = arith.muli %scan3A_410, %mul3A_777 : i32
        %add3A_779 = arith.constant 48 : i32
        %add3A_780 = arith.addi %add3A_779, %mul3A_778 : i32
        %add3A_781 = arith.constant 2 : i32
        %add3A_782 = arith.addi %add3A_780, %add3A_781 : i32
        %add3A_783 = vector.broadcast %add3A_782 : i32 to vector<16xi32>
        %add3A_784 = arith.addi %add3A_783, %iota3A : vector<16xi32>
        %and3A_785 = arith.constant 63 : i32
        %and3A_786 = vector.broadcast %and3A_785 : i32 to vector<16xi32>
        %and3A_787 = arith.andi %add3A_784, %and3A_786 : vector<16xi32>
        %gather3A_788 = arith.constant 0 : i32
        %gather3A_789 = arith.constant 0 : i32
        %gather3A_790 = tpu.memref_slice %arg7[%scan3A_135, %gather3A_788, %gather3A_789] : memref<2x128x128xf32, #tpu.memory_space<vmem>> -> memref<1x128x128xf32, #tpu.memory_space<vmem>>
        %gather3A_791 = tpu.memref_squeeze %gather3A_790 : memref<1x128x128xf32, #tpu.memory_space<vmem>> -> memref<128x128xf32, #tpu.memory_space<vmem>>
        %gather3A_792 = tpu.vector_load_idx %gather3A_791[%add3A_390, %and3A_787] : memref<128x128xf32, #tpu.memory_space<vmem>>[vector<16xi32>, vector<16xi32>], vector<16xf32>,
        %add3A_793 = arith.constant 64 : i32
        %add3A_794 = vector.broadcast %add3A_793 : i32 to vector<16xi32>
        %add3A_795 = arith.addi %and3A_787, %add3A_794 : vector<16xi32>
        %gather3A_796 = arith.constant 0 : i32
        %gather3A_797 = arith.constant 0 : i32
        %gather3A_798 = tpu.memref_slice %arg8[%scan3A_136, %gather3A_796, %gather3A_797] : memref<2x128x128xf32, #tpu.memory_space<vmem>> -> memref<1x128x128xf32, #tpu.memory_space<vmem>>
        %gather3A_799 = tpu.memref_squeeze %gather3A_798 : memref<1x128x128xf32, #tpu.memory_space<vmem>> -> memref<128x128xf32, #tpu.memory_space<vmem>>
        %gather3A_800 = tpu.vector_load_idx %gather3A_799[%add3A_390, %add3A_795] : memref<128x128xf32, #tpu.memory_space<vmem>>[vector<16xi32>, vector<16xi32>], vector<16xf32>,
        %mul3A_801 = arith.mulf %gather3A_792, %gather3A_800 : vector<16xf32>
        %add3A_802 = arith.addf %add3A_776, %mul3A_801 : vector<16xf32>
        %mul3A_803 = arith.constant 4 : i32
        %mul3A_804 = arith.muli %scan3A_410, %mul3A_803 : i32
        %add3A_805 = arith.constant 48 : i32
        %add3A_806 = arith.addi %add3A_805, %mul3A_804 : i32
        %add3A_807 = arith.constant 3 : i32
        %add3A_808 = arith.addi %add3A_806, %add3A_807 : i32
        %add3A_809 = vector.broadcast %add3A_808 : i32 to vector<16xi32>
        %add3A_810 = arith.addi %add3A_809, %iota3A : vector<16xi32>
        %and3A_811 = arith.constant 63 : i32
        %and3A_812 = vector.broadcast %and3A_811 : i32 to vector<16xi32>
        %and3A_813 = arith.andi %add3A_810, %and3A_812 : vector<16xi32>
        %gather3A_814 = arith.constant 0 : i32
        %gather3A_815 = arith.constant 0 : i32
        %gather3A_816 = tpu.memref_slice %arg7[%scan3A_135, %gather3A_814, %gather3A_815] : memref<2x128x128xf32, #tpu.memory_space<vmem>> -> memref<1x128x128xf32, #tpu.memory_space<vmem>>
        %gather3A_817 = tpu.memref_squeeze %gather3A_816 : memref<1x128x128xf32, #tpu.memory_space<vmem>> -> memref<128x128xf32, #tpu.memory_space<vmem>>
        %gather3A_818 = tpu.vector_load_idx %gather3A_817[%add3A_390, %and3A_813] : memref<128x128xf32, #tpu.memory_space<vmem>>[vector<16xi32>, vector<16xi32>], vector<16xf32>,
        %add3A_819 = arith.constant 64 : i32
        %add3A_820 = vector.broadcast %add3A_819 : i32 to vector<16xi32>
        %add3A_821 = arith.addi %and3A_813, %add3A_820 : vector<16xi32>
        %gather3A_822 = arith.constant 0 : i32
        %gather3A_823 = arith.constant 0 : i32
        %gather3A_824 = tpu.memref_slice %arg8[%scan3A_136, %gather3A_822, %gather3A_823] : memref<2x128x128xf32, #tpu.memory_space<vmem>> -> memref<1x128x128xf32, #tpu.memory_space<vmem>>
        %gather3A_825 = tpu.memref_squeeze %gather3A_824 : memref<1x128x128xf32, #tpu.memory_space<vmem>> -> memref<128x128xf32, #tpu.memory_space<vmem>>
        %gather3A_826 = tpu.vector_load_idx %gather3A_825[%add3A_390, %add3A_821] : memref<128x128xf32, #tpu.memory_space<vmem>>[vector<16xi32>, vector<16xi32>], vector<16xf32>,
        %mul3A_827 = arith.mulf %gather3A_818, %gather3A_826 : vector<16xf32>
        %add3A_828 = arith.addf %add3A_802, %mul3A_827 : vector<16xf32>
        scf.yield %add3A_516, %add3A_620, %add3A_724, %add3A_828 : vector<16xf32>, vector<16xf32>, vector<16xf32>, vector<16xf32>
      }
      %scan3A_397 = arith.constant 4 : i32
      %mul3A_398 = arith.constant 16 : i32
      %mul3A_399 = arith.muli %scan3A_386, %mul3A_398 : i32
      %add3A_400 = arith.constant 0 : i32
      %add3A_401 = arith.addi %add3A_400, %mul3A_399 : i32
      %multiple_of3A = tpu.assume_multiple %add3A_401, 16 : i32
      %get3A = arith.index_cast %multiple_of3A : i32 to index
      %get3A_402 = tpu.vector_load %arg9[%get3A] {strides = array<i32>} : memref<512xf32, #tpu.memory_space<vmem>>, vector<16xf32>,
      %add3A_403 = arith.addf %scan3A_396#0, %scan3A_396#1 : vector<16xf32>
      %add3A_404 = arith.addf %scan3A_396#2, %scan3A_396#3 : vector<16xf32>
      %add3A_405 = arith.addf %add3A_403, %add3A_404 : vector<16xf32>
      %add3A_406 = arith.addf %get3A_402, %get3A_402 : vector<16xf32>
      %add3A_407 = arith.addf %add3A_405, %add3A_406 : vector<16xf32>
      %multiple_of3A_408 = tpu.assume_multiple %add3A_401, 16 : i32
      %swap3A = arith.index_cast %multiple_of3A_408 : i32 to index
      %swap3A_409 = tpu.vector_load %arg10[%swap3A] {strides = array<i32>} : memref<512xf32, #tpu.memory_space<vmem>>, vector<16xf32>,
      tpu.vector_store %arg10[%swap3A], %add3A_407 {strides = array<i32>} : memref<512xf32, #tpu.memory_space<vmem>>, vector<16xf32>,
    }
    %scan3A_141 = arith.constant 8 : i32
    %dma_start3A_142 = arith.constant 2 : i32
    %dma_start3A_143 = arith.constant 0 : i32
    %dma_start3A_144 = arith.constant 0 : i32
    %dma_start3A_145 = arith.constant 0 : i32
    %dma_start3A_146 = arith.constant 0 : i32
    %dma_start3A_147 = arith.constant 0 : i32
    %dma_start3A_148 = tpu.memref_slice %arg7[%dma_start3A_144, %dma_start3A_146, %dma_start3A_147] : memref<2x128x128xf32, #tpu.memory_space<vmem>> -> memref<1x128x128xf32, #tpu.memory_space<vmem>>
    %dma_start3A_149 = tpu.memref_squeeze %dma_start3A_148 : memref<1x128x128xf32, #tpu.memory_space<vmem>> -> memref<128x128xf32, #tpu.memory_space<vmem>>
    %dma_start3A_150 = arith.constant 0 : i32
    %dma_start3A_151 = tpu.memref_slice %arg6[%dma_start3A_142, %dma_start3A_143, %dma_start3A_150] : memref<4x2x128xi32, #tpu.memory_space<vmem>> -> memref<1x1x128xi32, #tpu.memory_space<vmem>>
    %dma_start3A_152 = tpu.memref_squeeze %dma_start3A_151 : memref<1x1x128xi32, #tpu.memory_space<vmem>> -> memref<128xi32, #tpu.memory_space<vmem>>
    %dma_start3A_153 = arith.constant 0 : i32
    %dma_start3A_154 = arith.constant 0 : i32
    %dma_start3A_155 = tpu.memref_slice %arg3[%dma_start3A_153, %dma_start3A_154] : memref<106496x128xf32, #tpu.memory_space<hbm>> -> memref<106496x128xf32, #tpu.memory_space<hbm>>
    %dma_start3A_156 = tpu.memref_slice %arg11[%dma_start3A_145] : memref<2x!tpu.dma_semaphore, #tpu.memory_space<semaphore_mem>> -> memref<1x!tpu.dma_semaphore, #tpu.memory_space<semaphore_mem>>
    %dma_start3A_157 = tpu.memref_squeeze %dma_start3A_156 : memref<1x!tpu.dma_semaphore, #tpu.memory_space<semaphore_mem>> -> memref<!tpu.dma_semaphore, #tpu.memory_space<semaphore_mem>>
    tpu.enqueue_indirect_dma source(%dma_start3A_155 : memref<106496x128xf32, #tpu.memory_space<hbm>>) target(%dma_start3A_149 : memref<128x128xf32, #tpu.memory_space<vmem>>) offsets(%dma_start3A_152 : memref<128xi32, #tpu.memory_space<vmem>>) semaphore(%dma_start3A_157 : memref<!tpu.dma_semaphore, #tpu.memory_space<semaphore_mem>>)
    %dma_start3A_158 = arith.constant 2 : i32
    %dma_start3A_159 = arith.constant 1 : i32
    %dma_start3A_160 = arith.constant 0 : i32
    %dma_start3A_161 = arith.constant 0 : i32
    %dma_start3A_162 = arith.constant 0 : i32
    %dma_start3A_163 = arith.constant 0 : i32
    %dma_start3A_164 = tpu.memref_slice %arg8[%dma_start3A_160, %dma_start3A_162, %dma_start3A_163] : memref<2x128x128xf32, #tpu.memory_space<vmem>> -> memref<1x128x128xf32, #tpu.memory_space<vmem>>
    %dma_start3A_165 = tpu.memref_squeeze %dma_start3A_164 : memref<1x128x128xf32, #tpu.memory_space<vmem>> -> memref<128x128xf32, #tpu.memory_space<vmem>>
    %dma_start3A_166 = arith.constant 0 : i32
    %dma_start3A_167 = tpu.memref_slice %arg6[%dma_start3A_158, %dma_start3A_159, %dma_start3A_166] : memref<4x2x128xi32, #tpu.memory_space<vmem>> -> memref<1x1x128xi32, #tpu.memory_space<vmem>>
    %dma_start3A_168 = tpu.memref_squeeze %dma_start3A_167 : memref<1x1x128xi32, #tpu.memory_space<vmem>> -> memref<128xi32, #tpu.memory_space<vmem>>
    %dma_start3A_169 = arith.constant 0 : i32
    %dma_start3A_170 = arith.constant 0 : i32
    %dma_start3A_171 = tpu.memref_slice %arg3[%dma_start3A_169, %dma_start3A_170] : memref<106496x128xf32, #tpu.memory_space<hbm>> -> memref<106496x128xf32, #tpu.memory_space<hbm>>
    %dma_start3A_172 = tpu.memref_slice %arg11[%dma_start3A_161] : memref<2x!tpu.dma_semaphore, #tpu.memory_space<semaphore_mem>> -> memref<1x!tpu.dma_semaphore, #tpu.memory_space<semaphore_mem>>
    %dma_start3A_173 = tpu.memref_squeeze %dma_start3A_172 : memref<1x!tpu.dma_semaphore, #tpu.memory_space<semaphore_mem>> -> memref<!tpu.dma_semaphore, #tpu.memory_space<semaphore_mem>>
    tpu.enqueue_indirect_dma source(%dma_start3A_171 : memref<106496x128xf32, #tpu.memory_space<hbm>>) target(%dma_start3A_165 : memref<128x128xf32, #tpu.memory_space<vmem>>) offsets(%dma_start3A_168 : memref<128xi32, #tpu.memory_space<vmem>>) semaphore(%dma_start3A_173 : memref<!tpu.dma_semaphore, #tpu.memory_space<semaphore_mem>>)
    %dma_start3A_174 = arith.constant 2 : i32
    %dma_start3A_175 = arith.constant 0 : i32
    %dma_start3A_176 = arith.constant 0 : i32
    %dma_start3A_177 = arith.constant 256 : i32
    %dma_start3A_178 = tpu.memref_slice %arg9[%dma_start3A_177] : memref<512xf32, #tpu.memory_space<vmem>> -> memref<128xf32, #tpu.memory_space<vmem>>
    %dma_start3A_179 = arith.constant 0 : i32
    %dma_start3A_180 = tpu.memref_slice %arg6[%dma_start3A_174, %dma_start3A_175, %dma_start3A_179] : memref<4x2x128xi32, #tpu.memory_space<vmem>> -> memref<1x1x128xi32, #tpu.memory_space<vmem>>
    %dma_start3A_181 = tpu.memref_squeeze %dma_start3A_180 : memref<1x1x128xi32, #tpu.memory_space<vmem>> -> memref<128xi32, #tpu.memory_space<vmem>>
    %dma_start3A_182 = arith.constant 0 : i32
    %dma_start3A_183 = tpu.memref_slice %arg4[%dma_start3A_182] : memref<100000xf32, #tpu.memory_space<hbm>> -> memref<100000xf32, #tpu.memory_space<hbm>>
    %dma_start3A_184 = tpu.memref_slice %arg11[%dma_start3A_176] : memref<2x!tpu.dma_semaphore, #tpu.memory_space<semaphore_mem>> -> memref<1x!tpu.dma_semaphore, #tpu.memory_space<semaphore_mem>>
    %dma_start3A_185 = tpu.memref_squeeze %dma_start3A_184 : memref<1x!tpu.dma_semaphore, #tpu.memory_space<semaphore_mem>> -> memref<!tpu.dma_semaphore, #tpu.memory_space<semaphore_mem>>
    tpu.enqueue_indirect_dma source(%dma_start3A_183 : memref<100000xf32, #tpu.memory_space<hbm>>) target(%dma_start3A_178 : memref<128xf32, #tpu.memory_space<vmem>>) offsets(%dma_start3A_181 : memref<128xi32, #tpu.memory_space<vmem>>) semaphore(%dma_start3A_185 : memref<!tpu.dma_semaphore, #tpu.memory_space<semaphore_mem>>)
    %dma_wait3A_186 = arith.constant 1 : i32
    %dma_wait3A_187 = arith.constant 0 : i32
    %dma_wait3A_188 = arith.constant 1 : i32
    %dma_wait3A_189 = arith.constant 1 : i32
    %dma_wait3A_190 = arith.constant 0 : i32
    %dma_wait3A_191 = arith.constant 0 : i32
    %dma_wait3A_192 = tpu.memref_slice %arg7[%dma_wait3A_188, %dma_wait3A_190, %dma_wait3A_191] : memref<2x128x128xf32, #tpu.memory_space<vmem>> -> memref<1x128x128xf32, #tpu.memory_space<vmem>>
    %dma_wait3A_193 = tpu.memref_squeeze %dma_wait3A_192 : memref<1x128x128xf32, #tpu.memory_space<vmem>> -> memref<128x128xf32, #tpu.memory_space<vmem>>
    %dma_wait3A_194 = arith.constant 0 : i32
    %dma_wait3A_195 = tpu.memref_slice %arg6[%dma_wait3A_186, %dma_wait3A_187, %dma_wait3A_194] : memref<4x2x128xi32, #tpu.memory_space<vmem>> -> memref<1x1x128xi32, #tpu.memory_space<vmem>>
    %dma_wait3A_196 = tpu.memref_squeeze %dma_wait3A_195 : memref<1x1x128xi32, #tpu.memory_space<vmem>> -> memref<128xi32, #tpu.memory_space<vmem>>
    %dma_wait3A_197 = arith.constant 0 : i32
    %dma_wait3A_198 = arith.constant 0 : i32
    %dma_wait3A_199 = tpu.memref_slice %arg3[%dma_wait3A_197, %dma_wait3A_198] : memref<106496x128xf32, #tpu.memory_space<hbm>> -> memref<106496x128xf32, #tpu.memory_space<hbm>>
    %dma_wait3A_200 = tpu.memref_slice %arg11[%dma_wait3A_189] : memref<2x!tpu.dma_semaphore, #tpu.memory_space<semaphore_mem>> -> memref<1x!tpu.dma_semaphore, #tpu.memory_space<semaphore_mem>>
    %dma_wait3A_201 = tpu.memref_squeeze %dma_wait3A_200 : memref<1x!tpu.dma_semaphore, #tpu.memory_space<semaphore_mem>> -> memref<!tpu.dma_semaphore, #tpu.memory_space<semaphore_mem>>
    tpu.wait_indirect_dma semaphore(%dma_wait3A_201 : memref<!tpu.dma_semaphore, #tpu.memory_space<semaphore_mem>>) src(%dma_wait3A_199 : memref<106496x128xf32, #tpu.memory_space<hbm>>) dst(%dma_wait3A_193 : memref<128x128xf32, #tpu.memory_space<vmem>>)
    %dma_wait3A_202 = arith.constant 1 : i32
    %dma_wait3A_203 = arith.constant 1 : i32
    %dma_wait3A_204 = arith.constant 1 : i32
    %dma_wait3A_205 = arith.constant 1 : i32
    %dma_wait3A_206 = arith.constant 0 : i32
    %dma_wait3A_207 = arith.constant 0 : i32
    %dma_wait3A_208 = tpu.memref_slice %arg8[%dma_wait3A_204, %dma_wait3A_206, %dma_wait3A_207] : memref<2x128x128xf32, #tpu.memory_space<vmem>> -> memref<1x128x128xf32, #tpu.memory_space<vmem>>
    %dma_wait3A_209 = tpu.memref_squeeze %dma_wait3A_208 : memref<1x128x128xf32, #tpu.memory_space<vmem>> -> memref<128x128xf32, #tpu.memory_space<vmem>>
    %dma_wait3A_210 = arith.constant 0 : i32
    %dma_wait3A_211 = tpu.memref_slice %arg6[%dma_wait3A_202, %dma_wait3A_203, %dma_wait3A_210] : memref<4x2x128xi32, #tpu.memory_space<vmem>> -> memref<1x1x128xi32, #tpu.memory_space<vmem>>
    %dma_wait3A_212 = tpu.memref_squeeze %dma_wait3A_211 : memref<1x1x128xi32, #tpu.memory_space<vmem>> -> memref<128xi32, #tpu.memory_space<vmem>>
    %dma_wait3A_213 = arith.constant 0 : i32
    %dma_wait3A_214 = arith.constant 0 : i32
    %dma_wait3A_215 = tpu.memref_slice %arg3[%dma_wait3A_213, %dma_wait3A_214] : memref<106496x128xf32, #tpu.memory_space<hbm>> -> memref<106496x128xf32, #tpu.memory_space<hbm>>
    %dma_wait3A_216 = tpu.memref_slice %arg11[%dma_wait3A_205] : memref<2x!tpu.dma_semaphore, #tpu.memory_space<semaphore_mem>> -> memref<1x!tpu.dma_semaphore, #tpu.memory_space<semaphore_mem>>
    %dma_wait3A_217 = tpu.memref_squeeze %dma_wait3A_216 : memref<1x!tpu.dma_semaphore, #tpu.memory_space<semaphore_mem>> -> memref<!tpu.dma_semaphore, #tpu.memory_space<semaphore_mem>>
    tpu.wait_indirect_dma semaphore(%dma_wait3A_217 : memref<!tpu.dma_semaphore, #tpu.memory_space<semaphore_mem>>) src(%dma_wait3A_215 : memref<106496x128xf32, #tpu.memory_space<hbm>>) dst(%dma_wait3A_209 : memref<128x128xf32, #tpu.memory_space<vmem>>)
    %dma_wait3A_218 = arith.constant 1 : i32
    %dma_wait3A_219 = arith.constant 0 : i32
    %dma_wait3A_220 = arith.constant 1 : i32
    %dma_wait3A_221 = arith.constant 128 : i32
    %dma_wait3A_222 = tpu.memref_slice %arg9[%dma_wait3A_221] : memref<512xf32, #tpu.memory_space<vmem>> -> memref<128xf32, #tpu.memory_space<vmem>>
    %dma_wait3A_223 = arith.constant 0 : i32
    %dma_wait3A_224 = tpu.memref_slice %arg6[%dma_wait3A_218, %dma_wait3A_219, %dma_wait3A_223] : memref<4x2x128xi32, #tpu.memory_space<vmem>> -> memref<1x1x128xi32, #tpu.memory_space<vmem>>
    %dma_wait3A_225 = tpu.memref_squeeze %dma_wait3A_224 : memref<1x1x128xi32, #tpu.memory_space<vmem>> -> memref<128xi32, #tpu.memory_space<vmem>>
    %dma_wait3A_226 = arith.constant 0 : i32
    %dma_wait3A_227 = tpu.memref_slice %arg4[%dma_wait3A_226] : memref<100000xf32, #tpu.memory_space<hbm>> -> memref<100000xf32, #tpu.memory_space<hbm>>
    %dma_wait3A_228 = tpu.memref_slice %arg11[%dma_wait3A_220] : memref<2x!tpu.dma_semaphore, #tpu.memory_space<semaphore_mem>> -> memref<1x!tpu.dma_semaphore, #tpu.memory_space<semaphore_mem>>
    %dma_wait3A_229 = tpu.memref_squeeze %dma_wait3A_228 : memref<1x!tpu.dma_semaphore, #tpu.memory_space<semaphore_mem>> -> memref<!tpu.dma_semaphore, #tpu.memory_space<semaphore_mem>>
    tpu.wait_indirect_dma semaphore(%dma_wait3A_229 : memref<!tpu.dma_semaphore, #tpu.memory_space<semaphore_mem>>) src(%dma_wait3A_227 : memref<100000xf32, #tpu.memory_space<hbm>>) dst(%dma_wait3A_222 : memref<128xf32, #tpu.memory_space<vmem>>)
    %scan3A_230 = arith.constant 0 : i32
    %scan3A_231 = arith.constant 1 : i32
    %scan3A_232 = arith.constant 1 : i32
    %scan3A_233 = arith.constant 0 : i32
    %scan3A_234 = arith.constant 8 : i32
    %scan3A_235 = arith.addi %scan3A_233, %scan3A_234 : i32
    %scan3A_236 = arith.constant 1 : i32
    scf.for %scan3A_386 = %scan3A_233 to %scan3A_235 step %scan3A_236  : i32 {
      %iota3A = tpu.iota {dimensions = array<i32: 0>} : vector<16xi32>
      %mul3A_387 = arith.constant 16 : i32
      %mul3A_388 = arith.muli %scan3A_386, %mul3A_387 : i32
      %add3A_389 = vector.broadcast %mul3A_388 : i32 to vector<16xi32>
      %add3A_390 = arith.addi %add3A_389, %iota3A : vector<16xi32>
      %broadcast_in_dim3A = arith.constant 0.000000e+00 : f32
      %broadcast_in_dim3A_391 = vector.broadcast %broadcast_in_dim3A : f32 to vector<16xf32>
      %scan3A_392 = arith.constant 0 : i32
      %scan3A_393 = arith.constant 4 : i32
      %scan3A_394 = arith.addi %scan3A_392, %scan3A_393 : i32
      %scan3A_395 = arith.constant 1 : i32
      %scan3A_396:4 = scf.for %scan3A_410 = %scan3A_392 to %scan3A_394 step %scan3A_395 iter_args(%scan3A_411 = %broadcast_in_dim3A_391, %scan3A_412 = %broadcast_in_dim3A_391, %scan3A_413 = %broadcast_in_dim3A_391, %scan3A_414 = %broadcast_in_dim3A_391) -> (vector<16xf32>, vector<16xf32>, vector<16xf32>, vector<16xf32>)  : i32 {
        %mul3A_415 = arith.constant 4 : i32
        %mul3A_416 = arith.muli %scan3A_410, %mul3A_415 : i32
        %add3A_417 = arith.constant 0 : i32
        %add3A_418 = arith.addi %add3A_417, %mul3A_416 : i32
        %add3A_419 = arith.constant 0 : i32
        %add3A_420 = arith.addi %add3A_418, %add3A_419 : i32
        %add3A_421 = vector.broadcast %add3A_420 : i32 to vector<16xi32>
        %add3A_422 = arith.addi %add3A_421, %iota3A : vector<16xi32>
        %and3A = arith.constant 63 : i32
        %and3A_423 = vector.broadcast %and3A : i32 to vector<16xi32>
        %and3A_424 = arith.andi %add3A_422, %and3A_423 : vector<16xi32>
        %gather3A = arith.constant 0 : i32
        %gather3A_425 = arith.constant 0 : i32
        %gather3A_426 = tpu.memref_slice %arg7[%scan3A_231, %gather3A, %gather3A_425] : memref<2x128x128xf32, #tpu.memory_space<vmem>> -> memref<1x128x128xf32, #tpu.memory_space<vmem>>
        %gather3A_427 = tpu.memref_squeeze %gather3A_426 : memref<1x128x128xf32, #tpu.memory_space<vmem>> -> memref<128x128xf32, #tpu.memory_space<vmem>>
        %gather3A_428 = tpu.vector_load_idx %gather3A_427[%add3A_390, %and3A_424] : memref<128x128xf32, #tpu.memory_space<vmem>>[vector<16xi32>, vector<16xi32>], vector<16xf32>,
        %add3A_429 = arith.constant 64 : i32
        %add3A_430 = vector.broadcast %add3A_429 : i32 to vector<16xi32>
        %add3A_431 = arith.addi %and3A_424, %add3A_430 : vector<16xi32>
        %gather3A_432 = arith.constant 0 : i32
        %gather3A_433 = arith.constant 0 : i32
        %gather3A_434 = tpu.memref_slice %arg8[%scan3A_232, %gather3A_432, %gather3A_433] : memref<2x128x128xf32, #tpu.memory_space<vmem>> -> memref<1x128x128xf32, #tpu.memory_space<vmem>>
        %gather3A_435 = tpu.memref_squeeze %gather3A_434 : memref<1x128x128xf32, #tpu.memory_space<vmem>> -> memref<128x128xf32, #tpu.memory_space<vmem>>
        %gather3A_436 = tpu.vector_load_idx %gather3A_435[%add3A_390, %add3A_431] : memref<128x128xf32, #tpu.memory_space<vmem>>[vector<16xi32>, vector<16xi32>], vector<16xf32>,
        %mul3A_437 = arith.mulf %gather3A_428, %gather3A_436 : vector<16xf32>
        %add3A_438 = arith.addf %scan3A_411, %mul3A_437 : vector<16xf32>
        %mul3A_439 = arith.constant 4 : i32
        %mul3A_440 = arith.muli %scan3A_410, %mul3A_439 : i32
        %add3A_441 = arith.constant 0 : i32
        %add3A_442 = arith.addi %add3A_441, %mul3A_440 : i32
        %add3A_443 = arith.constant 1 : i32
        %add3A_444 = arith.addi %add3A_442, %add3A_443 : i32
        %add3A_445 = vector.broadcast %add3A_444 : i32 to vector<16xi32>
        %add3A_446 = arith.addi %add3A_445, %iota3A : vector<16xi32>
        %and3A_447 = arith.constant 63 : i32
        %and3A_448 = vector.broadcast %and3A_447 : i32 to vector<16xi32>
        %and3A_449 = arith.andi %add3A_446, %and3A_448 : vector<16xi32>
        %gather3A_450 = arith.constant 0 : i32
        %gather3A_451 = arith.constant 0 : i32
        %gather3A_452 = tpu.memref_slice %arg7[%scan3A_231, %gather3A_450, %gather3A_451] : memref<2x128x128xf32, #tpu.memory_space<vmem>> -> memref<1x128x128xf32, #tpu.memory_space<vmem>>
        %gather3A_453 = tpu.memref_squeeze %gather3A_452 : memref<1x128x128xf32, #tpu.memory_space<vmem>> -> memref<128x128xf32, #tpu.memory_space<vmem>>
        %gather3A_454 = tpu.vector_load_idx %gather3A_453[%add3A_390, %and3A_449] : memref<128x128xf32, #tpu.memory_space<vmem>>[vector<16xi32>, vector<16xi32>], vector<16xf32>,
        %add3A_455 = arith.constant 64 : i32
        %add3A_456 = vector.broadcast %add3A_455 : i32 to vector<16xi32>
        %add3A_457 = arith.addi %and3A_449, %add3A_456 : vector<16xi32>
        %gather3A_458 = arith.constant 0 : i32
        %gather3A_459 = arith.constant 0 : i32
        %gather3A_460 = tpu.memref_slice %arg8[%scan3A_232, %gather3A_458, %gather3A_459] : memref<2x128x128xf32, #tpu.memory_space<vmem>> -> memref<1x128x128xf32, #tpu.memory_space<vmem>>
        %gather3A_461 = tpu.memref_squeeze %gather3A_460 : memref<1x128x128xf32, #tpu.memory_space<vmem>> -> memref<128x128xf32, #tpu.memory_space<vmem>>
        %gather3A_462 = tpu.vector_load_idx %gather3A_461[%add3A_390, %add3A_457] : memref<128x128xf32, #tpu.memory_space<vmem>>[vector<16xi32>, vector<16xi32>], vector<16xf32>,
        %mul3A_463 = arith.mulf %gather3A_454, %gather3A_462 : vector<16xf32>
        %add3A_464 = arith.addf %add3A_438, %mul3A_463 : vector<16xf32>
        %mul3A_465 = arith.constant 4 : i32
        %mul3A_466 = arith.muli %scan3A_410, %mul3A_465 : i32
        %add3A_467 = arith.constant 0 : i32
        %add3A_468 = arith.addi %add3A_467, %mul3A_466 : i32
        %add3A_469 = arith.constant 2 : i32
        %add3A_470 = arith.addi %add3A_468, %add3A_469 : i32
        %add3A_471 = vector.broadcast %add3A_470 : i32 to vector<16xi32>
        %add3A_472 = arith.addi %add3A_471, %iota3A : vector<16xi32>
        %and3A_473 = arith.constant 63 : i32
        %and3A_474 = vector.broadcast %and3A_473 : i32 to vector<16xi32>
        %and3A_475 = arith.andi %add3A_472, %and3A_474 : vector<16xi32>
        %gather3A_476 = arith.constant 0 : i32
        %gather3A_477 = arith.constant 0 : i32
        %gather3A_478 = tpu.memref_slice %arg7[%scan3A_231, %gather3A_476, %gather3A_477] : memref<2x128x128xf32, #tpu.memory_space<vmem>> -> memref<1x128x128xf32, #tpu.memory_space<vmem>>
        %gather3A_479 = tpu.memref_squeeze %gather3A_478 : memref<1x128x128xf32, #tpu.memory_space<vmem>> -> memref<128x128xf32, #tpu.memory_space<vmem>>
        %gather3A_480 = tpu.vector_load_idx %gather3A_479[%add3A_390, %and3A_475] : memref<128x128xf32, #tpu.memory_space<vmem>>[vector<16xi32>, vector<16xi32>], vector<16xf32>,
        %add3A_481 = arith.constant 64 : i32
        %add3A_482 = vector.broadcast %add3A_481 : i32 to vector<16xi32>
        %add3A_483 = arith.addi %and3A_475, %add3A_482 : vector<16xi32>
        %gather3A_484 = arith.constant 0 : i32
        %gather3A_485 = arith.constant 0 : i32
        %gather3A_486 = tpu.memref_slice %arg8[%scan3A_232, %gather3A_484, %gather3A_485] : memref<2x128x128xf32, #tpu.memory_space<vmem>> -> memref<1x128x128xf32, #tpu.memory_space<vmem>>
        %gather3A_487 = tpu.memref_squeeze %gather3A_486 : memref<1x128x128xf32, #tpu.memory_space<vmem>> -> memref<128x128xf32, #tpu.memory_space<vmem>>
        %gather3A_488 = tpu.vector_load_idx %gather3A_487[%add3A_390, %add3A_483] : memref<128x128xf32, #tpu.memory_space<vmem>>[vector<16xi32>, vector<16xi32>], vector<16xf32>,
        %mul3A_489 = arith.mulf %gather3A_480, %gather3A_488 : vector<16xf32>
        %add3A_490 = arith.addf %add3A_464, %mul3A_489 : vector<16xf32>
        %mul3A_491 = arith.constant 4 : i32
        %mul3A_492 = arith.muli %scan3A_410, %mul3A_491 : i32
        %add3A_493 = arith.constant 0 : i32
        %add3A_494 = arith.addi %add3A_493, %mul3A_492 : i32
        %add3A_495 = arith.constant 3 : i32
        %add3A_496 = arith.addi %add3A_494, %add3A_495 : i32
        %add3A_497 = vector.broadcast %add3A_496 : i32 to vector<16xi32>
        %add3A_498 = arith.addi %add3A_497, %iota3A : vector<16xi32>
        %and3A_499 = arith.constant 63 : i32
        %and3A_500 = vector.broadcast %and3A_499 : i32 to vector<16xi32>
        %and3A_501 = arith.andi %add3A_498, %and3A_500 : vector<16xi32>
        %gather3A_502 = arith.constant 0 : i32
        %gather3A_503 = arith.constant 0 : i32
        %gather3A_504 = tpu.memref_slice %arg7[%scan3A_231, %gather3A_502, %gather3A_503] : memref<2x128x128xf32, #tpu.memory_space<vmem>> -> memref<1x128x128xf32, #tpu.memory_space<vmem>>
        %gather3A_505 = tpu.memref_squeeze %gather3A_504 : memref<1x128x128xf32, #tpu.memory_space<vmem>> -> memref<128x128xf32, #tpu.memory_space<vmem>>
        %gather3A_506 = tpu.vector_load_idx %gather3A_505[%add3A_390, %and3A_501] : memref<128x128xf32, #tpu.memory_space<vmem>>[vector<16xi32>, vector<16xi32>], vector<16xf32>,
        %add3A_507 = arith.constant 64 : i32
        %add3A_508 = vector.broadcast %add3A_507 : i32 to vector<16xi32>
        %add3A_509 = arith.addi %and3A_501, %add3A_508 : vector<16xi32>
        %gather3A_510 = arith.constant 0 : i32
        %gather3A_511 = arith.constant 0 : i32
        %gather3A_512 = tpu.memref_slice %arg8[%scan3A_232, %gather3A_510, %gather3A_511] : memref<2x128x128xf32, #tpu.memory_space<vmem>> -> memref<1x128x128xf32, #tpu.memory_space<vmem>>
        %gather3A_513 = tpu.memref_squeeze %gather3A_512 : memref<1x128x128xf32, #tpu.memory_space<vmem>> -> memref<128x128xf32, #tpu.memory_space<vmem>>
        %gather3A_514 = tpu.vector_load_idx %gather3A_513[%add3A_390, %add3A_509] : memref<128x128xf32, #tpu.memory_space<vmem>>[vector<16xi32>, vector<16xi32>], vector<16xf32>,
        %mul3A_515 = arith.mulf %gather3A_506, %gather3A_514 : vector<16xf32>
        %add3A_516 = arith.addf %add3A_490, %mul3A_515 : vector<16xf32>
        %mul3A_517 = arith.constant 4 : i32
        %mul3A_518 = arith.muli %scan3A_410, %mul3A_517 : i32
        %add3A_519 = arith.constant 16 : i32
        %add3A_520 = arith.addi %add3A_519, %mul3A_518 : i32
        %add3A_521 = arith.constant 0 : i32
        %add3A_522 = arith.addi %add3A_520, %add3A_521 : i32
        %add3A_523 = vector.broadcast %add3A_522 : i32 to vector<16xi32>
        %add3A_524 = arith.addi %add3A_523, %iota3A : vector<16xi32>
        %and3A_525 = arith.constant 63 : i32
        %and3A_526 = vector.broadcast %and3A_525 : i32 to vector<16xi32>
        %and3A_527 = arith.andi %add3A_524, %and3A_526 : vector<16xi32>
        %gather3A_528 = arith.constant 0 : i32
        %gather3A_529 = arith.constant 0 : i32
        %gather3A_530 = tpu.memref_slice %arg7[%scan3A_231, %gather3A_528, %gather3A_529] : memref<2x128x128xf32, #tpu.memory_space<vmem>> -> memref<1x128x128xf32, #tpu.memory_space<vmem>>
        %gather3A_531 = tpu.memref_squeeze %gather3A_530 : memref<1x128x128xf32, #tpu.memory_space<vmem>> -> memref<128x128xf32, #tpu.memory_space<vmem>>
        %gather3A_532 = tpu.vector_load_idx %gather3A_531[%add3A_390, %and3A_527] : memref<128x128xf32, #tpu.memory_space<vmem>>[vector<16xi32>, vector<16xi32>], vector<16xf32>,
        %add3A_533 = arith.constant 64 : i32
        %add3A_534 = vector.broadcast %add3A_533 : i32 to vector<16xi32>
        %add3A_535 = arith.addi %and3A_527, %add3A_534 : vector<16xi32>
        %gather3A_536 = arith.constant 0 : i32
        %gather3A_537 = arith.constant 0 : i32
        %gather3A_538 = tpu.memref_slice %arg8[%scan3A_232, %gather3A_536, %gather3A_537] : memref<2x128x128xf32, #tpu.memory_space<vmem>> -> memref<1x128x128xf32, #tpu.memory_space<vmem>>
        %gather3A_539 = tpu.memref_squeeze %gather3A_538 : memref<1x128x128xf32, #tpu.memory_space<vmem>> -> memref<128x128xf32, #tpu.memory_space<vmem>>
        %gather3A_540 = tpu.vector_load_idx %gather3A_539[%add3A_390, %add3A_535] : memref<128x128xf32, #tpu.memory_space<vmem>>[vector<16xi32>, vector<16xi32>], vector<16xf32>,
        %mul3A_541 = arith.mulf %gather3A_532, %gather3A_540 : vector<16xf32>
        %add3A_542 = arith.addf %scan3A_412, %mul3A_541 : vector<16xf32>
        %mul3A_543 = arith.constant 4 : i32
        %mul3A_544 = arith.muli %scan3A_410, %mul3A_543 : i32
        %add3A_545 = arith.constant 16 : i32
        %add3A_546 = arith.addi %add3A_545, %mul3A_544 : i32
        %add3A_547 = arith.constant 1 : i32
        %add3A_548 = arith.addi %add3A_546, %add3A_547 : i32
        %add3A_549 = vector.broadcast %add3A_548 : i32 to vector<16xi32>
        %add3A_550 = arith.addi %add3A_549, %iota3A : vector<16xi32>
        %and3A_551 = arith.constant 63 : i32
        %and3A_552 = vector.broadcast %and3A_551 : i32 to vector<16xi32>
        %and3A_553 = arith.andi %add3A_550, %and3A_552 : vector<16xi32>
        %gather3A_554 = arith.constant 0 : i32
        %gather3A_555 = arith.constant 0 : i32
        %gather3A_556 = tpu.memref_slice %arg7[%scan3A_231, %gather3A_554, %gather3A_555] : memref<2x128x128xf32, #tpu.memory_space<vmem>> -> memref<1x128x128xf32, #tpu.memory_space<vmem>>
        %gather3A_557 = tpu.memref_squeeze %gather3A_556 : memref<1x128x128xf32, #tpu.memory_space<vmem>> -> memref<128x128xf32, #tpu.memory_space<vmem>>
        %gather3A_558 = tpu.vector_load_idx %gather3A_557[%add3A_390, %and3A_553] : memref<128x128xf32, #tpu.memory_space<vmem>>[vector<16xi32>, vector<16xi32>], vector<16xf32>,
        %add3A_559 = arith.constant 64 : i32
        %add3A_560 = vector.broadcast %add3A_559 : i32 to vector<16xi32>
        %add3A_561 = arith.addi %and3A_553, %add3A_560 : vector<16xi32>
        %gather3A_562 = arith.constant 0 : i32
        %gather3A_563 = arith.constant 0 : i32
        %gather3A_564 = tpu.memref_slice %arg8[%scan3A_232, %gather3A_562, %gather3A_563] : memref<2x128x128xf32, #tpu.memory_space<vmem>> -> memref<1x128x128xf32, #tpu.memory_space<vmem>>
        %gather3A_565 = tpu.memref_squeeze %gather3A_564 : memref<1x128x128xf32, #tpu.memory_space<vmem>> -> memref<128x128xf32, #tpu.memory_space<vmem>>
        %gather3A_566 = tpu.vector_load_idx %gather3A_565[%add3A_390, %add3A_561] : memref<128x128xf32, #tpu.memory_space<vmem>>[vector<16xi32>, vector<16xi32>], vector<16xf32>,
        %mul3A_567 = arith.mulf %gather3A_558, %gather3A_566 : vector<16xf32>
        %add3A_568 = arith.addf %add3A_542, %mul3A_567 : vector<16xf32>
        %mul3A_569 = arith.constant 4 : i32
        %mul3A_570 = arith.muli %scan3A_410, %mul3A_569 : i32
        %add3A_571 = arith.constant 16 : i32
        %add3A_572 = arith.addi %add3A_571, %mul3A_570 : i32
        %add3A_573 = arith.constant 2 : i32
        %add3A_574 = arith.addi %add3A_572, %add3A_573 : i32
        %add3A_575 = vector.broadcast %add3A_574 : i32 to vector<16xi32>
        %add3A_576 = arith.addi %add3A_575, %iota3A : vector<16xi32>
        %and3A_577 = arith.constant 63 : i32
        %and3A_578 = vector.broadcast %and3A_577 : i32 to vector<16xi32>
        %and3A_579 = arith.andi %add3A_576, %and3A_578 : vector<16xi32>
        %gather3A_580 = arith.constant 0 : i32
        %gather3A_581 = arith.constant 0 : i32
        %gather3A_582 = tpu.memref_slice %arg7[%scan3A_231, %gather3A_580, %gather3A_581] : memref<2x128x128xf32, #tpu.memory_space<vmem>> -> memref<1x128x128xf32, #tpu.memory_space<vmem>>
        %gather3A_583 = tpu.memref_squeeze %gather3A_582 : memref<1x128x128xf32, #tpu.memory_space<vmem>> -> memref<128x128xf32, #tpu.memory_space<vmem>>
        %gather3A_584 = tpu.vector_load_idx %gather3A_583[%add3A_390, %and3A_579] : memref<128x128xf32, #tpu.memory_space<vmem>>[vector<16xi32>, vector<16xi32>], vector<16xf32>,
        %add3A_585 = arith.constant 64 : i32
        %add3A_586 = vector.broadcast %add3A_585 : i32 to vector<16xi32>
        %add3A_587 = arith.addi %and3A_579, %add3A_586 : vector<16xi32>
        %gather3A_588 = arith.constant 0 : i32
        %gather3A_589 = arith.constant 0 : i32
        %gather3A_590 = tpu.memref_slice %arg8[%scan3A_232, %gather3A_588, %gather3A_589] : memref<2x128x128xf32, #tpu.memory_space<vmem>> -> memref<1x128x128xf32, #tpu.memory_space<vmem>>
        %gather3A_591 = tpu.memref_squeeze %gather3A_590 : memref<1x128x128xf32, #tpu.memory_space<vmem>> -> memref<128x128xf32, #tpu.memory_space<vmem>>
        %gather3A_592 = tpu.vector_load_idx %gather3A_591[%add3A_390, %add3A_587] : memref<128x128xf32, #tpu.memory_space<vmem>>[vector<16xi32>, vector<16xi32>], vector<16xf32>,
        %mul3A_593 = arith.mulf %gather3A_584, %gather3A_592 : vector<16xf32>
        %add3A_594 = arith.addf %add3A_568, %mul3A_593 : vector<16xf32>
        %mul3A_595 = arith.constant 4 : i32
        %mul3A_596 = arith.muli %scan3A_410, %mul3A_595 : i32
        %add3A_597 = arith.constant 16 : i32
        %add3A_598 = arith.addi %add3A_597, %mul3A_596 : i32
        %add3A_599 = arith.constant 3 : i32
        %add3A_600 = arith.addi %add3A_598, %add3A_599 : i32
        %add3A_601 = vector.broadcast %add3A_600 : i32 to vector<16xi32>
        %add3A_602 = arith.addi %add3A_601, %iota3A : vector<16xi32>
        %and3A_603 = arith.constant 63 : i32
        %and3A_604 = vector.broadcast %and3A_603 : i32 to vector<16xi32>
        %and3A_605 = arith.andi %add3A_602, %and3A_604 : vector<16xi32>
        %gather3A_606 = arith.constant 0 : i32
        %gather3A_607 = arith.constant 0 : i32
        %gather3A_608 = tpu.memref_slice %arg7[%scan3A_231, %gather3A_606, %gather3A_607] : memref<2x128x128xf32, #tpu.memory_space<vmem>> -> memref<1x128x128xf32, #tpu.memory_space<vmem>>
        %gather3A_609 = tpu.memref_squeeze %gather3A_608 : memref<1x128x128xf32, #tpu.memory_space<vmem>> -> memref<128x128xf32, #tpu.memory_space<vmem>>
        %gather3A_610 = tpu.vector_load_idx %gather3A_609[%add3A_390, %and3A_605] : memref<128x128xf32, #tpu.memory_space<vmem>>[vector<16xi32>, vector<16xi32>], vector<16xf32>,
        %add3A_611 = arith.constant 64 : i32
        %add3A_612 = vector.broadcast %add3A_611 : i32 to vector<16xi32>
        %add3A_613 = arith.addi %and3A_605, %add3A_612 : vector<16xi32>
        %gather3A_614 = arith.constant 0 : i32
        %gather3A_615 = arith.constant 0 : i32
        %gather3A_616 = tpu.memref_slice %arg8[%scan3A_232, %gather3A_614, %gather3A_615] : memref<2x128x128xf32, #tpu.memory_space<vmem>> -> memref<1x128x128xf32, #tpu.memory_space<vmem>>
        %gather3A_617 = tpu.memref_squeeze %gather3A_616 : memref<1x128x128xf32, #tpu.memory_space<vmem>> -> memref<128x128xf32, #tpu.memory_space<vmem>>
        %gather3A_618 = tpu.vector_load_idx %gather3A_617[%add3A_390, %add3A_613] : memref<128x128xf32, #tpu.memory_space<vmem>>[vector<16xi32>, vector<16xi32>], vector<16xf32>,
        %mul3A_619 = arith.mulf %gather3A_610, %gather3A_618 : vector<16xf32>
        %add3A_620 = arith.addf %add3A_594, %mul3A_619 : vector<16xf32>
        %mul3A_621 = arith.constant 4 : i32
        %mul3A_622 = arith.muli %scan3A_410, %mul3A_621 : i32
        %add3A_623 = arith.constant 32 : i32
        %add3A_624 = arith.addi %add3A_623, %mul3A_622 : i32
        %add3A_625 = arith.constant 0 : i32
        %add3A_626 = arith.addi %add3A_624, %add3A_625 : i32
        %add3A_627 = vector.broadcast %add3A_626 : i32 to vector<16xi32>
        %add3A_628 = arith.addi %add3A_627, %iota3A : vector<16xi32>
        %and3A_629 = arith.constant 63 : i32
        %and3A_630 = vector.broadcast %and3A_629 : i32 to vector<16xi32>
        %and3A_631 = arith.andi %add3A_628, %and3A_630 : vector<16xi32>
        %gather3A_632 = arith.constant 0 : i32
        %gather3A_633 = arith.constant 0 : i32
        %gather3A_634 = tpu.memref_slice %arg7[%scan3A_231, %gather3A_632, %gather3A_633] : memref<2x128x128xf32, #tpu.memory_space<vmem>> -> memref<1x128x128xf32, #tpu.memory_space<vmem>>
        %gather3A_635 = tpu.memref_squeeze %gather3A_634 : memref<1x128x128xf32, #tpu.memory_space<vmem>> -> memref<128x128xf32, #tpu.memory_space<vmem>>
        %gather3A_636 = tpu.vector_load_idx %gather3A_635[%add3A_390, %and3A_631] : memref<128x128xf32, #tpu.memory_space<vmem>>[vector<16xi32>, vector<16xi32>], vector<16xf32>,
        %add3A_637 = arith.constant 64 : i32
        %add3A_638 = vector.broadcast %add3A_637 : i32 to vector<16xi32>
        %add3A_639 = arith.addi %and3A_631, %add3A_638 : vector<16xi32>
        %gather3A_640 = arith.constant 0 : i32
        %gather3A_641 = arith.constant 0 : i32
        %gather3A_642 = tpu.memref_slice %arg8[%scan3A_232, %gather3A_640, %gather3A_641] : memref<2x128x128xf32, #tpu.memory_space<vmem>> -> memref<1x128x128xf32, #tpu.memory_space<vmem>>
        %gather3A_643 = tpu.memref_squeeze %gather3A_642 : memref<1x128x128xf32, #tpu.memory_space<vmem>> -> memref<128x128xf32, #tpu.memory_space<vmem>>
        %gather3A_644 = tpu.vector_load_idx %gather3A_643[%add3A_390, %add3A_639] : memref<128x128xf32, #tpu.memory_space<vmem>>[vector<16xi32>, vector<16xi32>], vector<16xf32>,
        %mul3A_645 = arith.mulf %gather3A_636, %gather3A_644 : vector<16xf32>
        %add3A_646 = arith.addf %scan3A_413, %mul3A_645 : vector<16xf32>
        %mul3A_647 = arith.constant 4 : i32
        %mul3A_648 = arith.muli %scan3A_410, %mul3A_647 : i32
        %add3A_649 = arith.constant 32 : i32
        %add3A_650 = arith.addi %add3A_649, %mul3A_648 : i32
        %add3A_651 = arith.constant 1 : i32
        %add3A_652 = arith.addi %add3A_650, %add3A_651 : i32
        %add3A_653 = vector.broadcast %add3A_652 : i32 to vector<16xi32>
        %add3A_654 = arith.addi %add3A_653, %iota3A : vector<16xi32>
        %and3A_655 = arith.constant 63 : i32
        %and3A_656 = vector.broadcast %and3A_655 : i32 to vector<16xi32>
        %and3A_657 = arith.andi %add3A_654, %and3A_656 : vector<16xi32>
        %gather3A_658 = arith.constant 0 : i32
        %gather3A_659 = arith.constant 0 : i32
        %gather3A_660 = tpu.memref_slice %arg7[%scan3A_231, %gather3A_658, %gather3A_659] : memref<2x128x128xf32, #tpu.memory_space<vmem>> -> memref<1x128x128xf32, #tpu.memory_space<vmem>>
        %gather3A_661 = tpu.memref_squeeze %gather3A_660 : memref<1x128x128xf32, #tpu.memory_space<vmem>> -> memref<128x128xf32, #tpu.memory_space<vmem>>
        %gather3A_662 = tpu.vector_load_idx %gather3A_661[%add3A_390, %and3A_657] : memref<128x128xf32, #tpu.memory_space<vmem>>[vector<16xi32>, vector<16xi32>], vector<16xf32>,
        %add3A_663 = arith.constant 64 : i32
        %add3A_664 = vector.broadcast %add3A_663 : i32 to vector<16xi32>
        %add3A_665 = arith.addi %and3A_657, %add3A_664 : vector<16xi32>
        %gather3A_666 = arith.constant 0 : i32
        %gather3A_667 = arith.constant 0 : i32
        %gather3A_668 = tpu.memref_slice %arg8[%scan3A_232, %gather3A_666, %gather3A_667] : memref<2x128x128xf32, #tpu.memory_space<vmem>> -> memref<1x128x128xf32, #tpu.memory_space<vmem>>
        %gather3A_669 = tpu.memref_squeeze %gather3A_668 : memref<1x128x128xf32, #tpu.memory_space<vmem>> -> memref<128x128xf32, #tpu.memory_space<vmem>>
        %gather3A_670 = tpu.vector_load_idx %gather3A_669[%add3A_390, %add3A_665] : memref<128x128xf32, #tpu.memory_space<vmem>>[vector<16xi32>, vector<16xi32>], vector<16xf32>,
        %mul3A_671 = arith.mulf %gather3A_662, %gather3A_670 : vector<16xf32>
        %add3A_672 = arith.addf %add3A_646, %mul3A_671 : vector<16xf32>
        %mul3A_673 = arith.constant 4 : i32
        %mul3A_674 = arith.muli %scan3A_410, %mul3A_673 : i32
        %add3A_675 = arith.constant 32 : i32
        %add3A_676 = arith.addi %add3A_675, %mul3A_674 : i32
        %add3A_677 = arith.constant 2 : i32
        %add3A_678 = arith.addi %add3A_676, %add3A_677 : i32
        %add3A_679 = vector.broadcast %add3A_678 : i32 to vector<16xi32>
        %add3A_680 = arith.addi %add3A_679, %iota3A : vector<16xi32>
        %and3A_681 = arith.constant 63 : i32
        %and3A_682 = vector.broadcast %and3A_681 : i32 to vector<16xi32>
        %and3A_683 = arith.andi %add3A_680, %and3A_682 : vector<16xi32>
        %gather3A_684 = arith.constant 0 : i32
        %gather3A_685 = arith.constant 0 : i32
        %gather3A_686 = tpu.memref_slice %arg7[%scan3A_231, %gather3A_684, %gather3A_685] : memref<2x128x128xf32, #tpu.memory_space<vmem>> -> memref<1x128x128xf32, #tpu.memory_space<vmem>>
        %gather3A_687 = tpu.memref_squeeze %gather3A_686 : memref<1x128x128xf32, #tpu.memory_space<vmem>> -> memref<128x128xf32, #tpu.memory_space<vmem>>
        %gather3A_688 = tpu.vector_load_idx %gather3A_687[%add3A_390, %and3A_683] : memref<128x128xf32, #tpu.memory_space<vmem>>[vector<16xi32>, vector<16xi32>], vector<16xf32>,
        %add3A_689 = arith.constant 64 : i32
        %add3A_690 = vector.broadcast %add3A_689 : i32 to vector<16xi32>
        %add3A_691 = arith.addi %and3A_683, %add3A_690 : vector<16xi32>
        %gather3A_692 = arith.constant 0 : i32
        %gather3A_693 = arith.constant 0 : i32
        %gather3A_694 = tpu.memref_slice %arg8[%scan3A_232, %gather3A_692, %gather3A_693] : memref<2x128x128xf32, #tpu.memory_space<vmem>> -> memref<1x128x128xf32, #tpu.memory_space<vmem>>
        %gather3A_695 = tpu.memref_squeeze %gather3A_694 : memref<1x128x128xf32, #tpu.memory_space<vmem>> -> memref<128x128xf32, #tpu.memory_space<vmem>>
        %gather3A_696 = tpu.vector_load_idx %gather3A_695[%add3A_390, %add3A_691] : memref<128x128xf32, #tpu.memory_space<vmem>>[vector<16xi32>, vector<16xi32>], vector<16xf32>,
        %mul3A_697 = arith.mulf %gather3A_688, %gather3A_696 : vector<16xf32>
        %add3A_698 = arith.addf %add3A_672, %mul3A_697 : vector<16xf32>
        %mul3A_699 = arith.constant 4 : i32
        %mul3A_700 = arith.muli %scan3A_410, %mul3A_699 : i32
        %add3A_701 = arith.constant 32 : i32
        %add3A_702 = arith.addi %add3A_701, %mul3A_700 : i32
        %add3A_703 = arith.constant 3 : i32
        %add3A_704 = arith.addi %add3A_702, %add3A_703 : i32
        %add3A_705 = vector.broadcast %add3A_704 : i32 to vector<16xi32>
        %add3A_706 = arith.addi %add3A_705, %iota3A : vector<16xi32>
        %and3A_707 = arith.constant 63 : i32
        %and3A_708 = vector.broadcast %and3A_707 : i32 to vector<16xi32>
        %and3A_709 = arith.andi %add3A_706, %and3A_708 : vector<16xi32>
        %gather3A_710 = arith.constant 0 : i32
        %gather3A_711 = arith.constant 0 : i32
        %gather3A_712 = tpu.memref_slice %arg7[%scan3A_231, %gather3A_710, %gather3A_711] : memref<2x128x128xf32, #tpu.memory_space<vmem>> -> memref<1x128x128xf32, #tpu.memory_space<vmem>>
        %gather3A_713 = tpu.memref_squeeze %gather3A_712 : memref<1x128x128xf32, #tpu.memory_space<vmem>> -> memref<128x128xf32, #tpu.memory_space<vmem>>
        %gather3A_714 = tpu.vector_load_idx %gather3A_713[%add3A_390, %and3A_709] : memref<128x128xf32, #tpu.memory_space<vmem>>[vector<16xi32>, vector<16xi32>], vector<16xf32>,
        %add3A_715 = arith.constant 64 : i32
        %add3A_716 = vector.broadcast %add3A_715 : i32 to vector<16xi32>
        %add3A_717 = arith.addi %and3A_709, %add3A_716 : vector<16xi32>
        %gather3A_718 = arith.constant 0 : i32
        %gather3A_719 = arith.constant 0 : i32
        %gather3A_720 = tpu.memref_slice %arg8[%scan3A_232, %gather3A_718, %gather3A_719] : memref<2x128x128xf32, #tpu.memory_space<vmem>> -> memref<1x128x128xf32, #tpu.memory_space<vmem>>
        %gather3A_721 = tpu.memref_squeeze %gather3A_720 : memref<1x128x128xf32, #tpu.memory_space<vmem>> -> memref<128x128xf32, #tpu.memory_space<vmem>>
        %gather3A_722 = tpu.vector_load_idx %gather3A_721[%add3A_390, %add3A_717] : memref<128x128xf32, #tpu.memory_space<vmem>>[vector<16xi32>, vector<16xi32>], vector<16xf32>,
        %mul3A_723 = arith.mulf %gather3A_714, %gather3A_722 : vector<16xf32>
        %add3A_724 = arith.addf %add3A_698, %mul3A_723 : vector<16xf32>
        %mul3A_725 = arith.constant 4 : i32
        %mul3A_726 = arith.muli %scan3A_410, %mul3A_725 : i32
        %add3A_727 = arith.constant 48 : i32
        %add3A_728 = arith.addi %add3A_727, %mul3A_726 : i32
        %add3A_729 = arith.constant 0 : i32
        %add3A_730 = arith.addi %add3A_728, %add3A_729 : i32
        %add3A_731 = vector.broadcast %add3A_730 : i32 to vector<16xi32>
        %add3A_732 = arith.addi %add3A_731, %iota3A : vector<16xi32>
        %and3A_733 = arith.constant 63 : i32
        %and3A_734 = vector.broadcast %and3A_733 : i32 to vector<16xi32>
        %and3A_735 = arith.andi %add3A_732, %and3A_734 : vector<16xi32>
        %gather3A_736 = arith.constant 0 : i32
        %gather3A_737 = arith.constant 0 : i32
        %gather3A_738 = tpu.memref_slice %arg7[%scan3A_231, %gather3A_736, %gather3A_737] : memref<2x128x128xf32, #tpu.memory_space<vmem>> -> memref<1x128x128xf32, #tpu.memory_space<vmem>>
        %gather3A_739 = tpu.memref_squeeze %gather3A_738 : memref<1x128x128xf32, #tpu.memory_space<vmem>> -> memref<128x128xf32, #tpu.memory_space<vmem>>
        %gather3A_740 = tpu.vector_load_idx %gather3A_739[%add3A_390, %and3A_735] : memref<128x128xf32, #tpu.memory_space<vmem>>[vector<16xi32>, vector<16xi32>], vector<16xf32>,
        %add3A_741 = arith.constant 64 : i32
        %add3A_742 = vector.broadcast %add3A_741 : i32 to vector<16xi32>
        %add3A_743 = arith.addi %and3A_735, %add3A_742 : vector<16xi32>
        %gather3A_744 = arith.constant 0 : i32
        %gather3A_745 = arith.constant 0 : i32
        %gather3A_746 = tpu.memref_slice %arg8[%scan3A_232, %gather3A_744, %gather3A_745] : memref<2x128x128xf32, #tpu.memory_space<vmem>> -> memref<1x128x128xf32, #tpu.memory_space<vmem>>
        %gather3A_747 = tpu.memref_squeeze %gather3A_746 : memref<1x128x128xf32, #tpu.memory_space<vmem>> -> memref<128x128xf32, #tpu.memory_space<vmem>>
        %gather3A_748 = tpu.vector_load_idx %gather3A_747[%add3A_390, %add3A_743] : memref<128x128xf32, #tpu.memory_space<vmem>>[vector<16xi32>, vector<16xi32>], vector<16xf32>,
        %mul3A_749 = arith.mulf %gather3A_740, %gather3A_748 : vector<16xf32>
        %add3A_750 = arith.addf %scan3A_414, %mul3A_749 : vector<16xf32>
        %mul3A_751 = arith.constant 4 : i32
        %mul3A_752 = arith.muli %scan3A_410, %mul3A_751 : i32
        %add3A_753 = arith.constant 48 : i32
        %add3A_754 = arith.addi %add3A_753, %mul3A_752 : i32
        %add3A_755 = arith.constant 1 : i32
        %add3A_756 = arith.addi %add3A_754, %add3A_755 : i32
        %add3A_757 = vector.broadcast %add3A_756 : i32 to vector<16xi32>
        %add3A_758 = arith.addi %add3A_757, %iota3A : vector<16xi32>
        %and3A_759 = arith.constant 63 : i32
        %and3A_760 = vector.broadcast %and3A_759 : i32 to vector<16xi32>
        %and3A_761 = arith.andi %add3A_758, %and3A_760 : vector<16xi32>
        %gather3A_762 = arith.constant 0 : i32
        %gather3A_763 = arith.constant 0 : i32
        %gather3A_764 = tpu.memref_slice %arg7[%scan3A_231, %gather3A_762, %gather3A_763] : memref<2x128x128xf32, #tpu.memory_space<vmem>> -> memref<1x128x128xf32, #tpu.memory_space<vmem>>
        %gather3A_765 = tpu.memref_squeeze %gather3A_764 : memref<1x128x128xf32, #tpu.memory_space<vmem>> -> memref<128x128xf32, #tpu.memory_space<vmem>>
        %gather3A_766 = tpu.vector_load_idx %gather3A_765[%add3A_390, %and3A_761] : memref<128x128xf32, #tpu.memory_space<vmem>>[vector<16xi32>, vector<16xi32>], vector<16xf32>,
        %add3A_767 = arith.constant 64 : i32
        %add3A_768 = vector.broadcast %add3A_767 : i32 to vector<16xi32>
        %add3A_769 = arith.addi %and3A_761, %add3A_768 : vector<16xi32>
        %gather3A_770 = arith.constant 0 : i32
        %gather3A_771 = arith.constant 0 : i32
        %gather3A_772 = tpu.memref_slice %arg8[%scan3A_232, %gather3A_770, %gather3A_771] : memref<2x128x128xf32, #tpu.memory_space<vmem>> -> memref<1x128x128xf32, #tpu.memory_space<vmem>>
        %gather3A_773 = tpu.memref_squeeze %gather3A_772 : memref<1x128x128xf32, #tpu.memory_space<vmem>> -> memref<128x128xf32, #tpu.memory_space<vmem>>
        %gather3A_774 = tpu.vector_load_idx %gather3A_773[%add3A_390, %add3A_769] : memref<128x128xf32, #tpu.memory_space<vmem>>[vector<16xi32>, vector<16xi32>], vector<16xf32>,
        %mul3A_775 = arith.mulf %gather3A_766, %gather3A_774 : vector<16xf32>
        %add3A_776 = arith.addf %add3A_750, %mul3A_775 : vector<16xf32>
        %mul3A_777 = arith.constant 4 : i32
        %mul3A_778 = arith.muli %scan3A_410, %mul3A_777 : i32
        %add3A_779 = arith.constant 48 : i32
        %add3A_780 = arith.addi %add3A_779, %mul3A_778 : i32
        %add3A_781 = arith.constant 2 : i32
        %add3A_782 = arith.addi %add3A_780, %add3A_781 : i32
        %add3A_783 = vector.broadcast %add3A_782 : i32 to vector<16xi32>
        %add3A_784 = arith.addi %add3A_783, %iota3A : vector<16xi32>
        %and3A_785 = arith.constant 63 : i32
        %and3A_786 = vector.broadcast %and3A_785 : i32 to vector<16xi32>
        %and3A_787 = arith.andi %add3A_784, %and3A_786 : vector<16xi32>
        %gather3A_788 = arith.constant 0 : i32
        %gather3A_789 = arith.constant 0 : i32
        %gather3A_790 = tpu.memref_slice %arg7[%scan3A_231, %gather3A_788, %gather3A_789] : memref<2x128x128xf32, #tpu.memory_space<vmem>> -> memref<1x128x128xf32, #tpu.memory_space<vmem>>
        %gather3A_791 = tpu.memref_squeeze %gather3A_790 : memref<1x128x128xf32, #tpu.memory_space<vmem>> -> memref<128x128xf32, #tpu.memory_space<vmem>>
        %gather3A_792 = tpu.vector_load_idx %gather3A_791[%add3A_390, %and3A_787] : memref<128x128xf32, #tpu.memory_space<vmem>>[vector<16xi32>, vector<16xi32>], vector<16xf32>,
        %add3A_793 = arith.constant 64 : i32
        %add3A_794 = vector.broadcast %add3A_793 : i32 to vector<16xi32>
        %add3A_795 = arith.addi %and3A_787, %add3A_794 : vector<16xi32>
        %gather3A_796 = arith.constant 0 : i32
        %gather3A_797 = arith.constant 0 : i32
        %gather3A_798 = tpu.memref_slice %arg8[%scan3A_232, %gather3A_796, %gather3A_797] : memref<2x128x128xf32, #tpu.memory_space<vmem>> -> memref<1x128x128xf32, #tpu.memory_space<vmem>>
        %gather3A_799 = tpu.memref_squeeze %gather3A_798 : memref<1x128x128xf32, #tpu.memory_space<vmem>> -> memref<128x128xf32, #tpu.memory_space<vmem>>
        %gather3A_800 = tpu.vector_load_idx %gather3A_799[%add3A_390, %add3A_795] : memref<128x128xf32, #tpu.memory_space<vmem>>[vector<16xi32>, vector<16xi32>], vector<16xf32>,
        %mul3A_801 = arith.mulf %gather3A_792, %gather3A_800 : vector<16xf32>
        %add3A_802 = arith.addf %add3A_776, %mul3A_801 : vector<16xf32>
        %mul3A_803 = arith.constant 4 : i32
        %mul3A_804 = arith.muli %scan3A_410, %mul3A_803 : i32
        %add3A_805 = arith.constant 48 : i32
        %add3A_806 = arith.addi %add3A_805, %mul3A_804 : i32
        %add3A_807 = arith.constant 3 : i32
        %add3A_808 = arith.addi %add3A_806, %add3A_807 : i32
        %add3A_809 = vector.broadcast %add3A_808 : i32 to vector<16xi32>
        %add3A_810 = arith.addi %add3A_809, %iota3A : vector<16xi32>
        %and3A_811 = arith.constant 63 : i32
        %and3A_812 = vector.broadcast %and3A_811 : i32 to vector<16xi32>
        %and3A_813 = arith.andi %add3A_810, %and3A_812 : vector<16xi32>
        %gather3A_814 = arith.constant 0 : i32
        %gather3A_815 = arith.constant 0 : i32
        %gather3A_816 = tpu.memref_slice %arg7[%scan3A_231, %gather3A_814, %gather3A_815] : memref<2x128x128xf32, #tpu.memory_space<vmem>> -> memref<1x128x128xf32, #tpu.memory_space<vmem>>
        %gather3A_817 = tpu.memref_squeeze %gather3A_816 : memref<1x128x128xf32, #tpu.memory_space<vmem>> -> memref<128x128xf32, #tpu.memory_space<vmem>>
        %gather3A_818 = tpu.vector_load_idx %gather3A_817[%add3A_390, %and3A_813] : memref<128x128xf32, #tpu.memory_space<vmem>>[vector<16xi32>, vector<16xi32>], vector<16xf32>,
        %add3A_819 = arith.constant 64 : i32
        %add3A_820 = vector.broadcast %add3A_819 : i32 to vector<16xi32>
        %add3A_821 = arith.addi %and3A_813, %add3A_820 : vector<16xi32>
        %gather3A_822 = arith.constant 0 : i32
        %gather3A_823 = arith.constant 0 : i32
        %gather3A_824 = tpu.memref_slice %arg8[%scan3A_232, %gather3A_822, %gather3A_823] : memref<2x128x128xf32, #tpu.memory_space<vmem>> -> memref<1x128x128xf32, #tpu.memory_space<vmem>>
        %gather3A_825 = tpu.memref_squeeze %gather3A_824 : memref<1x128x128xf32, #tpu.memory_space<vmem>> -> memref<128x128xf32, #tpu.memory_space<vmem>>
        %gather3A_826 = tpu.vector_load_idx %gather3A_825[%add3A_390, %add3A_821] : memref<128x128xf32, #tpu.memory_space<vmem>>[vector<16xi32>, vector<16xi32>], vector<16xf32>,
        %mul3A_827 = arith.mulf %gather3A_818, %gather3A_826 : vector<16xf32>
        %add3A_828 = arith.addf %add3A_802, %mul3A_827 : vector<16xf32>
        scf.yield %add3A_516, %add3A_620, %add3A_724, %add3A_828 : vector<16xf32>, vector<16xf32>, vector<16xf32>, vector<16xf32>
      }
      %scan3A_397 = arith.constant 4 : i32
      %mul3A_398 = arith.constant 16 : i32
      %mul3A_399 = arith.muli %scan3A_386, %mul3A_398 : i32
      %add3A_400 = arith.constant 128 : i32
      %add3A_401 = arith.addi %add3A_400, %mul3A_399 : i32
      %multiple_of3A = tpu.assume_multiple %add3A_401, 16 : i32
      %get3A = arith.index_cast %multiple_of3A : i32 to index
      %get3A_402 = tpu.vector_load %arg9[%get3A] {strides = array<i32>} : memref<512xf32, #tpu.memory_space<vmem>>, vector<16xf32>,
      %add3A_403 = arith.addf %scan3A_396#0, %scan3A_396#1 : vector<16xf32>
      %add3A_404 = arith.addf %scan3A_396#2, %scan3A_396#3 : vector<16xf32>
      %add3A_405 = arith.addf %add3A_403, %add3A_404 : vector<16xf32>
      %add3A_406 = arith.addf %get3A_402, %get3A_402 : vector<16xf32>
      %add3A_407 = arith.addf %add3A_405, %add3A_406 : vector<16xf32>
      %multiple_of3A_408 = tpu.assume_multiple %add3A_401, 16 : i32
      %swap3A = arith.index_cast %multiple_of3A_408 : i32 to index
      %swap3A_409 = tpu.vector_load %arg10[%swap3A] {strides = array<i32>} : memref<512xf32, #tpu.memory_space<vmem>>, vector<16xf32>,
      tpu.vector_store %arg10[%swap3A], %add3A_407 {strides = array<i32>} : memref<512xf32, #tpu.memory_space<vmem>>, vector<16xf32>,
    }
    %scan3A_237 = arith.constant 8 : i32
    %dma_start3A_238 = arith.constant 3 : i32
    %dma_start3A_239 = arith.constant 0 : i32
    %dma_start3A_240 = arith.constant 1 : i32
    %dma_start3A_241 = arith.constant 1 : i32
    %dma_start3A_242 = arith.constant 0 : i32
    %dma_start3A_243 = arith.constant 0 : i32
    %dma_start3A_244 = tpu.memref_slice %arg7[%dma_start3A_240, %dma_start3A_242, %dma_start3A_243] : memref<2x128x128xf32, #tpu.memory_space<vmem>> -> memref<1x128x128xf32, #tpu.memory_space<vmem>>
    %dma_start3A_245 = tpu.memref_squeeze %dma_start3A_244 : memref<1x128x128xf32, #tpu.memory_space<vmem>> -> memref<128x128xf32, #tpu.memory_space<vmem>>
    %dma_start3A_246 = arith.constant 0 : i32
    %dma_start3A_247 = tpu.memref_slice %arg6[%dma_start3A_238, %dma_start3A_239, %dma_start3A_246] : memref<4x2x128xi32, #tpu.memory_space<vmem>> -> memref<1x1x128xi32, #tpu.memory_space<vmem>>
    %dma_start3A_248 = tpu.memref_squeeze %dma_start3A_247 : memref<1x1x128xi32, #tpu.memory_space<vmem>> -> memref<128xi32, #tpu.memory_space<vmem>>
    %dma_start3A_249 = arith.constant 0 : i32
    %dma_start3A_250 = arith.constant 0 : i32
    %dma_start3A_251 = tpu.memref_slice %arg3[%dma_start3A_249, %dma_start3A_250] : memref<106496x128xf32, #tpu.memory_space<hbm>> -> memref<106496x128xf32, #tpu.memory_space<hbm>>
    %dma_start3A_252 = tpu.memref_slice %arg11[%dma_start3A_241] : memref<2x!tpu.dma_semaphore, #tpu.memory_space<semaphore_mem>> -> memref<1x!tpu.dma_semaphore, #tpu.memory_space<semaphore_mem>>
    %dma_start3A_253 = tpu.memref_squeeze %dma_start3A_252 : memref<1x!tpu.dma_semaphore, #tpu.memory_space<semaphore_mem>> -> memref<!tpu.dma_semaphore, #tpu.memory_space<semaphore_mem>>
    tpu.enqueue_indirect_dma source(%dma_start3A_251 : memref<106496x128xf32, #tpu.memory_space<hbm>>) target(%dma_start3A_245 : memref<128x128xf32, #tpu.memory_space<vmem>>) offsets(%dma_start3A_248 : memref<128xi32, #tpu.memory_space<vmem>>) semaphore(%dma_start3A_253 : memref<!tpu.dma_semaphore, #tpu.memory_space<semaphore_mem>>)
    %dma_start3A_254 = arith.constant 3 : i32
    %dma_start3A_255 = arith.constant 1 : i32
    %dma_start3A_256 = arith.constant 1 : i32
    %dma_start3A_257 = arith.constant 1 : i32
    %dma_start3A_258 = arith.constant 0 : i32
    %dma_start3A_259 = arith.constant 0 : i32
    %dma_start3A_260 = tpu.memref_slice %arg8[%dma_start3A_256, %dma_start3A_258, %dma_start3A_259] : memref<2x128x128xf32, #tpu.memory_space<vmem>> -> memref<1x128x128xf32, #tpu.memory_space<vmem>>
    %dma_start3A_261 = tpu.memref_squeeze %dma_start3A_260 : memref<1x128x128xf32, #tpu.memory_space<vmem>> -> memref<128x128xf32, #tpu.memory_space<vmem>>
    %dma_start3A_262 = arith.constant 0 : i32
    %dma_start3A_263 = tpu.memref_slice %arg6[%dma_start3A_254, %dma_start3A_255, %dma_start3A_262] : memref<4x2x128xi32, #tpu.memory_space<vmem>> -> memref<1x1x128xi32, #tpu.memory_space<vmem>>
    %dma_start3A_264 = tpu.memref_squeeze %dma_start3A_263 : memref<1x1x128xi32, #tpu.memory_space<vmem>> -> memref<128xi32, #tpu.memory_space<vmem>>
    %dma_start3A_265 = arith.constant 0 : i32
    %dma_start3A_266 = arith.constant 0 : i32
    %dma_start3A_267 = tpu.memref_slice %arg3[%dma_start3A_265, %dma_start3A_266] : memref<106496x128xf32, #tpu.memory_space<hbm>> -> memref<106496x128xf32, #tpu.memory_space<hbm>>
    %dma_start3A_268 = tpu.memref_slice %arg11[%dma_start3A_257] : memref<2x!tpu.dma_semaphore, #tpu.memory_space<semaphore_mem>> -> memref<1x!tpu.dma_semaphore, #tpu.memory_space<semaphore_mem>>
    %dma_start3A_269 = tpu.memref_squeeze %dma_start3A_268 : memref<1x!tpu.dma_semaphore, #tpu.memory_space<semaphore_mem>> -> memref<!tpu.dma_semaphore, #tpu.memory_space<semaphore_mem>>
    tpu.enqueue_indirect_dma source(%dma_start3A_267 : memref<106496x128xf32, #tpu.memory_space<hbm>>) target(%dma_start3A_261 : memref<128x128xf32, #tpu.memory_space<vmem>>) offsets(%dma_start3A_264 : memref<128xi32, #tpu.memory_space<vmem>>) semaphore(%dma_start3A_269 : memref<!tpu.dma_semaphore, #tpu.memory_space<semaphore_mem>>)
    %dma_start3A_270 = arith.constant 3 : i32
    %dma_start3A_271 = arith.constant 0 : i32
    %dma_start3A_272 = arith.constant 1 : i32
    %dma_start3A_273 = arith.constant 384 : i32
    %dma_start3A_274 = tpu.memref_slice %arg9[%dma_start3A_273] : memref<512xf32, #tpu.memory_space<vmem>> -> memref<128xf32, #tpu.memory_space<vmem>>
    %dma_start3A_275 = arith.constant 0 : i32
    %dma_start3A_276 = tpu.memref_slice %arg6[%dma_start3A_270, %dma_start3A_271, %dma_start3A_275] : memref<4x2x128xi32, #tpu.memory_space<vmem>> -> memref<1x1x128xi32, #tpu.memory_space<vmem>>
    %dma_start3A_277 = tpu.memref_squeeze %dma_start3A_276 : memref<1x1x128xi32, #tpu.memory_space<vmem>> -> memref<128xi32, #tpu.memory_space<vmem>>
    %dma_start3A_278 = arith.constant 0 : i32
    %dma_start3A_279 = tpu.memref_slice %arg4[%dma_start3A_278] : memref<100000xf32, #tpu.memory_space<hbm>> -> memref<100000xf32, #tpu.memory_space<hbm>>
    %dma_start3A_280 = tpu.memref_slice %arg11[%dma_start3A_272] : memref<2x!tpu.dma_semaphore, #tpu.memory_space<semaphore_mem>> -> memref<1x!tpu.dma_semaphore, #tpu.memory_space<semaphore_mem>>
    %dma_start3A_281 = tpu.memref_squeeze %dma_start3A_280 : memref<1x!tpu.dma_semaphore, #tpu.memory_space<semaphore_mem>> -> memref<!tpu.dma_semaphore, #tpu.memory_space<semaphore_mem>>
    tpu.enqueue_indirect_dma source(%dma_start3A_279 : memref<100000xf32, #tpu.memory_space<hbm>>) target(%dma_start3A_274 : memref<128xf32, #tpu.memory_space<vmem>>) offsets(%dma_start3A_277 : memref<128xi32, #tpu.memory_space<vmem>>) semaphore(%dma_start3A_281 : memref<!tpu.dma_semaphore, #tpu.memory_space<semaphore_mem>>)
    %dma_wait3A_282 = arith.constant 2 : i32
    %dma_wait3A_283 = arith.constant 0 : i32
    %dma_wait3A_284 = arith.constant 0 : i32
    %dma_wait3A_285 = arith.constant 0 : i32
    %dma_wait3A_286 = arith.constant 0 : i32
    %dma_wait3A_287 = arith.constant 0 : i32
    %dma_wait3A_288 = tpu.memref_slice %arg7[%dma_wait3A_284, %dma_wait3A_286, %dma_wait3A_287] : memref<2x128x128xf32, #tpu.memory_space<vmem>> -> memref<1x128x128xf32, #tpu.memory_space<vmem>>
    %dma_wait3A_289 = tpu.memref_squeeze %dma_wait3A_288 : memref<1x128x128xf32, #tpu.memory_space<vmem>> -> memref<128x128xf32, #tpu.memory_space<vmem>>
    %dma_wait3A_290 = arith.constant 0 : i32
    %dma_wait3A_291 = tpu.memref_slice %arg6[%dma_wait3A_282, %dma_wait3A_283, %dma_wait3A_290] : memref<4x2x128xi32, #tpu.memory_space<vmem>> -> memref<1x1x128xi32, #tpu.memory_space<vmem>>
    %dma_wait3A_292 = tpu.memref_squeeze %dma_wait3A_291 : memref<1x1x128xi32, #tpu.memory_space<vmem>> -> memref<128xi32, #tpu.memory_space<vmem>>
    %dma_wait3A_293 = arith.constant 0 : i32
    %dma_wait3A_294 = arith.constant 0 : i32
    %dma_wait3A_295 = tpu.memref_slice %arg3[%dma_wait3A_293, %dma_wait3A_294] : memref<106496x128xf32, #tpu.memory_space<hbm>> -> memref<106496x128xf32, #tpu.memory_space<hbm>>
    %dma_wait3A_296 = tpu.memref_slice %arg11[%dma_wait3A_285] : memref<2x!tpu.dma_semaphore, #tpu.memory_space<semaphore_mem>> -> memref<1x!tpu.dma_semaphore, #tpu.memory_space<semaphore_mem>>
    %dma_wait3A_297 = tpu.memref_squeeze %dma_wait3A_296 : memref<1x!tpu.dma_semaphore, #tpu.memory_space<semaphore_mem>> -> memref<!tpu.dma_semaphore, #tpu.memory_space<semaphore_mem>>
    tpu.wait_indirect_dma semaphore(%dma_wait3A_297 : memref<!tpu.dma_semaphore, #tpu.memory_space<semaphore_mem>>) src(%dma_wait3A_295 : memref<106496x128xf32, #tpu.memory_space<hbm>>) dst(%dma_wait3A_289 : memref<128x128xf32, #tpu.memory_space<vmem>>)
    %dma_wait3A_298 = arith.constant 2 : i32
    %dma_wait3A_299 = arith.constant 1 : i32
    %dma_wait3A_300 = arith.constant 0 : i32
    %dma_wait3A_301 = arith.constant 0 : i32
    %dma_wait3A_302 = arith.constant 0 : i32
    %dma_wait3A_303 = arith.constant 0 : i32
    %dma_wait3A_304 = tpu.memref_slice %arg8[%dma_wait3A_300, %dma_wait3A_302, %dma_wait3A_303] : memref<2x128x128xf32, #tpu.memory_space<vmem>> -> memref<1x128x128xf32, #tpu.memory_space<vmem>>
    %dma_wait3A_305 = tpu.memref_squeeze %dma_wait3A_304 : memref<1x128x128xf32, #tpu.memory_space<vmem>> -> memref<128x128xf32, #tpu.memory_space<vmem>>
    %dma_wait3A_306 = arith.constant 0 : i32
    %dma_wait3A_307 = tpu.memref_slice %arg6[%dma_wait3A_298, %dma_wait3A_299, %dma_wait3A_306] : memref<4x2x128xi32, #tpu.memory_space<vmem>> -> memref<1x1x128xi32, #tpu.memory_space<vmem>>
    %dma_wait3A_308 = tpu.memref_squeeze %dma_wait3A_307 : memref<1x1x128xi32, #tpu.memory_space<vmem>> -> memref<128xi32, #tpu.memory_space<vmem>>
    %dma_wait3A_309 = arith.constant 0 : i32
    %dma_wait3A_310 = arith.constant 0 : i32
    %dma_wait3A_311 = tpu.memref_slice %arg3[%dma_wait3A_309, %dma_wait3A_310] : memref<106496x128xf32, #tpu.memory_space<hbm>> -> memref<106496x128xf32, #tpu.memory_space<hbm>>
    %dma_wait3A_312 = tpu.memref_slice %arg11[%dma_wait3A_301] : memref<2x!tpu.dma_semaphore, #tpu.memory_space<semaphore_mem>> -> memref<1x!tpu.dma_semaphore, #tpu.memory_space<semaphore_mem>>
    %dma_wait3A_313 = tpu.memref_squeeze %dma_wait3A_312 : memref<1x!tpu.dma_semaphore, #tpu.memory_space<semaphore_mem>> -> memref<!tpu.dma_semaphore, #tpu.memory_space<semaphore_mem>>
    tpu.wait_indirect_dma semaphore(%dma_wait3A_313 : memref<!tpu.dma_semaphore, #tpu.memory_space<semaphore_mem>>) src(%dma_wait3A_311 : memref<106496x128xf32, #tpu.memory_space<hbm>>) dst(%dma_wait3A_305 : memref<128x128xf32, #tpu.memory_space<vmem>>)
    %dma_wait3A_314 = arith.constant 2 : i32
    %dma_wait3A_315 = arith.constant 0 : i32
    %dma_wait3A_316 = arith.constant 0 : i32
    %dma_wait3A_317 = arith.constant 256 : i32
    %dma_wait3A_318 = tpu.memref_slice %arg9[%dma_wait3A_317] : memref<512xf32, #tpu.memory_space<vmem>> -> memref<128xf32, #tpu.memory_space<vmem>>
    %dma_wait3A_319 = arith.constant 0 : i32
    %dma_wait3A_320 = tpu.memref_slice %arg6[%dma_wait3A_314, %dma_wait3A_315, %dma_wait3A_319] : memref<4x2x128xi32, #tpu.memory_space<vmem>> -> memref<1x1x128xi32, #tpu.memory_space<vmem>>
    %dma_wait3A_321 = tpu.memref_squeeze %dma_wait3A_320 : memref<1x1x128xi32, #tpu.memory_space<vmem>> -> memref<128xi32, #tpu.memory_space<vmem>>
    %dma_wait3A_322 = arith.constant 0 : i32
    %dma_wait3A_323 = tpu.memref_slice %arg4[%dma_wait3A_322] : memref<100000xf32, #tpu.memory_space<hbm>> -> memref<100000xf32, #tpu.memory_space<hbm>>
    %dma_wait3A_324 = tpu.memref_slice %arg11[%dma_wait3A_316] : memref<2x!tpu.dma_semaphore, #tpu.memory_space<semaphore_mem>> -> memref<1x!tpu.dma_semaphore, #tpu.memory_space<semaphore_mem>>
    %dma_wait3A_325 = tpu.memref_squeeze %dma_wait3A_324 : memref<1x!tpu.dma_semaphore, #tpu.memory_space<semaphore_mem>> -> memref<!tpu.dma_semaphore, #tpu.memory_space<semaphore_mem>>
    tpu.wait_indirect_dma semaphore(%dma_wait3A_325 : memref<!tpu.dma_semaphore, #tpu.memory_space<semaphore_mem>>) src(%dma_wait3A_323 : memref<100000xf32, #tpu.memory_space<hbm>>) dst(%dma_wait3A_318 : memref<128xf32, #tpu.memory_space<vmem>>)
    %scan3A_326 = arith.constant 0 : i32
    %scan3A_327 = arith.constant 0 : i32
    %scan3A_328 = arith.constant 0 : i32
    %scan3A_329 = arith.constant 0 : i32
    %scan3A_330 = arith.constant 8 : i32
    %scan3A_331 = arith.addi %scan3A_329, %scan3A_330 : i32
    %scan3A_332 = arith.constant 1 : i32
    scf.for %scan3A_386 = %scan3A_329 to %scan3A_331 step %scan3A_332  : i32 {
      %iota3A = tpu.iota {dimensions = array<i32: 0>} : vector<16xi32>
      %mul3A_387 = arith.constant 16 : i32
      %mul3A_388 = arith.muli %scan3A_386, %mul3A_387 : i32
      %add3A_389 = vector.broadcast %mul3A_388 : i32 to vector<16xi32>
      %add3A_390 = arith.addi %add3A_389, %iota3A : vector<16xi32>
      %broadcast_in_dim3A = arith.constant 0.000000e+00 : f32
      %broadcast_in_dim3A_391 = vector.broadcast %broadcast_in_dim3A : f32 to vector<16xf32>
      %scan3A_392 = arith.constant 0 : i32
      %scan3A_393 = arith.constant 4 : i32
      %scan3A_394 = arith.addi %scan3A_392, %scan3A_393 : i32
      %scan3A_395 = arith.constant 1 : i32
      %scan3A_396:4 = scf.for %scan3A_410 = %scan3A_392 to %scan3A_394 step %scan3A_395 iter_args(%scan3A_411 = %broadcast_in_dim3A_391, %scan3A_412 = %broadcast_in_dim3A_391, %scan3A_413 = %broadcast_in_dim3A_391, %scan3A_414 = %broadcast_in_dim3A_391) -> (vector<16xf32>, vector<16xf32>, vector<16xf32>, vector<16xf32>)  : i32 {
        %mul3A_415 = arith.constant 4 : i32
        %mul3A_416 = arith.muli %scan3A_410, %mul3A_415 : i32
        %add3A_417 = arith.constant 0 : i32
        %add3A_418 = arith.addi %add3A_417, %mul3A_416 : i32
        %add3A_419 = arith.constant 0 : i32
        %add3A_420 = arith.addi %add3A_418, %add3A_419 : i32
        %add3A_421 = vector.broadcast %add3A_420 : i32 to vector<16xi32>
        %add3A_422 = arith.addi %add3A_421, %iota3A : vector<16xi32>
        %and3A = arith.constant 63 : i32
        %and3A_423 = vector.broadcast %and3A : i32 to vector<16xi32>
        %and3A_424 = arith.andi %add3A_422, %and3A_423 : vector<16xi32>
        %gather3A = arith.constant 0 : i32
        %gather3A_425 = arith.constant 0 : i32
        %gather3A_426 = tpu.memref_slice %arg7[%scan3A_327, %gather3A, %gather3A_425] : memref<2x128x128xf32, #tpu.memory_space<vmem>> -> memref<1x128x128xf32, #tpu.memory_space<vmem>>
        %gather3A_427 = tpu.memref_squeeze %gather3A_426 : memref<1x128x128xf32, #tpu.memory_space<vmem>> -> memref<128x128xf32, #tpu.memory_space<vmem>>
        %gather3A_428 = tpu.vector_load_idx %gather3A_427[%add3A_390, %and3A_424] : memref<128x128xf32, #tpu.memory_space<vmem>>[vector<16xi32>, vector<16xi32>], vector<16xf32>,
        %add3A_429 = arith.constant 64 : i32
        %add3A_430 = vector.broadcast %add3A_429 : i32 to vector<16xi32>
        %add3A_431 = arith.addi %and3A_424, %add3A_430 : vector<16xi32>
        %gather3A_432 = arith.constant 0 : i32
        %gather3A_433 = arith.constant 0 : i32
        %gather3A_434 = tpu.memref_slice %arg8[%scan3A_328, %gather3A_432, %gather3A_433] : memref<2x128x128xf32, #tpu.memory_space<vmem>> -> memref<1x128x128xf32, #tpu.memory_space<vmem>>
        %gather3A_435 = tpu.memref_squeeze %gather3A_434 : memref<1x128x128xf32, #tpu.memory_space<vmem>> -> memref<128x128xf32, #tpu.memory_space<vmem>>
        %gather3A_436 = tpu.vector_load_idx %gather3A_435[%add3A_390, %add3A_431] : memref<128x128xf32, #tpu.memory_space<vmem>>[vector<16xi32>, vector<16xi32>], vector<16xf32>,
        %mul3A_437 = arith.mulf %gather3A_428, %gather3A_436 : vector<16xf32>
        %add3A_438 = arith.addf %scan3A_411, %mul3A_437 : vector<16xf32>
        %mul3A_439 = arith.constant 4 : i32
        %mul3A_440 = arith.muli %scan3A_410, %mul3A_439 : i32
        %add3A_441 = arith.constant 0 : i32
        %add3A_442 = arith.addi %add3A_441, %mul3A_440 : i32
        %add3A_443 = arith.constant 1 : i32
        %add3A_444 = arith.addi %add3A_442, %add3A_443 : i32
        %add3A_445 = vector.broadcast %add3A_444 : i32 to vector<16xi32>
        %add3A_446 = arith.addi %add3A_445, %iota3A : vector<16xi32>
        %and3A_447 = arith.constant 63 : i32
        %and3A_448 = vector.broadcast %and3A_447 : i32 to vector<16xi32>
        %and3A_449 = arith.andi %add3A_446, %and3A_448 : vector<16xi32>
        %gather3A_450 = arith.constant 0 : i32
        %gather3A_451 = arith.constant 0 : i32
        %gather3A_452 = tpu.memref_slice %arg7[%scan3A_327, %gather3A_450, %gather3A_451] : memref<2x128x128xf32, #tpu.memory_space<vmem>> -> memref<1x128x128xf32, #tpu.memory_space<vmem>>
        %gather3A_453 = tpu.memref_squeeze %gather3A_452 : memref<1x128x128xf32, #tpu.memory_space<vmem>> -> memref<128x128xf32, #tpu.memory_space<vmem>>
        %gather3A_454 = tpu.vector_load_idx %gather3A_453[%add3A_390, %and3A_449] : memref<128x128xf32, #tpu.memory_space<vmem>>[vector<16xi32>, vector<16xi32>], vector<16xf32>,
        %add3A_455 = arith.constant 64 : i32
        %add3A_456 = vector.broadcast %add3A_455 : i32 to vector<16xi32>
        %add3A_457 = arith.addi %and3A_449, %add3A_456 : vector<16xi32>
        %gather3A_458 = arith.constant 0 : i32
        %gather3A_459 = arith.constant 0 : i32
        %gather3A_460 = tpu.memref_slice %arg8[%scan3A_328, %gather3A_458, %gather3A_459] : memref<2x128x128xf32, #tpu.memory_space<vmem>> -> memref<1x128x128xf32, #tpu.memory_space<vmem>>
        %gather3A_461 = tpu.memref_squeeze %gather3A_460 : memref<1x128x128xf32, #tpu.memory_space<vmem>> -> memref<128x128xf32, #tpu.memory_space<vmem>>
        %gather3A_462 = tpu.vector_load_idx %gather3A_461[%add3A_390, %add3A_457] : memref<128x128xf32, #tpu.memory_space<vmem>>[vector<16xi32>, vector<16xi32>], vector<16xf32>,
        %mul3A_463 = arith.mulf %gather3A_454, %gather3A_462 : vector<16xf32>
        %add3A_464 = arith.addf %add3A_438, %mul3A_463 : vector<16xf32>
        %mul3A_465 = arith.constant 4 : i32
        %mul3A_466 = arith.muli %scan3A_410, %mul3A_465 : i32
        %add3A_467 = arith.constant 0 : i32
        %add3A_468 = arith.addi %add3A_467, %mul3A_466 : i32
        %add3A_469 = arith.constant 2 : i32
        %add3A_470 = arith.addi %add3A_468, %add3A_469 : i32
        %add3A_471 = vector.broadcast %add3A_470 : i32 to vector<16xi32>
        %add3A_472 = arith.addi %add3A_471, %iota3A : vector<16xi32>
        %and3A_473 = arith.constant 63 : i32
        %and3A_474 = vector.broadcast %and3A_473 : i32 to vector<16xi32>
        %and3A_475 = arith.andi %add3A_472, %and3A_474 : vector<16xi32>
        %gather3A_476 = arith.constant 0 : i32
        %gather3A_477 = arith.constant 0 : i32
        %gather3A_478 = tpu.memref_slice %arg7[%scan3A_327, %gather3A_476, %gather3A_477] : memref<2x128x128xf32, #tpu.memory_space<vmem>> -> memref<1x128x128xf32, #tpu.memory_space<vmem>>
        %gather3A_479 = tpu.memref_squeeze %gather3A_478 : memref<1x128x128xf32, #tpu.memory_space<vmem>> -> memref<128x128xf32, #tpu.memory_space<vmem>>
        %gather3A_480 = tpu.vector_load_idx %gather3A_479[%add3A_390, %and3A_475] : memref<128x128xf32, #tpu.memory_space<vmem>>[vector<16xi32>, vector<16xi32>], vector<16xf32>,
        %add3A_481 = arith.constant 64 : i32
        %add3A_482 = vector.broadcast %add3A_481 : i32 to vector<16xi32>
        %add3A_483 = arith.addi %and3A_475, %add3A_482 : vector<16xi32>
        %gather3A_484 = arith.constant 0 : i32
        %gather3A_485 = arith.constant 0 : i32
        %gather3A_486 = tpu.memref_slice %arg8[%scan3A_328, %gather3A_484, %gather3A_485] : memref<2x128x128xf32, #tpu.memory_space<vmem>> -> memref<1x128x128xf32, #tpu.memory_space<vmem>>
        %gather3A_487 = tpu.memref_squeeze %gather3A_486 : memref<1x128x128xf32, #tpu.memory_space<vmem>> -> memref<128x128xf32, #tpu.memory_space<vmem>>
        %gather3A_488 = tpu.vector_load_idx %gather3A_487[%add3A_390, %add3A_483] : memref<128x128xf32, #tpu.memory_space<vmem>>[vector<16xi32>, vector<16xi32>], vector<16xf32>,
        %mul3A_489 = arith.mulf %gather3A_480, %gather3A_488 : vector<16xf32>
        %add3A_490 = arith.addf %add3A_464, %mul3A_489 : vector<16xf32>
        %mul3A_491 = arith.constant 4 : i32
        %mul3A_492 = arith.muli %scan3A_410, %mul3A_491 : i32
        %add3A_493 = arith.constant 0 : i32
        %add3A_494 = arith.addi %add3A_493, %mul3A_492 : i32
        %add3A_495 = arith.constant 3 : i32
        %add3A_496 = arith.addi %add3A_494, %add3A_495 : i32
        %add3A_497 = vector.broadcast %add3A_496 : i32 to vector<16xi32>
        %add3A_498 = arith.addi %add3A_497, %iota3A : vector<16xi32>
        %and3A_499 = arith.constant 63 : i32
        %and3A_500 = vector.broadcast %and3A_499 : i32 to vector<16xi32>
        %and3A_501 = arith.andi %add3A_498, %and3A_500 : vector<16xi32>
        %gather3A_502 = arith.constant 0 : i32
        %gather3A_503 = arith.constant 0 : i32
        %gather3A_504 = tpu.memref_slice %arg7[%scan3A_327, %gather3A_502, %gather3A_503] : memref<2x128x128xf32, #tpu.memory_space<vmem>> -> memref<1x128x128xf32, #tpu.memory_space<vmem>>
        %gather3A_505 = tpu.memref_squeeze %gather3A_504 : memref<1x128x128xf32, #tpu.memory_space<vmem>> -> memref<128x128xf32, #tpu.memory_space<vmem>>
        %gather3A_506 = tpu.vector_load_idx %gather3A_505[%add3A_390, %and3A_501] : memref<128x128xf32, #tpu.memory_space<vmem>>[vector<16xi32>, vector<16xi32>], vector<16xf32>,
        %add3A_507 = arith.constant 64 : i32
        %add3A_508 = vector.broadcast %add3A_507 : i32 to vector<16xi32>
        %add3A_509 = arith.addi %and3A_501, %add3A_508 : vector<16xi32>
        %gather3A_510 = arith.constant 0 : i32
        %gather3A_511 = arith.constant 0 : i32
        %gather3A_512 = tpu.memref_slice %arg8[%scan3A_328, %gather3A_510, %gather3A_511] : memref<2x128x128xf32, #tpu.memory_space<vmem>> -> memref<1x128x128xf32, #tpu.memory_space<vmem>>
        %gather3A_513 = tpu.memref_squeeze %gather3A_512 : memref<1x128x128xf32, #tpu.memory_space<vmem>> -> memref<128x128xf32, #tpu.memory_space<vmem>>
        %gather3A_514 = tpu.vector_load_idx %gather3A_513[%add3A_390, %add3A_509] : memref<128x128xf32, #tpu.memory_space<vmem>>[vector<16xi32>, vector<16xi32>], vector<16xf32>,
        %mul3A_515 = arith.mulf %gather3A_506, %gather3A_514 : vector<16xf32>
        %add3A_516 = arith.addf %add3A_490, %mul3A_515 : vector<16xf32>
        %mul3A_517 = arith.constant 4 : i32
        %mul3A_518 = arith.muli %scan3A_410, %mul3A_517 : i32
        %add3A_519 = arith.constant 16 : i32
        %add3A_520 = arith.addi %add3A_519, %mul3A_518 : i32
        %add3A_521 = arith.constant 0 : i32
        %add3A_522 = arith.addi %add3A_520, %add3A_521 : i32
        %add3A_523 = vector.broadcast %add3A_522 : i32 to vector<16xi32>
        %add3A_524 = arith.addi %add3A_523, %iota3A : vector<16xi32>
        %and3A_525 = arith.constant 63 : i32
        %and3A_526 = vector.broadcast %and3A_525 : i32 to vector<16xi32>
        %and3A_527 = arith.andi %add3A_524, %and3A_526 : vector<16xi32>
        %gather3A_528 = arith.constant 0 : i32
        %gather3A_529 = arith.constant 0 : i32
        %gather3A_530 = tpu.memref_slice %arg7[%scan3A_327, %gather3A_528, %gather3A_529] : memref<2x128x128xf32, #tpu.memory_space<vmem>> -> memref<1x128x128xf32, #tpu.memory_space<vmem>>
        %gather3A_531 = tpu.memref_squeeze %gather3A_530 : memref<1x128x128xf32, #tpu.memory_space<vmem>> -> memref<128x128xf32, #tpu.memory_space<vmem>>
        %gather3A_532 = tpu.vector_load_idx %gather3A_531[%add3A_390, %and3A_527] : memref<128x128xf32, #tpu.memory_space<vmem>>[vector<16xi32>, vector<16xi32>], vector<16xf32>,
        %add3A_533 = arith.constant 64 : i32
        %add3A_534 = vector.broadcast %add3A_533 : i32 to vector<16xi32>
        %add3A_535 = arith.addi %and3A_527, %add3A_534 : vector<16xi32>
        %gather3A_536 = arith.constant 0 : i32
        %gather3A_537 = arith.constant 0 : i32
        %gather3A_538 = tpu.memref_slice %arg8[%scan3A_328, %gather3A_536, %gather3A_537] : memref<2x128x128xf32, #tpu.memory_space<vmem>> -> memref<1x128x128xf32, #tpu.memory_space<vmem>>
        %gather3A_539 = tpu.memref_squeeze %gather3A_538 : memref<1x128x128xf32, #tpu.memory_space<vmem>> -> memref<128x128xf32, #tpu.memory_space<vmem>>
        %gather3A_540 = tpu.vector_load_idx %gather3A_539[%add3A_390, %add3A_535] : memref<128x128xf32, #tpu.memory_space<vmem>>[vector<16xi32>, vector<16xi32>], vector<16xf32>,
        %mul3A_541 = arith.mulf %gather3A_532, %gather3A_540 : vector<16xf32>
        %add3A_542 = arith.addf %scan3A_412, %mul3A_541 : vector<16xf32>
        %mul3A_543 = arith.constant 4 : i32
        %mul3A_544 = arith.muli %scan3A_410, %mul3A_543 : i32
        %add3A_545 = arith.constant 16 : i32
        %add3A_546 = arith.addi %add3A_545, %mul3A_544 : i32
        %add3A_547 = arith.constant 1 : i32
        %add3A_548 = arith.addi %add3A_546, %add3A_547 : i32
        %add3A_549 = vector.broadcast %add3A_548 : i32 to vector<16xi32>
        %add3A_550 = arith.addi %add3A_549, %iota3A : vector<16xi32>
        %and3A_551 = arith.constant 63 : i32
        %and3A_552 = vector.broadcast %and3A_551 : i32 to vector<16xi32>
        %and3A_553 = arith.andi %add3A_550, %and3A_552 : vector<16xi32>
        %gather3A_554 = arith.constant 0 : i32
        %gather3A_555 = arith.constant 0 : i32
        %gather3A_556 = tpu.memref_slice %arg7[%scan3A_327, %gather3A_554, %gather3A_555] : memref<2x128x128xf32, #tpu.memory_space<vmem>> -> memref<1x128x128xf32, #tpu.memory_space<vmem>>
        %gather3A_557 = tpu.memref_squeeze %gather3A_556 : memref<1x128x128xf32, #tpu.memory_space<vmem>> -> memref<128x128xf32, #tpu.memory_space<vmem>>
        %gather3A_558 = tpu.vector_load_idx %gather3A_557[%add3A_390, %and3A_553] : memref<128x128xf32, #tpu.memory_space<vmem>>[vector<16xi32>, vector<16xi32>], vector<16xf32>,
        %add3A_559 = arith.constant 64 : i32
        %add3A_560 = vector.broadcast %add3A_559 : i32 to vector<16xi32>
        %add3A_561 = arith.addi %and3A_553, %add3A_560 : vector<16xi32>
        %gather3A_562 = arith.constant 0 : i32
        %gather3A_563 = arith.constant 0 : i32
        %gather3A_564 = tpu.memref_slice %arg8[%scan3A_328, %gather3A_562, %gather3A_563] : memref<2x128x128xf32, #tpu.memory_space<vmem>> -> memref<1x128x128xf32, #tpu.memory_space<vmem>>
        %gather3A_565 = tpu.memref_squeeze %gather3A_564 : memref<1x128x128xf32, #tpu.memory_space<vmem>> -> memref<128x128xf32, #tpu.memory_space<vmem>>
        %gather3A_566 = tpu.vector_load_idx %gather3A_565[%add3A_390, %add3A_561] : memref<128x128xf32, #tpu.memory_space<vmem>>[vector<16xi32>, vector<16xi32>], vector<16xf32>,
        %mul3A_567 = arith.mulf %gather3A_558, %gather3A_566 : vector<16xf32>
        %add3A_568 = arith.addf %add3A_542, %mul3A_567 : vector<16xf32>
        %mul3A_569 = arith.constant 4 : i32
        %mul3A_570 = arith.muli %scan3A_410, %mul3A_569 : i32
        %add3A_571 = arith.constant 16 : i32
        %add3A_572 = arith.addi %add3A_571, %mul3A_570 : i32
        %add3A_573 = arith.constant 2 : i32
        %add3A_574 = arith.addi %add3A_572, %add3A_573 : i32
        %add3A_575 = vector.broadcast %add3A_574 : i32 to vector<16xi32>
        %add3A_576 = arith.addi %add3A_575, %iota3A : vector<16xi32>
        %and3A_577 = arith.constant 63 : i32
        %and3A_578 = vector.broadcast %and3A_577 : i32 to vector<16xi32>
        %and3A_579 = arith.andi %add3A_576, %and3A_578 : vector<16xi32>
        %gather3A_580 = arith.constant 0 : i32
        %gather3A_581 = arith.constant 0 : i32
        %gather3A_582 = tpu.memref_slice %arg7[%scan3A_327, %gather3A_580, %gather3A_581] : memref<2x128x128xf32, #tpu.memory_space<vmem>> -> memref<1x128x128xf32, #tpu.memory_space<vmem>>
        %gather3A_583 = tpu.memref_squeeze %gather3A_582 : memref<1x128x128xf32, #tpu.memory_space<vmem>> -> memref<128x128xf32, #tpu.memory_space<vmem>>
        %gather3A_584 = tpu.vector_load_idx %gather3A_583[%add3A_390, %and3A_579] : memref<128x128xf32, #tpu.memory_space<vmem>>[vector<16xi32>, vector<16xi32>], vector<16xf32>,
        %add3A_585 = arith.constant 64 : i32
        %add3A_586 = vector.broadcast %add3A_585 : i32 to vector<16xi32>
        %add3A_587 = arith.addi %and3A_579, %add3A_586 : vector<16xi32>
        %gather3A_588 = arith.constant 0 : i32
        %gather3A_589 = arith.constant 0 : i32
        %gather3A_590 = tpu.memref_slice %arg8[%scan3A_328, %gather3A_588, %gather3A_589] : memref<2x128x128xf32, #tpu.memory_space<vmem>> -> memref<1x128x128xf32, #tpu.memory_space<vmem>>
        %gather3A_591 = tpu.memref_squeeze %gather3A_590 : memref<1x128x128xf32, #tpu.memory_space<vmem>> -> memref<128x128xf32, #tpu.memory_space<vmem>>
        %gather3A_592 = tpu.vector_load_idx %gather3A_591[%add3A_390, %add3A_587] : memref<128x128xf32, #tpu.memory_space<vmem>>[vector<16xi32>, vector<16xi32>], vector<16xf32>,
        %mul3A_593 = arith.mulf %gather3A_584, %gather3A_592 : vector<16xf32>
        %add3A_594 = arith.addf %add3A_568, %mul3A_593 : vector<16xf32>
        %mul3A_595 = arith.constant 4 : i32
        %mul3A_596 = arith.muli %scan3A_410, %mul3A_595 : i32
        %add3A_597 = arith.constant 16 : i32
        %add3A_598 = arith.addi %add3A_597, %mul3A_596 : i32
        %add3A_599 = arith.constant 3 : i32
        %add3A_600 = arith.addi %add3A_598, %add3A_599 : i32
        %add3A_601 = vector.broadcast %add3A_600 : i32 to vector<16xi32>
        %add3A_602 = arith.addi %add3A_601, %iota3A : vector<16xi32>
        %and3A_603 = arith.constant 63 : i32
        %and3A_604 = vector.broadcast %and3A_603 : i32 to vector<16xi32>
        %and3A_605 = arith.andi %add3A_602, %and3A_604 : vector<16xi32>
        %gather3A_606 = arith.constant 0 : i32
        %gather3A_607 = arith.constant 0 : i32
        %gather3A_608 = tpu.memref_slice %arg7[%scan3A_327, %gather3A_606, %gather3A_607] : memref<2x128x128xf32, #tpu.memory_space<vmem>> -> memref<1x128x128xf32, #tpu.memory_space<vmem>>
        %gather3A_609 = tpu.memref_squeeze %gather3A_608 : memref<1x128x128xf32, #tpu.memory_space<vmem>> -> memref<128x128xf32, #tpu.memory_space<vmem>>
        %gather3A_610 = tpu.vector_load_idx %gather3A_609[%add3A_390, %and3A_605] : memref<128x128xf32, #tpu.memory_space<vmem>>[vector<16xi32>, vector<16xi32>], vector<16xf32>,
        %add3A_611 = arith.constant 64 : i32
        %add3A_612 = vector.broadcast %add3A_611 : i32 to vector<16xi32>
        %add3A_613 = arith.addi %and3A_605, %add3A_612 : vector<16xi32>
        %gather3A_614 = arith.constant 0 : i32
        %gather3A_615 = arith.constant 0 : i32
        %gather3A_616 = tpu.memref_slice %arg8[%scan3A_328, %gather3A_614, %gather3A_615] : memref<2x128x128xf32, #tpu.memory_space<vmem>> -> memref<1x128x128xf32, #tpu.memory_space<vmem>>
        %gather3A_617 = tpu.memref_squeeze %gather3A_616 : memref<1x128x128xf32, #tpu.memory_space<vmem>> -> memref<128x128xf32, #tpu.memory_space<vmem>>
        %gather3A_618 = tpu.vector_load_idx %gather3A_617[%add3A_390, %add3A_613] : memref<128x128xf32, #tpu.memory_space<vmem>>[vector<16xi32>, vector<16xi32>], vector<16xf32>,
        %mul3A_619 = arith.mulf %gather3A_610, %gather3A_618 : vector<16xf32>
        %add3A_620 = arith.addf %add3A_594, %mul3A_619 : vector<16xf32>
        %mul3A_621 = arith.constant 4 : i32
        %mul3A_622 = arith.muli %scan3A_410, %mul3A_621 : i32
        %add3A_623 = arith.constant 32 : i32
        %add3A_624 = arith.addi %add3A_623, %mul3A_622 : i32
        %add3A_625 = arith.constant 0 : i32
        %add3A_626 = arith.addi %add3A_624, %add3A_625 : i32
        %add3A_627 = vector.broadcast %add3A_626 : i32 to vector<16xi32>
        %add3A_628 = arith.addi %add3A_627, %iota3A : vector<16xi32>
        %and3A_629 = arith.constant 63 : i32
        %and3A_630 = vector.broadcast %and3A_629 : i32 to vector<16xi32>
        %and3A_631 = arith.andi %add3A_628, %and3A_630 : vector<16xi32>
        %gather3A_632 = arith.constant 0 : i32
        %gather3A_633 = arith.constant 0 : i32
        %gather3A_634 = tpu.memref_slice %arg7[%scan3A_327, %gather3A_632, %gather3A_633] : memref<2x128x128xf32, #tpu.memory_space<vmem>> -> memref<1x128x128xf32, #tpu.memory_space<vmem>>
        %gather3A_635 = tpu.memref_squeeze %gather3A_634 : memref<1x128x128xf32, #tpu.memory_space<vmem>> -> memref<128x128xf32, #tpu.memory_space<vmem>>
        %gather3A_636 = tpu.vector_load_idx %gather3A_635[%add3A_390, %and3A_631] : memref<128x128xf32, #tpu.memory_space<vmem>>[vector<16xi32>, vector<16xi32>], vector<16xf32>,
        %add3A_637 = arith.constant 64 : i32
        %add3A_638 = vector.broadcast %add3A_637 : i32 to vector<16xi32>
        %add3A_639 = arith.addi %and3A_631, %add3A_638 : vector<16xi32>
        %gather3A_640 = arith.constant 0 : i32
        %gather3A_641 = arith.constant 0 : i32
        %gather3A_642 = tpu.memref_slice %arg8[%scan3A_328, %gather3A_640, %gather3A_641] : memref<2x128x128xf32, #tpu.memory_space<vmem>> -> memref<1x128x128xf32, #tpu.memory_space<vmem>>
        %gather3A_643 = tpu.memref_squeeze %gather3A_642 : memref<1x128x128xf32, #tpu.memory_space<vmem>> -> memref<128x128xf32, #tpu.memory_space<vmem>>
        %gather3A_644 = tpu.vector_load_idx %gather3A_643[%add3A_390, %add3A_639] : memref<128x128xf32, #tpu.memory_space<vmem>>[vector<16xi32>, vector<16xi32>], vector<16xf32>,
        %mul3A_645 = arith.mulf %gather3A_636, %gather3A_644 : vector<16xf32>
        %add3A_646 = arith.addf %scan3A_413, %mul3A_645 : vector<16xf32>
        %mul3A_647 = arith.constant 4 : i32
        %mul3A_648 = arith.muli %scan3A_410, %mul3A_647 : i32
        %add3A_649 = arith.constant 32 : i32
        %add3A_650 = arith.addi %add3A_649, %mul3A_648 : i32
        %add3A_651 = arith.constant 1 : i32
        %add3A_652 = arith.addi %add3A_650, %add3A_651 : i32
        %add3A_653 = vector.broadcast %add3A_652 : i32 to vector<16xi32>
        %add3A_654 = arith.addi %add3A_653, %iota3A : vector<16xi32>
        %and3A_655 = arith.constant 63 : i32
        %and3A_656 = vector.broadcast %and3A_655 : i32 to vector<16xi32>
        %and3A_657 = arith.andi %add3A_654, %and3A_656 : vector<16xi32>
        %gather3A_658 = arith.constant 0 : i32
        %gather3A_659 = arith.constant 0 : i32
        %gather3A_660 = tpu.memref_slice %arg7[%scan3A_327, %gather3A_658, %gather3A_659] : memref<2x128x128xf32, #tpu.memory_space<vmem>> -> memref<1x128x128xf32, #tpu.memory_space<vmem>>
        %gather3A_661 = tpu.memref_squeeze %gather3A_660 : memref<1x128x128xf32, #tpu.memory_space<vmem>> -> memref<128x128xf32, #tpu.memory_space<vmem>>
        %gather3A_662 = tpu.vector_load_idx %gather3A_661[%add3A_390, %and3A_657] : memref<128x128xf32, #tpu.memory_space<vmem>>[vector<16xi32>, vector<16xi32>], vector<16xf32>,
        %add3A_663 = arith.constant 64 : i32
        %add3A_664 = vector.broadcast %add3A_663 : i32 to vector<16xi32>
        %add3A_665 = arith.addi %and3A_657, %add3A_664 : vector<16xi32>
        %gather3A_666 = arith.constant 0 : i32
        %gather3A_667 = arith.constant 0 : i32
        %gather3A_668 = tpu.memref_slice %arg8[%scan3A_328, %gather3A_666, %gather3A_667] : memref<2x128x128xf32, #tpu.memory_space<vmem>> -> memref<1x128x128xf32, #tpu.memory_space<vmem>>
        %gather3A_669 = tpu.memref_squeeze %gather3A_668 : memref<1x128x128xf32, #tpu.memory_space<vmem>> -> memref<128x128xf32, #tpu.memory_space<vmem>>
        %gather3A_670 = tpu.vector_load_idx %gather3A_669[%add3A_390, %add3A_665] : memref<128x128xf32, #tpu.memory_space<vmem>>[vector<16xi32>, vector<16xi32>], vector<16xf32>,
        %mul3A_671 = arith.mulf %gather3A_662, %gather3A_670 : vector<16xf32>
        %add3A_672 = arith.addf %add3A_646, %mul3A_671 : vector<16xf32>
        %mul3A_673 = arith.constant 4 : i32
        %mul3A_674 = arith.muli %scan3A_410, %mul3A_673 : i32
        %add3A_675 = arith.constant 32 : i32
        %add3A_676 = arith.addi %add3A_675, %mul3A_674 : i32
        %add3A_677 = arith.constant 2 : i32
        %add3A_678 = arith.addi %add3A_676, %add3A_677 : i32
        %add3A_679 = vector.broadcast %add3A_678 : i32 to vector<16xi32>
        %add3A_680 = arith.addi %add3A_679, %iota3A : vector<16xi32>
        %and3A_681 = arith.constant 63 : i32
        %and3A_682 = vector.broadcast %and3A_681 : i32 to vector<16xi32>
        %and3A_683 = arith.andi %add3A_680, %and3A_682 : vector<16xi32>
        %gather3A_684 = arith.constant 0 : i32
        %gather3A_685 = arith.constant 0 : i32
        %gather3A_686 = tpu.memref_slice %arg7[%scan3A_327, %gather3A_684, %gather3A_685] : memref<2x128x128xf32, #tpu.memory_space<vmem>> -> memref<1x128x128xf32, #tpu.memory_space<vmem>>
        %gather3A_687 = tpu.memref_squeeze %gather3A_686 : memref<1x128x128xf32, #tpu.memory_space<vmem>> -> memref<128x128xf32, #tpu.memory_space<vmem>>
        %gather3A_688 = tpu.vector_load_idx %gather3A_687[%add3A_390, %and3A_683] : memref<128x128xf32, #tpu.memory_space<vmem>>[vector<16xi32>, vector<16xi32>], vector<16xf32>,
        %add3A_689 = arith.constant 64 : i32
        %add3A_690 = vector.broadcast %add3A_689 : i32 to vector<16xi32>
        %add3A_691 = arith.addi %and3A_683, %add3A_690 : vector<16xi32>
        %gather3A_692 = arith.constant 0 : i32
        %gather3A_693 = arith.constant 0 : i32
        %gather3A_694 = tpu.memref_slice %arg8[%scan3A_328, %gather3A_692, %gather3A_693] : memref<2x128x128xf32, #tpu.memory_space<vmem>> -> memref<1x128x128xf32, #tpu.memory_space<vmem>>
        %gather3A_695 = tpu.memref_squeeze %gather3A_694 : memref<1x128x128xf32, #tpu.memory_space<vmem>> -> memref<128x128xf32, #tpu.memory_space<vmem>>
        %gather3A_696 = tpu.vector_load_idx %gather3A_695[%add3A_390, %add3A_691] : memref<128x128xf32, #tpu.memory_space<vmem>>[vector<16xi32>, vector<16xi32>], vector<16xf32>,
        %mul3A_697 = arith.mulf %gather3A_688, %gather3A_696 : vector<16xf32>
        %add3A_698 = arith.addf %add3A_672, %mul3A_697 : vector<16xf32>
        %mul3A_699 = arith.constant 4 : i32
        %mul3A_700 = arith.muli %scan3A_410, %mul3A_699 : i32
        %add3A_701 = arith.constant 32 : i32
        %add3A_702 = arith.addi %add3A_701, %mul3A_700 : i32
        %add3A_703 = arith.constant 3 : i32
        %add3A_704 = arith.addi %add3A_702, %add3A_703 : i32
        %add3A_705 = vector.broadcast %add3A_704 : i32 to vector<16xi32>
        %add3A_706 = arith.addi %add3A_705, %iota3A : vector<16xi32>
        %and3A_707 = arith.constant 63 : i32
        %and3A_708 = vector.broadcast %and3A_707 : i32 to vector<16xi32>
        %and3A_709 = arith.andi %add3A_706, %and3A_708 : vector<16xi32>
        %gather3A_710 = arith.constant 0 : i32
        %gather3A_711 = arith.constant 0 : i32
        %gather3A_712 = tpu.memref_slice %arg7[%scan3A_327, %gather3A_710, %gather3A_711] : memref<2x128x128xf32, #tpu.memory_space<vmem>> -> memref<1x128x128xf32, #tpu.memory_space<vmem>>
        %gather3A_713 = tpu.memref_squeeze %gather3A_712 : memref<1x128x128xf32, #tpu.memory_space<vmem>> -> memref<128x128xf32, #tpu.memory_space<vmem>>
        %gather3A_714 = tpu.vector_load_idx %gather3A_713[%add3A_390, %and3A_709] : memref<128x128xf32, #tpu.memory_space<vmem>>[vector<16xi32>, vector<16xi32>], vector<16xf32>,
        %add3A_715 = arith.constant 64 : i32
        %add3A_716 = vector.broadcast %add3A_715 : i32 to vector<16xi32>
        %add3A_717 = arith.addi %and3A_709, %add3A_716 : vector<16xi32>
        %gather3A_718 = arith.constant 0 : i32
        %gather3A_719 = arith.constant 0 : i32
        %gather3A_720 = tpu.memref_slice %arg8[%scan3A_328, %gather3A_718, %gather3A_719] : memref<2x128x128xf32, #tpu.memory_space<vmem>> -> memref<1x128x128xf32, #tpu.memory_space<vmem>>
        %gather3A_721 = tpu.memref_squeeze %gather3A_720 : memref<1x128x128xf32, #tpu.memory_space<vmem>> -> memref<128x128xf32, #tpu.memory_space<vmem>>
        %gather3A_722 = tpu.vector_load_idx %gather3A_721[%add3A_390, %add3A_717] : memref<128x128xf32, #tpu.memory_space<vmem>>[vector<16xi32>, vector<16xi32>], vector<16xf32>,
        %mul3A_723 = arith.mulf %gather3A_714, %gather3A_722 : vector<16xf32>
        %add3A_724 = arith.addf %add3A_698, %mul3A_723 : vector<16xf32>
        %mul3A_725 = arith.constant 4 : i32
        %mul3A_726 = arith.muli %scan3A_410, %mul3A_725 : i32
        %add3A_727 = arith.constant 48 : i32
        %add3A_728 = arith.addi %add3A_727, %mul3A_726 : i32
        %add3A_729 = arith.constant 0 : i32
        %add3A_730 = arith.addi %add3A_728, %add3A_729 : i32
        %add3A_731 = vector.broadcast %add3A_730 : i32 to vector<16xi32>
        %add3A_732 = arith.addi %add3A_731, %iota3A : vector<16xi32>
        %and3A_733 = arith.constant 63 : i32
        %and3A_734 = vector.broadcast %and3A_733 : i32 to vector<16xi32>
        %and3A_735 = arith.andi %add3A_732, %and3A_734 : vector<16xi32>
        %gather3A_736 = arith.constant 0 : i32
        %gather3A_737 = arith.constant 0 : i32
        %gather3A_738 = tpu.memref_slice %arg7[%scan3A_327, %gather3A_736, %gather3A_737] : memref<2x128x128xf32, #tpu.memory_space<vmem>> -> memref<1x128x128xf32, #tpu.memory_space<vmem>>
        %gather3A_739 = tpu.memref_squeeze %gather3A_738 : memref<1x128x128xf32, #tpu.memory_space<vmem>> -> memref<128x128xf32, #tpu.memory_space<vmem>>
        %gather3A_740 = tpu.vector_load_idx %gather3A_739[%add3A_390, %and3A_735] : memref<128x128xf32, #tpu.memory_space<vmem>>[vector<16xi32>, vector<16xi32>], vector<16xf32>,
        %add3A_741 = arith.constant 64 : i32
        %add3A_742 = vector.broadcast %add3A_741 : i32 to vector<16xi32>
        %add3A_743 = arith.addi %and3A_735, %add3A_742 : vector<16xi32>
        %gather3A_744 = arith.constant 0 : i32
        %gather3A_745 = arith.constant 0 : i32
        %gather3A_746 = tpu.memref_slice %arg8[%scan3A_328, %gather3A_744, %gather3A_745] : memref<2x128x128xf32, #tpu.memory_space<vmem>> -> memref<1x128x128xf32, #tpu.memory_space<vmem>>
        %gather3A_747 = tpu.memref_squeeze %gather3A_746 : memref<1x128x128xf32, #tpu.memory_space<vmem>> -> memref<128x128xf32, #tpu.memory_space<vmem>>
        %gather3A_748 = tpu.vector_load_idx %gather3A_747[%add3A_390, %add3A_743] : memref<128x128xf32, #tpu.memory_space<vmem>>[vector<16xi32>, vector<16xi32>], vector<16xf32>,
        %mul3A_749 = arith.mulf %gather3A_740, %gather3A_748 : vector<16xf32>
        %add3A_750 = arith.addf %scan3A_414, %mul3A_749 : vector<16xf32>
        %mul3A_751 = arith.constant 4 : i32
        %mul3A_752 = arith.muli %scan3A_410, %mul3A_751 : i32
        %add3A_753 = arith.constant 48 : i32
        %add3A_754 = arith.addi %add3A_753, %mul3A_752 : i32
        %add3A_755 = arith.constant 1 : i32
        %add3A_756 = arith.addi %add3A_754, %add3A_755 : i32
        %add3A_757 = vector.broadcast %add3A_756 : i32 to vector<16xi32>
        %add3A_758 = arith.addi %add3A_757, %iota3A : vector<16xi32>
        %and3A_759 = arith.constant 63 : i32
        %and3A_760 = vector.broadcast %and3A_759 : i32 to vector<16xi32>
        %and3A_761 = arith.andi %add3A_758, %and3A_760 : vector<16xi32>
        %gather3A_762 = arith.constant 0 : i32
        %gather3A_763 = arith.constant 0 : i32
        %gather3A_764 = tpu.memref_slice %arg7[%scan3A_327, %gather3A_762, %gather3A_763] : memref<2x128x128xf32, #tpu.memory_space<vmem>> -> memref<1x128x128xf32, #tpu.memory_space<vmem>>
        %gather3A_765 = tpu.memref_squeeze %gather3A_764 : memref<1x128x128xf32, #tpu.memory_space<vmem>> -> memref<128x128xf32, #tpu.memory_space<vmem>>
        %gather3A_766 = tpu.vector_load_idx %gather3A_765[%add3A_390, %and3A_761] : memref<128x128xf32, #tpu.memory_space<vmem>>[vector<16xi32>, vector<16xi32>], vector<16xf32>,
        %add3A_767 = arith.constant 64 : i32
        %add3A_768 = vector.broadcast %add3A_767 : i32 to vector<16xi32>
        %add3A_769 = arith.addi %and3A_761, %add3A_768 : vector<16xi32>
        %gather3A_770 = arith.constant 0 : i32
        %gather3A_771 = arith.constant 0 : i32
        %gather3A_772 = tpu.memref_slice %arg8[%scan3A_328, %gather3A_770, %gather3A_771] : memref<2x128x128xf32, #tpu.memory_space<vmem>> -> memref<1x128x128xf32, #tpu.memory_space<vmem>>
        %gather3A_773 = tpu.memref_squeeze %gather3A_772 : memref<1x128x128xf32, #tpu.memory_space<vmem>> -> memref<128x128xf32, #tpu.memory_space<vmem>>
        %gather3A_774 = tpu.vector_load_idx %gather3A_773[%add3A_390, %add3A_769] : memref<128x128xf32, #tpu.memory_space<vmem>>[vector<16xi32>, vector<16xi32>], vector<16xf32>,
        %mul3A_775 = arith.mulf %gather3A_766, %gather3A_774 : vector<16xf32>
        %add3A_776 = arith.addf %add3A_750, %mul3A_775 : vector<16xf32>
        %mul3A_777 = arith.constant 4 : i32
        %mul3A_778 = arith.muli %scan3A_410, %mul3A_777 : i32
        %add3A_779 = arith.constant 48 : i32
        %add3A_780 = arith.addi %add3A_779, %mul3A_778 : i32
        %add3A_781 = arith.constant 2 : i32
        %add3A_782 = arith.addi %add3A_780, %add3A_781 : i32
        %add3A_783 = vector.broadcast %add3A_782 : i32 to vector<16xi32>
        %add3A_784 = arith.addi %add3A_783, %iota3A : vector<16xi32>
        %and3A_785 = arith.constant 63 : i32
        %and3A_786 = vector.broadcast %and3A_785 : i32 to vector<16xi32>
        %and3A_787 = arith.andi %add3A_784, %and3A_786 : vector<16xi32>
        %gather3A_788 = arith.constant 0 : i32
        %gather3A_789 = arith.constant 0 : i32
        %gather3A_790 = tpu.memref_slice %arg7[%scan3A_327, %gather3A_788, %gather3A_789] : memref<2x128x128xf32, #tpu.memory_space<vmem>> -> memref<1x128x128xf32, #tpu.memory_space<vmem>>
        %gather3A_791 = tpu.memref_squeeze %gather3A_790 : memref<1x128x128xf32, #tpu.memory_space<vmem>> -> memref<128x128xf32, #tpu.memory_space<vmem>>
        %gather3A_792 = tpu.vector_load_idx %gather3A_791[%add3A_390, %and3A_787] : memref<128x128xf32, #tpu.memory_space<vmem>>[vector<16xi32>, vector<16xi32>], vector<16xf32>,
        %add3A_793 = arith.constant 64 : i32
        %add3A_794 = vector.broadcast %add3A_793 : i32 to vector<16xi32>
        %add3A_795 = arith.addi %and3A_787, %add3A_794 : vector<16xi32>
        %gather3A_796 = arith.constant 0 : i32
        %gather3A_797 = arith.constant 0 : i32
        %gather3A_798 = tpu.memref_slice %arg8[%scan3A_328, %gather3A_796, %gather3A_797] : memref<2x128x128xf32, #tpu.memory_space<vmem>> -> memref<1x128x128xf32, #tpu.memory_space<vmem>>
        %gather3A_799 = tpu.memref_squeeze %gather3A_798 : memref<1x128x128xf32, #tpu.memory_space<vmem>> -> memref<128x128xf32, #tpu.memory_space<vmem>>
        %gather3A_800 = tpu.vector_load_idx %gather3A_799[%add3A_390, %add3A_795] : memref<128x128xf32, #tpu.memory_space<vmem>>[vector<16xi32>, vector<16xi32>], vector<16xf32>,
        %mul3A_801 = arith.mulf %gather3A_792, %gather3A_800 : vector<16xf32>
        %add3A_802 = arith.addf %add3A_776, %mul3A_801 : vector<16xf32>
        %mul3A_803 = arith.constant 4 : i32
        %mul3A_804 = arith.muli %scan3A_410, %mul3A_803 : i32
        %add3A_805 = arith.constant 48 : i32
        %add3A_806 = arith.addi %add3A_805, %mul3A_804 : i32
        %add3A_807 = arith.constant 3 : i32
        %add3A_808 = arith.addi %add3A_806, %add3A_807 : i32
        %add3A_809 = vector.broadcast %add3A_808 : i32 to vector<16xi32>
        %add3A_810 = arith.addi %add3A_809, %iota3A : vector<16xi32>
        %and3A_811 = arith.constant 63 : i32
        %and3A_812 = vector.broadcast %and3A_811 : i32 to vector<16xi32>
        %and3A_813 = arith.andi %add3A_810, %and3A_812 : vector<16xi32>
        %gather3A_814 = arith.constant 0 : i32
        %gather3A_815 = arith.constant 0 : i32
        %gather3A_816 = tpu.memref_slice %arg7[%scan3A_327, %gather3A_814, %gather3A_815] : memref<2x128x128xf32, #tpu.memory_space<vmem>> -> memref<1x128x128xf32, #tpu.memory_space<vmem>>
        %gather3A_817 = tpu.memref_squeeze %gather3A_816 : memref<1x128x128xf32, #tpu.memory_space<vmem>> -> memref<128x128xf32, #tpu.memory_space<vmem>>
        %gather3A_818 = tpu.vector_load_idx %gather3A_817[%add3A_390, %and3A_813] : memref<128x128xf32, #tpu.memory_space<vmem>>[vector<16xi32>, vector<16xi32>], vector<16xf32>,
        %add3A_819 = arith.constant 64 : i32
        %add3A_820 = vector.broadcast %add3A_819 : i32 to vector<16xi32>
        %add3A_821 = arith.addi %and3A_813, %add3A_820 : vector<16xi32>
        %gather3A_822 = arith.constant 0 : i32
        %gather3A_823 = arith.constant 0 : i32
        %gather3A_824 = tpu.memref_slice %arg8[%scan3A_328, %gather3A_822, %gather3A_823] : memref<2x128x128xf32, #tpu.memory_space<vmem>> -> memref<1x128x128xf32, #tpu.memory_space<vmem>>
        %gather3A_825 = tpu.memref_squeeze %gather3A_824 : memref<1x128x128xf32, #tpu.memory_space<vmem>> -> memref<128x128xf32, #tpu.memory_space<vmem>>
        %gather3A_826 = tpu.vector_load_idx %gather3A_825[%add3A_390, %add3A_821] : memref<128x128xf32, #tpu.memory_space<vmem>>[vector<16xi32>, vector<16xi32>], vector<16xf32>,
        %mul3A_827 = arith.mulf %gather3A_818, %gather3A_826 : vector<16xf32>
        %add3A_828 = arith.addf %add3A_802, %mul3A_827 : vector<16xf32>
        scf.yield %add3A_516, %add3A_620, %add3A_724, %add3A_828 : vector<16xf32>, vector<16xf32>, vector<16xf32>, vector<16xf32>
      }
      %scan3A_397 = arith.constant 4 : i32
      %mul3A_398 = arith.constant 16 : i32
      %mul3A_399 = arith.muli %scan3A_386, %mul3A_398 : i32
      %add3A_400 = arith.constant 256 : i32
      %add3A_401 = arith.addi %add3A_400, %mul3A_399 : i32
      %multiple_of3A = tpu.assume_multiple %add3A_401, 16 : i32
      %get3A = arith.index_cast %multiple_of3A : i32 to index
      %get3A_402 = tpu.vector_load %arg9[%get3A] {strides = array<i32>} : memref<512xf32, #tpu.memory_space<vmem>>, vector<16xf32>,
      %add3A_403 = arith.addf %scan3A_396#0, %scan3A_396#1 : vector<16xf32>
      %add3A_404 = arith.addf %scan3A_396#2, %scan3A_396#3 : vector<16xf32>
      %add3A_405 = arith.addf %add3A_403, %add3A_404 : vector<16xf32>
      %add3A_406 = arith.addf %get3A_402, %get3A_402 : vector<16xf32>
      %add3A_407 = arith.addf %add3A_405, %add3A_406 : vector<16xf32>
      %multiple_of3A_408 = tpu.assume_multiple %add3A_401, 16 : i32
      %swap3A = arith.index_cast %multiple_of3A_408 : i32 to index
      %swap3A_409 = tpu.vector_load %arg10[%swap3A] {strides = array<i32>} : memref<512xf32, #tpu.memory_space<vmem>>, vector<16xf32>,
      tpu.vector_store %arg10[%swap3A], %add3A_407 {strides = array<i32>} : memref<512xf32, #tpu.memory_space<vmem>>, vector<16xf32>,
    }
    %scan3A_333 = arith.constant 8 : i32
    %dma_wait3A_334 = arith.constant 3 : i32
    %dma_wait3A_335 = arith.constant 0 : i32
    %dma_wait3A_336 = arith.constant 1 : i32
    %dma_wait3A_337 = arith.constant 1 : i32
    %dma_wait3A_338 = arith.constant 0 : i32
    %dma_wait3A_339 = arith.constant 0 : i32
    %dma_wait3A_340 = tpu.memref_slice %arg7[%dma_wait3A_336, %dma_wait3A_338, %dma_wait3A_339] : memref<2x128x128xf32, #tpu.memory_space<vmem>> -> memref<1x128x128xf32, #tpu.memory_space<vmem>>
    %dma_wait3A_341 = tpu.memref_squeeze %dma_wait3A_340 : memref<1x128x128xf32, #tpu.memory_space<vmem>> -> memref<128x128xf32, #tpu.memory_space<vmem>>
    %dma_wait3A_342 = arith.constant 0 : i32
    %dma_wait3A_343 = tpu.memref_slice %arg6[%dma_wait3A_334, %dma_wait3A_335, %dma_wait3A_342] : memref<4x2x128xi32, #tpu.memory_space<vmem>> -> memref<1x1x128xi32, #tpu.memory_space<vmem>>
    %dma_wait3A_344 = tpu.memref_squeeze %dma_wait3A_343 : memref<1x1x128xi32, #tpu.memory_space<vmem>> -> memref<128xi32, #tpu.memory_space<vmem>>
    %dma_wait3A_345 = arith.constant 0 : i32
    %dma_wait3A_346 = arith.constant 0 : i32
    %dma_wait3A_347 = tpu.memref_slice %arg3[%dma_wait3A_345, %dma_wait3A_346] : memref<106496x128xf32, #tpu.memory_space<hbm>> -> memref<106496x128xf32, #tpu.memory_space<hbm>>
    %dma_wait3A_348 = tpu.memref_slice %arg11[%dma_wait3A_337] : memref<2x!tpu.dma_semaphore, #tpu.memory_space<semaphore_mem>> -> memref<1x!tpu.dma_semaphore, #tpu.memory_space<semaphore_mem>>
    %dma_wait3A_349 = tpu.memref_squeeze %dma_wait3A_348 : memref<1x!tpu.dma_semaphore, #tpu.memory_space<semaphore_mem>> -> memref<!tpu.dma_semaphore, #tpu.memory_space<semaphore_mem>>
    tpu.wait_indirect_dma semaphore(%dma_wait3A_349 : memref<!tpu.dma_semaphore, #tpu.memory_space<semaphore_mem>>) src(%dma_wait3A_347 : memref<106496x128xf32, #tpu.memory_space<hbm>>) dst(%dma_wait3A_341 : memref<128x128xf32, #tpu.memory_space<vmem>>)
    %dma_wait3A_350 = arith.constant 3 : i32
    %dma_wait3A_351 = arith.constant 1 : i32
    %dma_wait3A_352 = arith.constant 1 : i32
    %dma_wait3A_353 = arith.constant 1 : i32
    %dma_wait3A_354 = arith.constant 0 : i32
    %dma_wait3A_355 = arith.constant 0 : i32
    %dma_wait3A_356 = tpu.memref_slice %arg8[%dma_wait3A_352, %dma_wait3A_354, %dma_wait3A_355] : memref<2x128x128xf32, #tpu.memory_space<vmem>> -> memref<1x128x128xf32, #tpu.memory_space<vmem>>
    %dma_wait3A_357 = tpu.memref_squeeze %dma_wait3A_356 : memref<1x128x128xf32, #tpu.memory_space<vmem>> -> memref<128x128xf32, #tpu.memory_space<vmem>>
    %dma_wait3A_358 = arith.constant 0 : i32
    %dma_wait3A_359 = tpu.memref_slice %arg6[%dma_wait3A_350, %dma_wait3A_351, %dma_wait3A_358] : memref<4x2x128xi32, #tpu.memory_space<vmem>> -> memref<1x1x128xi32, #tpu.memory_space<vmem>>
    %dma_wait3A_360 = tpu.memref_squeeze %dma_wait3A_359 : memref<1x1x128xi32, #tpu.memory_space<vmem>> -> memref<128xi32, #tpu.memory_space<vmem>>
    %dma_wait3A_361 = arith.constant 0 : i32
    %dma_wait3A_362 = arith.constant 0 : i32
    %dma_wait3A_363 = tpu.memref_slice %arg3[%dma_wait3A_361, %dma_wait3A_362] : memref<106496x128xf32, #tpu.memory_space<hbm>> -> memref<106496x128xf32, #tpu.memory_space<hbm>>
    %dma_wait3A_364 = tpu.memref_slice %arg11[%dma_wait3A_353] : memref<2x!tpu.dma_semaphore, #tpu.memory_space<semaphore_mem>> -> memref<1x!tpu.dma_semaphore, #tpu.memory_space<semaphore_mem>>
    %dma_wait3A_365 = tpu.memref_squeeze %dma_wait3A_364 : memref<1x!tpu.dma_semaphore, #tpu.memory_space<semaphore_mem>> -> memref<!tpu.dma_semaphore, #tpu.memory_space<semaphore_mem>>
    tpu.wait_indirect_dma semaphore(%dma_wait3A_365 : memref<!tpu.dma_semaphore, #tpu.memory_space<semaphore_mem>>) src(%dma_wait3A_363 : memref<106496x128xf32, #tpu.memory_space<hbm>>) dst(%dma_wait3A_357 : memref<128x128xf32, #tpu.memory_space<vmem>>)
    %dma_wait3A_366 = arith.constant 3 : i32
    %dma_wait3A_367 = arith.constant 0 : i32
    %dma_wait3A_368 = arith.constant 1 : i32
    %dma_wait3A_369 = arith.constant 384 : i32
    %dma_wait3A_370 = tpu.memref_slice %arg9[%dma_wait3A_369] : memref<512xf32, #tpu.memory_space<vmem>> -> memref<128xf32, #tpu.memory_space<vmem>>
    %dma_wait3A_371 = arith.constant 0 : i32
    %dma_wait3A_372 = tpu.memref_slice %arg6[%dma_wait3A_366, %dma_wait3A_367, %dma_wait3A_371] : memref<4x2x128xi32, #tpu.memory_space<vmem>> -> memref<1x1x128xi32, #tpu.memory_space<vmem>>
    %dma_wait3A_373 = tpu.memref_squeeze %dma_wait3A_372 : memref<1x1x128xi32, #tpu.memory_space<vmem>> -> memref<128xi32, #tpu.memory_space<vmem>>
    %dma_wait3A_374 = arith.constant 0 : i32
    %dma_wait3A_375 = tpu.memref_slice %arg4[%dma_wait3A_374] : memref<100000xf32, #tpu.memory_space<hbm>> -> memref<100000xf32, #tpu.memory_space<hbm>>
    %dma_wait3A_376 = tpu.memref_slice %arg11[%dma_wait3A_368] : memref<2x!tpu.dma_semaphore, #tpu.memory_space<semaphore_mem>> -> memref<1x!tpu.dma_semaphore, #tpu.memory_space<semaphore_mem>>
    %dma_wait3A_377 = tpu.memref_squeeze %dma_wait3A_376 : memref<1x!tpu.dma_semaphore, #tpu.memory_space<semaphore_mem>> -> memref<!tpu.dma_semaphore, #tpu.memory_space<semaphore_mem>>
    tpu.wait_indirect_dma semaphore(%dma_wait3A_377 : memref<!tpu.dma_semaphore, #tpu.memory_space<semaphore_mem>>) src(%dma_wait3A_375 : memref<100000xf32, #tpu.memory_space<hbm>>) dst(%dma_wait3A_370 : memref<128xf32, #tpu.memory_space<vmem>>)
    %scan3A_378 = arith.constant 0 : i32
    %scan3A_379 = arith.constant 1 : i32
    %scan3A_380 = arith.constant 1 : i32
    %scan3A_381 = arith.constant 0 : i32
    %scan3A_382 = arith.constant 8 : i32
    %scan3A_383 = arith.addi %scan3A_381, %scan3A_382 : i32
    %scan3A_384 = arith.constant 1 : i32
    scf.for %scan3A_386 = %scan3A_381 to %scan3A_383 step %scan3A_384  : i32 {
      %iota3A = tpu.iota {dimensions = array<i32: 0>} : vector<16xi32>
      %mul3A_387 = arith.constant 16 : i32
      %mul3A_388 = arith.muli %scan3A_386, %mul3A_387 : i32
      %add3A_389 = vector.broadcast %mul3A_388 : i32 to vector<16xi32>
      %add3A_390 = arith.addi %add3A_389, %iota3A : vector<16xi32>
      %broadcast_in_dim3A = arith.constant 0.000000e+00 : f32
      %broadcast_in_dim3A_391 = vector.broadcast %broadcast_in_dim3A : f32 to vector<16xf32>
      %scan3A_392 = arith.constant 0 : i32
      %scan3A_393 = arith.constant 4 : i32
      %scan3A_394 = arith.addi %scan3A_392, %scan3A_393 : i32
      %scan3A_395 = arith.constant 1 : i32
      %scan3A_396:4 = scf.for %scan3A_410 = %scan3A_392 to %scan3A_394 step %scan3A_395 iter_args(%scan3A_411 = %broadcast_in_dim3A_391, %scan3A_412 = %broadcast_in_dim3A_391, %scan3A_413 = %broadcast_in_dim3A_391, %scan3A_414 = %broadcast_in_dim3A_391) -> (vector<16xf32>, vector<16xf32>, vector<16xf32>, vector<16xf32>)  : i32 {
        %mul3A_415 = arith.constant 4 : i32
        %mul3A_416 = arith.muli %scan3A_410, %mul3A_415 : i32
        %add3A_417 = arith.constant 0 : i32
        %add3A_418 = arith.addi %add3A_417, %mul3A_416 : i32
        %add3A_419 = arith.constant 0 : i32
        %add3A_420 = arith.addi %add3A_418, %add3A_419 : i32
        %add3A_421 = vector.broadcast %add3A_420 : i32 to vector<16xi32>
        %add3A_422 = arith.addi %add3A_421, %iota3A : vector<16xi32>
        %and3A = arith.constant 63 : i32
        %and3A_423 = vector.broadcast %and3A : i32 to vector<16xi32>
        %and3A_424 = arith.andi %add3A_422, %and3A_423 : vector<16xi32>
        %gather3A = arith.constant 0 : i32
        %gather3A_425 = arith.constant 0 : i32
        %gather3A_426 = tpu.memref_slice %arg7[%scan3A_379, %gather3A, %gather3A_425] : memref<2x128x128xf32, #tpu.memory_space<vmem>> -> memref<1x128x128xf32, #tpu.memory_space<vmem>>
        %gather3A_427 = tpu.memref_squeeze %gather3A_426 : memref<1x128x128xf32, #tpu.memory_space<vmem>> -> memref<128x128xf32, #tpu.memory_space<vmem>>
        %gather3A_428 = tpu.vector_load_idx %gather3A_427[%add3A_390, %and3A_424] : memref<128x128xf32, #tpu.memory_space<vmem>>[vector<16xi32>, vector<16xi32>], vector<16xf32>,
        %add3A_429 = arith.constant 64 : i32
        %add3A_430 = vector.broadcast %add3A_429 : i32 to vector<16xi32>
        %add3A_431 = arith.addi %and3A_424, %add3A_430 : vector<16xi32>
        %gather3A_432 = arith.constant 0 : i32
        %gather3A_433 = arith.constant 0 : i32
        %gather3A_434 = tpu.memref_slice %arg8[%scan3A_380, %gather3A_432, %gather3A_433] : memref<2x128x128xf32, #tpu.memory_space<vmem>> -> memref<1x128x128xf32, #tpu.memory_space<vmem>>
        %gather3A_435 = tpu.memref_squeeze %gather3A_434 : memref<1x128x128xf32, #tpu.memory_space<vmem>> -> memref<128x128xf32, #tpu.memory_space<vmem>>
        %gather3A_436 = tpu.vector_load_idx %gather3A_435[%add3A_390, %add3A_431] : memref<128x128xf32, #tpu.memory_space<vmem>>[vector<16xi32>, vector<16xi32>], vector<16xf32>,
        %mul3A_437 = arith.mulf %gather3A_428, %gather3A_436 : vector<16xf32>
        %add3A_438 = arith.addf %scan3A_411, %mul3A_437 : vector<16xf32>
        %mul3A_439 = arith.constant 4 : i32
        %mul3A_440 = arith.muli %scan3A_410, %mul3A_439 : i32
        %add3A_441 = arith.constant 0 : i32
        %add3A_442 = arith.addi %add3A_441, %mul3A_440 : i32
        %add3A_443 = arith.constant 1 : i32
        %add3A_444 = arith.addi %add3A_442, %add3A_443 : i32
        %add3A_445 = vector.broadcast %add3A_444 : i32 to vector<16xi32>
        %add3A_446 = arith.addi %add3A_445, %iota3A : vector<16xi32>
        %and3A_447 = arith.constant 63 : i32
        %and3A_448 = vector.broadcast %and3A_447 : i32 to vector<16xi32>
        %and3A_449 = arith.andi %add3A_446, %and3A_448 : vector<16xi32>
        %gather3A_450 = arith.constant 0 : i32
        %gather3A_451 = arith.constant 0 : i32
        %gather3A_452 = tpu.memref_slice %arg7[%scan3A_379, %gather3A_450, %gather3A_451] : memref<2x128x128xf32, #tpu.memory_space<vmem>> -> memref<1x128x128xf32, #tpu.memory_space<vmem>>
        %gather3A_453 = tpu.memref_squeeze %gather3A_452 : memref<1x128x128xf32, #tpu.memory_space<vmem>> -> memref<128x128xf32, #tpu.memory_space<vmem>>
        %gather3A_454 = tpu.vector_load_idx %gather3A_453[%add3A_390, %and3A_449] : memref<128x128xf32, #tpu.memory_space<vmem>>[vector<16xi32>, vector<16xi32>], vector<16xf32>,
        %add3A_455 = arith.constant 64 : i32
        %add3A_456 = vector.broadcast %add3A_455 : i32 to vector<16xi32>
        %add3A_457 = arith.addi %and3A_449, %add3A_456 : vector<16xi32>
        %gather3A_458 = arith.constant 0 : i32
        %gather3A_459 = arith.constant 0 : i32
        %gather3A_460 = tpu.memref_slice %arg8[%scan3A_380, %gather3A_458, %gather3A_459] : memref<2x128x128xf32, #tpu.memory_space<vmem>> -> memref<1x128x128xf32, #tpu.memory_space<vmem>>
        %gather3A_461 = tpu.memref_squeeze %gather3A_460 : memref<1x128x128xf32, #tpu.memory_space<vmem>> -> memref<128x128xf32, #tpu.memory_space<vmem>>
        %gather3A_462 = tpu.vector_load_idx %gather3A_461[%add3A_390, %add3A_457] : memref<128x128xf32, #tpu.memory_space<vmem>>[vector<16xi32>, vector<16xi32>], vector<16xf32>,
        %mul3A_463 = arith.mulf %gather3A_454, %gather3A_462 : vector<16xf32>
        %add3A_464 = arith.addf %add3A_438, %mul3A_463 : vector<16xf32>
        %mul3A_465 = arith.constant 4 : i32
        %mul3A_466 = arith.muli %scan3A_410, %mul3A_465 : i32
        %add3A_467 = arith.constant 0 : i32
        %add3A_468 = arith.addi %add3A_467, %mul3A_466 : i32
        %add3A_469 = arith.constant 2 : i32
        %add3A_470 = arith.addi %add3A_468, %add3A_469 : i32
        %add3A_471 = vector.broadcast %add3A_470 : i32 to vector<16xi32>
        %add3A_472 = arith.addi %add3A_471, %iota3A : vector<16xi32>
        %and3A_473 = arith.constant 63 : i32
        %and3A_474 = vector.broadcast %and3A_473 : i32 to vector<16xi32>
        %and3A_475 = arith.andi %add3A_472, %and3A_474 : vector<16xi32>
        %gather3A_476 = arith.constant 0 : i32
        %gather3A_477 = arith.constant 0 : i32
        %gather3A_478 = tpu.memref_slice %arg7[%scan3A_379, %gather3A_476, %gather3A_477] : memref<2x128x128xf32, #tpu.memory_space<vmem>> -> memref<1x128x128xf32, #tpu.memory_space<vmem>>
        %gather3A_479 = tpu.memref_squeeze %gather3A_478 : memref<1x128x128xf32, #tpu.memory_space<vmem>> -> memref<128x128xf32, #tpu.memory_space<vmem>>
        %gather3A_480 = tpu.vector_load_idx %gather3A_479[%add3A_390, %and3A_475] : memref<128x128xf32, #tpu.memory_space<vmem>>[vector<16xi32>, vector<16xi32>], vector<16xf32>,
        %add3A_481 = arith.constant 64 : i32
        %add3A_482 = vector.broadcast %add3A_481 : i32 to vector<16xi32>
        %add3A_483 = arith.addi %and3A_475, %add3A_482 : vector<16xi32>
        %gather3A_484 = arith.constant 0 : i32
        %gather3A_485 = arith.constant 0 : i32
        %gather3A_486 = tpu.memref_slice %arg8[%scan3A_380, %gather3A_484, %gather3A_485] : memref<2x128x128xf32, #tpu.memory_space<vmem>> -> memref<1x128x128xf32, #tpu.memory_space<vmem>>
        %gather3A_487 = tpu.memref_squeeze %gather3A_486 : memref<1x128x128xf32, #tpu.memory_space<vmem>> -> memref<128x128xf32, #tpu.memory_space<vmem>>
        %gather3A_488 = tpu.vector_load_idx %gather3A_487[%add3A_390, %add3A_483] : memref<128x128xf32, #tpu.memory_space<vmem>>[vector<16xi32>, vector<16xi32>], vector<16xf32>,
        %mul3A_489 = arith.mulf %gather3A_480, %gather3A_488 : vector<16xf32>
        %add3A_490 = arith.addf %add3A_464, %mul3A_489 : vector<16xf32>
        %mul3A_491 = arith.constant 4 : i32
        %mul3A_492 = arith.muli %scan3A_410, %mul3A_491 : i32
        %add3A_493 = arith.constant 0 : i32
        %add3A_494 = arith.addi %add3A_493, %mul3A_492 : i32
        %add3A_495 = arith.constant 3 : i32
        %add3A_496 = arith.addi %add3A_494, %add3A_495 : i32
        %add3A_497 = vector.broadcast %add3A_496 : i32 to vector<16xi32>
        %add3A_498 = arith.addi %add3A_497, %iota3A : vector<16xi32>
        %and3A_499 = arith.constant 63 : i32
        %and3A_500 = vector.broadcast %and3A_499 : i32 to vector<16xi32>
        %and3A_501 = arith.andi %add3A_498, %and3A_500 : vector<16xi32>
        %gather3A_502 = arith.constant 0 : i32
        %gather3A_503 = arith.constant 0 : i32
        %gather3A_504 = tpu.memref_slice %arg7[%scan3A_379, %gather3A_502, %gather3A_503] : memref<2x128x128xf32, #tpu.memory_space<vmem>> -> memref<1x128x128xf32, #tpu.memory_space<vmem>>
        %gather3A_505 = tpu.memref_squeeze %gather3A_504 : memref<1x128x128xf32, #tpu.memory_space<vmem>> -> memref<128x128xf32, #tpu.memory_space<vmem>>
        %gather3A_506 = tpu.vector_load_idx %gather3A_505[%add3A_390, %and3A_501] : memref<128x128xf32, #tpu.memory_space<vmem>>[vector<16xi32>, vector<16xi32>], vector<16xf32>,
        %add3A_507 = arith.constant 64 : i32
        %add3A_508 = vector.broadcast %add3A_507 : i32 to vector<16xi32>
        %add3A_509 = arith.addi %and3A_501, %add3A_508 : vector<16xi32>
        %gather3A_510 = arith.constant 0 : i32
        %gather3A_511 = arith.constant 0 : i32
        %gather3A_512 = tpu.memref_slice %arg8[%scan3A_380, %gather3A_510, %gather3A_511] : memref<2x128x128xf32, #tpu.memory_space<vmem>> -> memref<1x128x128xf32, #tpu.memory_space<vmem>>
        %gather3A_513 = tpu.memref_squeeze %gather3A_512 : memref<1x128x128xf32, #tpu.memory_space<vmem>> -> memref<128x128xf32, #tpu.memory_space<vmem>>
        %gather3A_514 = tpu.vector_load_idx %gather3A_513[%add3A_390, %add3A_509] : memref<128x128xf32, #tpu.memory_space<vmem>>[vector<16xi32>, vector<16xi32>], vector<16xf32>,
        %mul3A_515 = arith.mulf %gather3A_506, %gather3A_514 : vector<16xf32>
        %add3A_516 = arith.addf %add3A_490, %mul3A_515 : vector<16xf32>
        %mul3A_517 = arith.constant 4 : i32
        %mul3A_518 = arith.muli %scan3A_410, %mul3A_517 : i32
        %add3A_519 = arith.constant 16 : i32
        %add3A_520 = arith.addi %add3A_519, %mul3A_518 : i32
        %add3A_521 = arith.constant 0 : i32
        %add3A_522 = arith.addi %add3A_520, %add3A_521 : i32
        %add3A_523 = vector.broadcast %add3A_522 : i32 to vector<16xi32>
        %add3A_524 = arith.addi %add3A_523, %iota3A : vector<16xi32>
        %and3A_525 = arith.constant 63 : i32
        %and3A_526 = vector.broadcast %and3A_525 : i32 to vector<16xi32>
        %and3A_527 = arith.andi %add3A_524, %and3A_526 : vector<16xi32>
        %gather3A_528 = arith.constant 0 : i32
        %gather3A_529 = arith.constant 0 : i32
        %gather3A_530 = tpu.memref_slice %arg7[%scan3A_379, %gather3A_528, %gather3A_529] : memref<2x128x128xf32, #tpu.memory_space<vmem>> -> memref<1x128x128xf32, #tpu.memory_space<vmem>>
        %gather3A_531 = tpu.memref_squeeze %gather3A_530 : memref<1x128x128xf32, #tpu.memory_space<vmem>> -> memref<128x128xf32, #tpu.memory_space<vmem>>
        %gather3A_532 = tpu.vector_load_idx %gather3A_531[%add3A_390, %and3A_527] : memref<128x128xf32, #tpu.memory_space<vmem>>[vector<16xi32>, vector<16xi32>], vector<16xf32>,
        %add3A_533 = arith.constant 64 : i32
        %add3A_534 = vector.broadcast %add3A_533 : i32 to vector<16xi32>
        %add3A_535 = arith.addi %and3A_527, %add3A_534 : vector<16xi32>
        %gather3A_536 = arith.constant 0 : i32
        %gather3A_537 = arith.constant 0 : i32
        %gather3A_538 = tpu.memref_slice %arg8[%scan3A_380, %gather3A_536, %gather3A_537] : memref<2x128x128xf32, #tpu.memory_space<vmem>> -> memref<1x128x128xf32, #tpu.memory_space<vmem>>
        %gather3A_539 = tpu.memref_squeeze %gather3A_538 : memref<1x128x128xf32, #tpu.memory_space<vmem>> -> memref<128x128xf32, #tpu.memory_space<vmem>>
        %gather3A_540 = tpu.vector_load_idx %gather3A_539[%add3A_390, %add3A_535] : memref<128x128xf32, #tpu.memory_space<vmem>>[vector<16xi32>, vector<16xi32>], vector<16xf32>,
        %mul3A_541 = arith.mulf %gather3A_532, %gather3A_540 : vector<16xf32>
        %add3A_542 = arith.addf %scan3A_412, %mul3A_541 : vector<16xf32>
        %mul3A_543 = arith.constant 4 : i32
        %mul3A_544 = arith.muli %scan3A_410, %mul3A_543 : i32
        %add3A_545 = arith.constant 16 : i32
        %add3A_546 = arith.addi %add3A_545, %mul3A_544 : i32
        %add3A_547 = arith.constant 1 : i32
        %add3A_548 = arith.addi %add3A_546, %add3A_547 : i32
        %add3A_549 = vector.broadcast %add3A_548 : i32 to vector<16xi32>
        %add3A_550 = arith.addi %add3A_549, %iota3A : vector<16xi32>
        %and3A_551 = arith.constant 63 : i32
        %and3A_552 = vector.broadcast %and3A_551 : i32 to vector<16xi32>
        %and3A_553 = arith.andi %add3A_550, %and3A_552 : vector<16xi32>
        %gather3A_554 = arith.constant 0 : i32
        %gather3A_555 = arith.constant 0 : i32
        %gather3A_556 = tpu.memref_slice %arg7[%scan3A_379, %gather3A_554, %gather3A_555] : memref<2x128x128xf32, #tpu.memory_space<vmem>> -> memref<1x128x128xf32, #tpu.memory_space<vmem>>
        %gather3A_557 = tpu.memref_squeeze %gather3A_556 : memref<1x128x128xf32, #tpu.memory_space<vmem>> -> memref<128x128xf32, #tpu.memory_space<vmem>>
        %gather3A_558 = tpu.vector_load_idx %gather3A_557[%add3A_390, %and3A_553] : memref<128x128xf32, #tpu.memory_space<vmem>>[vector<16xi32>, vector<16xi32>], vector<16xf32>,
        %add3A_559 = arith.constant 64 : i32
        %add3A_560 = vector.broadcast %add3A_559 : i32 to vector<16xi32>
        %add3A_561 = arith.addi %and3A_553, %add3A_560 : vector<16xi32>
        %gather3A_562 = arith.constant 0 : i32
        %gather3A_563 = arith.constant 0 : i32
        %gather3A_564 = tpu.memref_slice %arg8[%scan3A_380, %gather3A_562, %gather3A_563] : memref<2x128x128xf32, #tpu.memory_space<vmem>> -> memref<1x128x128xf32, #tpu.memory_space<vmem>>
        %gather3A_565 = tpu.memref_squeeze %gather3A_564 : memref<1x128x128xf32, #tpu.memory_space<vmem>> -> memref<128x128xf32, #tpu.memory_space<vmem>>
        %gather3A_566 = tpu.vector_load_idx %gather3A_565[%add3A_390, %add3A_561] : memref<128x128xf32, #tpu.memory_space<vmem>>[vector<16xi32>, vector<16xi32>], vector<16xf32>,
        %mul3A_567 = arith.mulf %gather3A_558, %gather3A_566 : vector<16xf32>
        %add3A_568 = arith.addf %add3A_542, %mul3A_567 : vector<16xf32>
        %mul3A_569 = arith.constant 4 : i32
        %mul3A_570 = arith.muli %scan3A_410, %mul3A_569 : i32
        %add3A_571 = arith.constant 16 : i32
        %add3A_572 = arith.addi %add3A_571, %mul3A_570 : i32
        %add3A_573 = arith.constant 2 : i32
        %add3A_574 = arith.addi %add3A_572, %add3A_573 : i32
        %add3A_575 = vector.broadcast %add3A_574 : i32 to vector<16xi32>
        %add3A_576 = arith.addi %add3A_575, %iota3A : vector<16xi32>
        %and3A_577 = arith.constant 63 : i32
        %and3A_578 = vector.broadcast %and3A_577 : i32 to vector<16xi32>
        %and3A_579 = arith.andi %add3A_576, %and3A_578 : vector<16xi32>
        %gather3A_580 = arith.constant 0 : i32
        %gather3A_581 = arith.constant 0 : i32
        %gather3A_582 = tpu.memref_slice %arg7[%scan3A_379, %gather3A_580, %gather3A_581] : memref<2x128x128xf32, #tpu.memory_space<vmem>> -> memref<1x128x128xf32, #tpu.memory_space<vmem>>
        %gather3A_583 = tpu.memref_squeeze %gather3A_582 : memref<1x128x128xf32, #tpu.memory_space<vmem>> -> memref<128x128xf32, #tpu.memory_space<vmem>>
        %gather3A_584 = tpu.vector_load_idx %gather3A_583[%add3A_390, %and3A_579] : memref<128x128xf32, #tpu.memory_space<vmem>>[vector<16xi32>, vector<16xi32>], vector<16xf32>,
        %add3A_585 = arith.constant 64 : i32
        %add3A_586 = vector.broadcast %add3A_585 : i32 to vector<16xi32>
        %add3A_587 = arith.addi %and3A_579, %add3A_586 : vector<16xi32>
        %gather3A_588 = arith.constant 0 : i32
        %gather3A_589 = arith.constant 0 : i32
        %gather3A_590 = tpu.memref_slice %arg8[%scan3A_380, %gather3A_588, %gather3A_589] : memref<2x128x128xf32, #tpu.memory_space<vmem>> -> memref<1x128x128xf32, #tpu.memory_space<vmem>>
        %gather3A_591 = tpu.memref_squeeze %gather3A_590 : memref<1x128x128xf32, #tpu.memory_space<vmem>> -> memref<128x128xf32, #tpu.memory_space<vmem>>
        %gather3A_592 = tpu.vector_load_idx %gather3A_591[%add3A_390, %add3A_587] : memref<128x128xf32, #tpu.memory_space<vmem>>[vector<16xi32>, vector<16xi32>], vector<16xf32>,
        %mul3A_593 = arith.mulf %gather3A_584, %gather3A_592 : vector<16xf32>
        %add3A_594 = arith.addf %add3A_568, %mul3A_593 : vector<16xf32>
        %mul3A_595 = arith.constant 4 : i32
        %mul3A_596 = arith.muli %scan3A_410, %mul3A_595 : i32
        %add3A_597 = arith.constant 16 : i32
        %add3A_598 = arith.addi %add3A_597, %mul3A_596 : i32
        %add3A_599 = arith.constant 3 : i32
        %add3A_600 = arith.addi %add3A_598, %add3A_599 : i32
        %add3A_601 = vector.broadcast %add3A_600 : i32 to vector<16xi32>
        %add3A_602 = arith.addi %add3A_601, %iota3A : vector<16xi32>
        %and3A_603 = arith.constant 63 : i32
        %and3A_604 = vector.broadcast %and3A_603 : i32 to vector<16xi32>
        %and3A_605 = arith.andi %add3A_602, %and3A_604 : vector<16xi32>
        %gather3A_606 = arith.constant 0 : i32
        %gather3A_607 = arith.constant 0 : i32
        %gather3A_608 = tpu.memref_slice %arg7[%scan3A_379, %gather3A_606, %gather3A_607] : memref<2x128x128xf32, #tpu.memory_space<vmem>> -> memref<1x128x128xf32, #tpu.memory_space<vmem>>
        %gather3A_609 = tpu.memref_squeeze %gather3A_608 : memref<1x128x128xf32, #tpu.memory_space<vmem>> -> memref<128x128xf32, #tpu.memory_space<vmem>>
        %gather3A_610 = tpu.vector_load_idx %gather3A_609[%add3A_390, %and3A_605] : memref<128x128xf32, #tpu.memory_space<vmem>>[vector<16xi32>, vector<16xi32>], vector<16xf32>,
        %add3A_611 = arith.constant 64 : i32
        %add3A_612 = vector.broadcast %add3A_611 : i32 to vector<16xi32>
        %add3A_613 = arith.addi %and3A_605, %add3A_612 : vector<16xi32>
        %gather3A_614 = arith.constant 0 : i32
        %gather3A_615 = arith.constant 0 : i32
        %gather3A_616 = tpu.memref_slice %arg8[%scan3A_380, %gather3A_614, %gather3A_615] : memref<2x128x128xf32, #tpu.memory_space<vmem>> -> memref<1x128x128xf32, #tpu.memory_space<vmem>>
        %gather3A_617 = tpu.memref_squeeze %gather3A_616 : memref<1x128x128xf32, #tpu.memory_space<vmem>> -> memref<128x128xf32, #tpu.memory_space<vmem>>
        %gather3A_618 = tpu.vector_load_idx %gather3A_617[%add3A_390, %add3A_613] : memref<128x128xf32, #tpu.memory_space<vmem>>[vector<16xi32>, vector<16xi32>], vector<16xf32>,
        %mul3A_619 = arith.mulf %gather3A_610, %gather3A_618 : vector<16xf32>
        %add3A_620 = arith.addf %add3A_594, %mul3A_619 : vector<16xf32>
        %mul3A_621 = arith.constant 4 : i32
        %mul3A_622 = arith.muli %scan3A_410, %mul3A_621 : i32
        %add3A_623 = arith.constant 32 : i32
        %add3A_624 = arith.addi %add3A_623, %mul3A_622 : i32
        %add3A_625 = arith.constant 0 : i32
        %add3A_626 = arith.addi %add3A_624, %add3A_625 : i32
        %add3A_627 = vector.broadcast %add3A_626 : i32 to vector<16xi32>
        %add3A_628 = arith.addi %add3A_627, %iota3A : vector<16xi32>
        %and3A_629 = arith.constant 63 : i32
        %and3A_630 = vector.broadcast %and3A_629 : i32 to vector<16xi32>
        %and3A_631 = arith.andi %add3A_628, %and3A_630 : vector<16xi32>
        %gather3A_632 = arith.constant 0 : i32
        %gather3A_633 = arith.constant 0 : i32
        %gather3A_634 = tpu.memref_slice %arg7[%scan3A_379, %gather3A_632, %gather3A_633] : memref<2x128x128xf32, #tpu.memory_space<vmem>> -> memref<1x128x128xf32, #tpu.memory_space<vmem>>
        %gather3A_635 = tpu.memref_squeeze %gather3A_634 : memref<1x128x128xf32, #tpu.memory_space<vmem>> -> memref<128x128xf32, #tpu.memory_space<vmem>>
        %gather3A_636 = tpu.vector_load_idx %gather3A_635[%add3A_390, %and3A_631] : memref<128x128xf32, #tpu.memory_space<vmem>>[vector<16xi32>, vector<16xi32>], vector<16xf32>,
        %add3A_637 = arith.constant 64 : i32
        %add3A_638 = vector.broadcast %add3A_637 : i32 to vector<16xi32>
        %add3A_639 = arith.addi %and3A_631, %add3A_638 : vector<16xi32>
        %gather3A_640 = arith.constant 0 : i32
        %gather3A_641 = arith.constant 0 : i32
        %gather3A_642 = tpu.memref_slice %arg8[%scan3A_380, %gather3A_640, %gather3A_641] : memref<2x128x128xf32, #tpu.memory_space<vmem>> -> memref<1x128x128xf32, #tpu.memory_space<vmem>>
        %gather3A_643 = tpu.memref_squeeze %gather3A_642 : memref<1x128x128xf32, #tpu.memory_space<vmem>> -> memref<128x128xf32, #tpu.memory_space<vmem>>
        %gather3A_644 = tpu.vector_load_idx %gather3A_643[%add3A_390, %add3A_639] : memref<128x128xf32, #tpu.memory_space<vmem>>[vector<16xi32>, vector<16xi32>], vector<16xf32>,
        %mul3A_645 = arith.mulf %gather3A_636, %gather3A_644 : vector<16xf32>
        %add3A_646 = arith.addf %scan3A_413, %mul3A_645 : vector<16xf32>
        %mul3A_647 = arith.constant 4 : i32
        %mul3A_648 = arith.muli %scan3A_410, %mul3A_647 : i32
        %add3A_649 = arith.constant 32 : i32
        %add3A_650 = arith.addi %add3A_649, %mul3A_648 : i32
        %add3A_651 = arith.constant 1 : i32
        %add3A_652 = arith.addi %add3A_650, %add3A_651 : i32
        %add3A_653 = vector.broadcast %add3A_652 : i32 to vector<16xi32>
        %add3A_654 = arith.addi %add3A_653, %iota3A : vector<16xi32>
        %and3A_655 = arith.constant 63 : i32
        %and3A_656 = vector.broadcast %and3A_655 : i32 to vector<16xi32>
        %and3A_657 = arith.andi %add3A_654, %and3A_656 : vector<16xi32>
        %gather3A_658 = arith.constant 0 : i32
        %gather3A_659 = arith.constant 0 : i32
        %gather3A_660 = tpu.memref_slice %arg7[%scan3A_379, %gather3A_658, %gather3A_659] : memref<2x128x128xf32, #tpu.memory_space<vmem>> -> memref<1x128x128xf32, #tpu.memory_space<vmem>>
        %gather3A_661 = tpu.memref_squeeze %gather3A_660 : memref<1x128x128xf32, #tpu.memory_space<vmem>> -> memref<128x128xf32, #tpu.memory_space<vmem>>
        %gather3A_662 = tpu.vector_load_idx %gather3A_661[%add3A_390, %and3A_657] : memref<128x128xf32, #tpu.memory_space<vmem>>[vector<16xi32>, vector<16xi32>], vector<16xf32>,
        %add3A_663 = arith.constant 64 : i32
        %add3A_664 = vector.broadcast %add3A_663 : i32 to vector<16xi32>
        %add3A_665 = arith.addi %and3A_657, %add3A_664 : vector<16xi32>
        %gather3A_666 = arith.constant 0 : i32
        %gather3A_667 = arith.constant 0 : i32
        %gather3A_668 = tpu.memref_slice %arg8[%scan3A_380, %gather3A_666, %gather3A_667] : memref<2x128x128xf32, #tpu.memory_space<vmem>> -> memref<1x128x128xf32, #tpu.memory_space<vmem>>
        %gather3A_669 = tpu.memref_squeeze %gather3A_668 : memref<1x128x128xf32, #tpu.memory_space<vmem>> -> memref<128x128xf32, #tpu.memory_space<vmem>>
        %gather3A_670 = tpu.vector_load_idx %gather3A_669[%add3A_390, %add3A_665] : memref<128x128xf32, #tpu.memory_space<vmem>>[vector<16xi32>, vector<16xi32>], vector<16xf32>,
        %mul3A_671 = arith.mulf %gather3A_662, %gather3A_670 : vector<16xf32>
        %add3A_672 = arith.addf %add3A_646, %mul3A_671 : vector<16xf32>
        %mul3A_673 = arith.constant 4 : i32
        %mul3A_674 = arith.muli %scan3A_410, %mul3A_673 : i32
        %add3A_675 = arith.constant 32 : i32
        %add3A_676 = arith.addi %add3A_675, %mul3A_674 : i32
        %add3A_677 = arith.constant 2 : i32
        %add3A_678 = arith.addi %add3A_676, %add3A_677 : i32
        %add3A_679 = vector.broadcast %add3A_678 : i32 to vector<16xi32>
        %add3A_680 = arith.addi %add3A_679, %iota3A : vector<16xi32>
        %and3A_681 = arith.constant 63 : i32
        %and3A_682 = vector.broadcast %and3A_681 : i32 to vector<16xi32>
        %and3A_683 = arith.andi %add3A_680, %and3A_682 : vector<16xi32>
        %gather3A_684 = arith.constant 0 : i32
        %gather3A_685 = arith.constant 0 : i32
        %gather3A_686 = tpu.memref_slice %arg7[%scan3A_379, %gather3A_684, %gather3A_685] : memref<2x128x128xf32, #tpu.memory_space<vmem>> -> memref<1x128x128xf32, #tpu.memory_space<vmem>>
        %gather3A_687 = tpu.memref_squeeze %gather3A_686 : memref<1x128x128xf32, #tpu.memory_space<vmem>> -> memref<128x128xf32, #tpu.memory_space<vmem>>
        %gather3A_688 = tpu.vector_load_idx %gather3A_687[%add3A_390, %and3A_683] : memref<128x128xf32, #tpu.memory_space<vmem>>[vector<16xi32>, vector<16xi32>], vector<16xf32>,
        %add3A_689 = arith.constant 64 : i32
        %add3A_690 = vector.broadcast %add3A_689 : i32 to vector<16xi32>
        %add3A_691 = arith.addi %and3A_683, %add3A_690 : vector<16xi32>
        %gather3A_692 = arith.constant 0 : i32
        %gather3A_693 = arith.constant 0 : i32
        %gather3A_694 = tpu.memref_slice %arg8[%scan3A_380, %gather3A_692, %gather3A_693] : memref<2x128x128xf32, #tpu.memory_space<vmem>> -> memref<1x128x128xf32, #tpu.memory_space<vmem>>
        %gather3A_695 = tpu.memref_squeeze %gather3A_694 : memref<1x128x128xf32, #tpu.memory_space<vmem>> -> memref<128x128xf32, #tpu.memory_space<vmem>>
        %gather3A_696 = tpu.vector_load_idx %gather3A_695[%add3A_390, %add3A_691] : memref<128x128xf32, #tpu.memory_space<vmem>>[vector<16xi32>, vector<16xi32>], vector<16xf32>,
        %mul3A_697 = arith.mulf %gather3A_688, %gather3A_696 : vector<16xf32>
        %add3A_698 = arith.addf %add3A_672, %mul3A_697 : vector<16xf32>
        %mul3A_699 = arith.constant 4 : i32
        %mul3A_700 = arith.muli %scan3A_410, %mul3A_699 : i32
        %add3A_701 = arith.constant 32 : i32
        %add3A_702 = arith.addi %add3A_701, %mul3A_700 : i32
        %add3A_703 = arith.constant 3 : i32
        %add3A_704 = arith.addi %add3A_702, %add3A_703 : i32
        %add3A_705 = vector.broadcast %add3A_704 : i32 to vector<16xi32>
        %add3A_706 = arith.addi %add3A_705, %iota3A : vector<16xi32>
        %and3A_707 = arith.constant 63 : i32
        %and3A_708 = vector.broadcast %and3A_707 : i32 to vector<16xi32>
        %and3A_709 = arith.andi %add3A_706, %and3A_708 : vector<16xi32>
        %gather3A_710 = arith.constant 0 : i32
        %gather3A_711 = arith.constant 0 : i32
        %gather3A_712 = tpu.memref_slice %arg7[%scan3A_379, %gather3A_710, %gather3A_711] : memref<2x128x128xf32, #tpu.memory_space<vmem>> -> memref<1x128x128xf32, #tpu.memory_space<vmem>>
        %gather3A_713 = tpu.memref_squeeze %gather3A_712 : memref<1x128x128xf32, #tpu.memory_space<vmem>> -> memref<128x128xf32, #tpu.memory_space<vmem>>
        %gather3A_714 = tpu.vector_load_idx %gather3A_713[%add3A_390, %and3A_709] : memref<128x128xf32, #tpu.memory_space<vmem>>[vector<16xi32>, vector<16xi32>], vector<16xf32>,
        %add3A_715 = arith.constant 64 : i32
        %add3A_716 = vector.broadcast %add3A_715 : i32 to vector<16xi32>
        %add3A_717 = arith.addi %and3A_709, %add3A_716 : vector<16xi32>
        %gather3A_718 = arith.constant 0 : i32
        %gather3A_719 = arith.constant 0 : i32
        %gather3A_720 = tpu.memref_slice %arg8[%scan3A_380, %gather3A_718, %gather3A_719] : memref<2x128x128xf32, #tpu.memory_space<vmem>> -> memref<1x128x128xf32, #tpu.memory_space<vmem>>
        %gather3A_721 = tpu.memref_squeeze %gather3A_720 : memref<1x128x128xf32, #tpu.memory_space<vmem>> -> memref<128x128xf32, #tpu.memory_space<vmem>>
        %gather3A_722 = tpu.vector_load_idx %gather3A_721[%add3A_390, %add3A_717] : memref<128x128xf32, #tpu.memory_space<vmem>>[vector<16xi32>, vector<16xi32>], vector<16xf32>,
        %mul3A_723 = arith.mulf %gather3A_714, %gather3A_722 : vector<16xf32>
        %add3A_724 = arith.addf %add3A_698, %mul3A_723 : vector<16xf32>
        %mul3A_725 = arith.constant 4 : i32
        %mul3A_726 = arith.muli %scan3A_410, %mul3A_725 : i32
        %add3A_727 = arith.constant 48 : i32
        %add3A_728 = arith.addi %add3A_727, %mul3A_726 : i32
        %add3A_729 = arith.constant 0 : i32
        %add3A_730 = arith.addi %add3A_728, %add3A_729 : i32
        %add3A_731 = vector.broadcast %add3A_730 : i32 to vector<16xi32>
        %add3A_732 = arith.addi %add3A_731, %iota3A : vector<16xi32>
        %and3A_733 = arith.constant 63 : i32
        %and3A_734 = vector.broadcast %and3A_733 : i32 to vector<16xi32>
        %and3A_735 = arith.andi %add3A_732, %and3A_734 : vector<16xi32>
        %gather3A_736 = arith.constant 0 : i32
        %gather3A_737 = arith.constant 0 : i32
        %gather3A_738 = tpu.memref_slice %arg7[%scan3A_379, %gather3A_736, %gather3A_737] : memref<2x128x128xf32, #tpu.memory_space<vmem>> -> memref<1x128x128xf32, #tpu.memory_space<vmem>>
        %gather3A_739 = tpu.memref_squeeze %gather3A_738 : memref<1x128x128xf32, #tpu.memory_space<vmem>> -> memref<128x128xf32, #tpu.memory_space<vmem>>
        %gather3A_740 = tpu.vector_load_idx %gather3A_739[%add3A_390, %and3A_735] : memref<128x128xf32, #tpu.memory_space<vmem>>[vector<16xi32>, vector<16xi32>], vector<16xf32>,
        %add3A_741 = arith.constant 64 : i32
        %add3A_742 = vector.broadcast %add3A_741 : i32 to vector<16xi32>
        %add3A_743 = arith.addi %and3A_735, %add3A_742 : vector<16xi32>
        %gather3A_744 = arith.constant 0 : i32
        %gather3A_745 = arith.constant 0 : i32
        %gather3A_746 = tpu.memref_slice %arg8[%scan3A_380, %gather3A_744, %gather3A_745] : memref<2x128x128xf32, #tpu.memory_space<vmem>> -> memref<1x128x128xf32, #tpu.memory_space<vmem>>
        %gather3A_747 = tpu.memref_squeeze %gather3A_746 : memref<1x128x128xf32, #tpu.memory_space<vmem>> -> memref<128x128xf32, #tpu.memory_space<vmem>>
        %gather3A_748 = tpu.vector_load_idx %gather3A_747[%add3A_390, %add3A_743] : memref<128x128xf32, #tpu.memory_space<vmem>>[vector<16xi32>, vector<16xi32>], vector<16xf32>,
        %mul3A_749 = arith.mulf %gather3A_740, %gather3A_748 : vector<16xf32>
        %add3A_750 = arith.addf %scan3A_414, %mul3A_749 : vector<16xf32>
        %mul3A_751 = arith.constant 4 : i32
        %mul3A_752 = arith.muli %scan3A_410, %mul3A_751 : i32
        %add3A_753 = arith.constant 48 : i32
        %add3A_754 = arith.addi %add3A_753, %mul3A_752 : i32
        %add3A_755 = arith.constant 1 : i32
        %add3A_756 = arith.addi %add3A_754, %add3A_755 : i32
        %add3A_757 = vector.broadcast %add3A_756 : i32 to vector<16xi32>
        %add3A_758 = arith.addi %add3A_757, %iota3A : vector<16xi32>
        %and3A_759 = arith.constant 63 : i32
        %and3A_760 = vector.broadcast %and3A_759 : i32 to vector<16xi32>
        %and3A_761 = arith.andi %add3A_758, %and3A_760 : vector<16xi32>
        %gather3A_762 = arith.constant 0 : i32
        %gather3A_763 = arith.constant 0 : i32
        %gather3A_764 = tpu.memref_slice %arg7[%scan3A_379, %gather3A_762, %gather3A_763] : memref<2x128x128xf32, #tpu.memory_space<vmem>> -> memref<1x128x128xf32, #tpu.memory_space<vmem>>
        %gather3A_765 = tpu.memref_squeeze %gather3A_764 : memref<1x128x128xf32, #tpu.memory_space<vmem>> -> memref<128x128xf32, #tpu.memory_space<vmem>>
        %gather3A_766 = tpu.vector_load_idx %gather3A_765[%add3A_390, %and3A_761] : memref<128x128xf32, #tpu.memory_space<vmem>>[vector<16xi32>, vector<16xi32>], vector<16xf32>,
        %add3A_767 = arith.constant 64 : i32
        %add3A_768 = vector.broadcast %add3A_767 : i32 to vector<16xi32>
        %add3A_769 = arith.addi %and3A_761, %add3A_768 : vector<16xi32>
        %gather3A_770 = arith.constant 0 : i32
        %gather3A_771 = arith.constant 0 : i32
        %gather3A_772 = tpu.memref_slice %arg8[%scan3A_380, %gather3A_770, %gather3A_771] : memref<2x128x128xf32, #tpu.memory_space<vmem>> -> memref<1x128x128xf32, #tpu.memory_space<vmem>>
        %gather3A_773 = tpu.memref_squeeze %gather3A_772 : memref<1x128x128xf32, #tpu.memory_space<vmem>> -> memref<128x128xf32, #tpu.memory_space<vmem>>
        %gather3A_774 = tpu.vector_load_idx %gather3A_773[%add3A_390, %add3A_769] : memref<128x128xf32, #tpu.memory_space<vmem>>[vector<16xi32>, vector<16xi32>], vector<16xf32>,
        %mul3A_775 = arith.mulf %gather3A_766, %gather3A_774 : vector<16xf32>
        %add3A_776 = arith.addf %add3A_750, %mul3A_775 : vector<16xf32>
        %mul3A_777 = arith.constant 4 : i32
        %mul3A_778 = arith.muli %scan3A_410, %mul3A_777 : i32
        %add3A_779 = arith.constant 48 : i32
        %add3A_780 = arith.addi %add3A_779, %mul3A_778 : i32
        %add3A_781 = arith.constant 2 : i32
        %add3A_782 = arith.addi %add3A_780, %add3A_781 : i32
        %add3A_783 = vector.broadcast %add3A_782 : i32 to vector<16xi32>
        %add3A_784 = arith.addi %add3A_783, %iota3A : vector<16xi32>
        %and3A_785 = arith.constant 63 : i32
        %and3A_786 = vector.broadcast %and3A_785 : i32 to vector<16xi32>
        %and3A_787 = arith.andi %add3A_784, %and3A_786 : vector<16xi32>
        %gather3A_788 = arith.constant 0 : i32
        %gather3A_789 = arith.constant 0 : i32
        %gather3A_790 = tpu.memref_slice %arg7[%scan3A_379, %gather3A_788, %gather3A_789] : memref<2x128x128xf32, #tpu.memory_space<vmem>> -> memref<1x128x128xf32, #tpu.memory_space<vmem>>
        %gather3A_791 = tpu.memref_squeeze %gather3A_790 : memref<1x128x128xf32, #tpu.memory_space<vmem>> -> memref<128x128xf32, #tpu.memory_space<vmem>>
        %gather3A_792 = tpu.vector_load_idx %gather3A_791[%add3A_390, %and3A_787] : memref<128x128xf32, #tpu.memory_space<vmem>>[vector<16xi32>, vector<16xi32>], vector<16xf32>,
        %add3A_793 = arith.constant 64 : i32
        %add3A_794 = vector.broadcast %add3A_793 : i32 to vector<16xi32>
        %add3A_795 = arith.addi %and3A_787, %add3A_794 : vector<16xi32>
        %gather3A_796 = arith.constant 0 : i32
        %gather3A_797 = arith.constant 0 : i32
        %gather3A_798 = tpu.memref_slice %arg8[%scan3A_380, %gather3A_796, %gather3A_797] : memref<2x128x128xf32, #tpu.memory_space<vmem>> -> memref<1x128x128xf32, #tpu.memory_space<vmem>>
        %gather3A_799 = tpu.memref_squeeze %gather3A_798 : memref<1x128x128xf32, #tpu.memory_space<vmem>> -> memref<128x128xf32, #tpu.memory_space<vmem>>
        %gather3A_800 = tpu.vector_load_idx %gather3A_799[%add3A_390, %add3A_795] : memref<128x128xf32, #tpu.memory_space<vmem>>[vector<16xi32>, vector<16xi32>], vector<16xf32>,
        %mul3A_801 = arith.mulf %gather3A_792, %gather3A_800 : vector<16xf32>
        %add3A_802 = arith.addf %add3A_776, %mul3A_801 : vector<16xf32>
        %mul3A_803 = arith.constant 4 : i32
        %mul3A_804 = arith.muli %scan3A_410, %mul3A_803 : i32
        %add3A_805 = arith.constant 48 : i32
        %add3A_806 = arith.addi %add3A_805, %mul3A_804 : i32
        %add3A_807 = arith.constant 3 : i32
        %add3A_808 = arith.addi %add3A_806, %add3A_807 : i32
        %add3A_809 = vector.broadcast %add3A_808 : i32 to vector<16xi32>
        %add3A_810 = arith.addi %add3A_809, %iota3A : vector<16xi32>
        %and3A_811 = arith.constant 63 : i32
        %and3A_812 = vector.broadcast %and3A_811 : i32 to vector<16xi32>
        %and3A_813 = arith.andi %add3A_810, %and3A_812 : vector<16xi32>
        %gather3A_814 = arith.constant 0 : i32
        %gather3A_815 = arith.constant 0 : i32
        %gather3A_816 = tpu.memref_slice %arg7[%scan3A_379, %gather3A_814, %gather3A_815] : memref<2x128x128xf32, #tpu.memory_space<vmem>> -> memref<1x128x128xf32, #tpu.memory_space<vmem>>
        %gather3A_817 = tpu.memref_squeeze %gather3A_816 : memref<1x128x128xf32, #tpu.memory_space<vmem>> -> memref<128x128xf32, #tpu.memory_space<vmem>>
        %gather3A_818 = tpu.vector_load_idx %gather3A_817[%add3A_390, %and3A_813] : memref<128x128xf32, #tpu.memory_space<vmem>>[vector<16xi32>, vector<16xi32>], vector<16xf32>,
        %add3A_819 = arith.constant 64 : i32
        %add3A_820 = vector.broadcast %add3A_819 : i32 to vector<16xi32>
        %add3A_821 = arith.addi %and3A_813, %add3A_820 : vector<16xi32>
        %gather3A_822 = arith.constant 0 : i32
        %gather3A_823 = arith.constant 0 : i32
        %gather3A_824 = tpu.memref_slice %arg8[%scan3A_380, %gather3A_822, %gather3A_823] : memref<2x128x128xf32, #tpu.memory_space<vmem>> -> memref<1x128x128xf32, #tpu.memory_space<vmem>>
        %gather3A_825 = tpu.memref_squeeze %gather3A_824 : memref<1x128x128xf32, #tpu.memory_space<vmem>> -> memref<128x128xf32, #tpu.memory_space<vmem>>
        %gather3A_826 = tpu.vector_load_idx %gather3A_825[%add3A_390, %add3A_821] : memref<128x128xf32, #tpu.memory_space<vmem>>[vector<16xi32>, vector<16xi32>], vector<16xf32>,
        %mul3A_827 = arith.mulf %gather3A_818, %gather3A_826 : vector<16xf32>
        %add3A_828 = arith.addf %add3A_802, %mul3A_827 : vector<16xf32>
        scf.yield %add3A_516, %add3A_620, %add3A_724, %add3A_828 : vector<16xf32>, vector<16xf32>, vector<16xf32>, vector<16xf32>
      }
      %scan3A_397 = arith.constant 4 : i32
      %mul3A_398 = arith.constant 16 : i32
      %mul3A_399 = arith.muli %scan3A_386, %mul3A_398 : i32
      %add3A_400 = arith.constant 384 : i32
      %add3A_401 = arith.addi %add3A_400, %mul3A_399 : i32
      %multiple_of3A = tpu.assume_multiple %add3A_401, 16 : i32
      %get3A = arith.index_cast %multiple_of3A : i32 to index
      %get3A_402 = tpu.vector_load %arg9[%get3A] {strides = array<i32>} : memref<512xf32, #tpu.memory_space<vmem>>, vector<16xf32>,
      %add3A_403 = arith.addf %scan3A_396#0, %scan3A_396#1 : vector<16xf32>
      %add3A_404 = arith.addf %scan3A_396#2, %scan3A_396#3 : vector<16xf32>
      %add3A_405 = arith.addf %add3A_403, %add3A_404 : vector<16xf32>
      %add3A_406 = arith.addf %get3A_402, %get3A_402 : vector<16xf32>
      %add3A_407 = arith.addf %add3A_405, %add3A_406 : vector<16xf32>
      %multiple_of3A_408 = tpu.assume_multiple %add3A_401, 16 : i32
      %swap3A = arith.index_cast %multiple_of3A_408 : i32 to index
      %swap3A_409 = tpu.vector_load %arg10[%swap3A] {strides = array<i32>} : memref<512xf32, #tpu.memory_space<vmem>>, vector<16xf32>,
      tpu.vector_store %arg10[%swap3A], %add3A_407 {strides = array<i32>} : memref<512xf32, #tpu.memory_space<vmem>>, vector<16xf32>,
    }
    %scan3A_385 = arith.constant 8 : i32
    "tpu.region"() ({
      %run_scoped3A = tpu.sem_alloc : memref<!tpu.dma_semaphore, #tpu.memory_space<semaphore_mem>>
      %dma_start3A_386 = tpu.memref_slice %arg5[%mul3A_2] : memref<16384xf32, #tpu.memory_space<hbm>> -> memref<512xf32, #tpu.memory_space<hbm>>
      %dma_start3A_387 = tpu.memref_slice %arg5[%mul3A_2] : memref<16384xf32, #tpu.memory_space<hbm>> -> memref<512xf32, #tpu.memory_space<hbm>>
      tpu.enqueue_dma source(%arg10 : memref<512xf32, #tpu.memory_space<vmem>>) target(%dma_start3A_387 : memref<512xf32, #tpu.memory_space<hbm>>) target_semaphore(%run_scoped3A : memref<!tpu.dma_semaphore, #tpu.memory_space<semaphore_mem>>)
      %dma_wait3A_388 = tpu.memref_slice %arg5[%mul3A_2] : memref<16384xf32, #tpu.memory_space<hbm>> -> memref<512xf32, #tpu.memory_space<hbm>>
      %dma_wait3A_389 = tpu.memref_slice %arg5[%mul3A_2] : memref<16384xf32, #tpu.memory_space<hbm>> -> memref<512xf32, #tpu.memory_space<hbm>>
      tpu.wait_dma2 semaphore(%run_scoped3A : memref<!tpu.dma_semaphore, #tpu.memory_space<semaphore_mem>>) src(%arg10 : memref<512xf32, #tpu.memory_space<vmem>>) dst(%dma_wait3A_389 : memref<512xf32, #tpu.memory_space<hbm>>)
      tpu.yield
    }) : () -> ()
    return
  }
}

</mosaic_0001>

<sc_bundles>
// kernel: _mf.3.cloned.1.call-start
scs
__scs_entry_jumppad:
0x0: {  	(pc) =	sbr.rel $0x88, $3  }
0x1: {  	(tag) =	ssettag $0x0;
	lr =	simm.s32 $0x1  }
0x2: {  	[smem:$0x3F9E] =	sst lr;
	_ =	strace $0xD0000000  }
0x3: {  	_ = 	snop  }
0x4: {  	_ = 	snop  }
0x5: {  	_ = 	snop  }
0x6: {  	_ = 	snop  }
0x7: {  	_ = 	snop  }
__scs_overlays_trampoline_lowered:
0x8: {  	[smem:$0x3FAD] =	sst s0  }
0x9: {  	[smem:$0x3FAE] =	sst s1  }
0xa: {  	[smem:$0x3FAF] =	sst s2  }
0xb: {  	[smem:$0x3FB0] =	sst s3  }
0xc: {  	[smem:$0x3FB1] =	sst s4  }
0xd: {  	[smem:$0x3FB2] =	sst s5  }
0xe: {  	[smem:$0x3FB3] =	sst s6  }
0xf: {  	[smem:$0x3FB4] =	sst s7  }
0x10: {  	[smem:$0x3FB5] =	sst s8  }
0x11: {  	[smem:$0x3FB6] =	sst s9;
	s0 =	simm.s32 @!p0 $0x0  }
0x12: {  	s1 =	sld [smem:$0x3F9C];
	s0 =	simm.s32 @p0 $0x1  }
0x13: {  	[smem:$0x3FB7] =	sst s0;
	s0 =	simm.s32 @!p1 $0x0  }
0x14: {  	s2 =	sld [smem:$0x3F9B];
	s0 =	simm.s32 @p1 $0x1  }
0x15: {  	[smem:$0x3FB8] =	sst s0;
	s0 =	simm.s32 @!p2 $0x0  }
0x16: {  	s3 =	sld [smem:$0x3FDB];
	s0 =	simm.s32 @p2 $0x1  }
0x17: {  	s4 =	simm.s32 $0x1BF5;
	[smem:$0x3FBA] =	sst s0  }
0x18: {  	s0 =	sld [smem:$0x3F9D];
	_ =	swait.ge [sflag:s4], $0x0  }
0x19: {  	s7 =	sld [smem:$0x3F9E]  }
0x1a: {  	s8 =	sadd.s32 $0xFFFFE003, lr  }
0x1b: {  	s9 =	sadd.s32 $0xFFFFFEF7, lr;
	s5 =	simm.s32 $0xFFFFFFFF;
	p2 =	slt.u32 s8, $0xFFFFF086  }
0x1c: {  	p1 =	slt.u32 s9, $0xF7A;
	s5 =	simm.s32 @!p2 $0x0  }
0x1d: {  	s5 =	simm.s32 @p1 $0x1;
	p0 =	seq.s32 s7, s2  }
0x1e: {  	s7 =	smul.u32 @!p0 $0xF7A, s2;
	p2 =	seq.s32 @!p0 s5, $0x0  }
0x1f: {  	s9 =	smul.u32 $0xF7A, s1;
	s8 =	simm.s32 @!p0 $0x1BF5;
	p2 =	por !p2, p0  }
0x20: {  	[sflag:s8] =	ssyncset.s32 @!p0 $0xFFFFF086;
	s6 =	sadd.s32 @!p0 s3, s7;
	s7 =	simm.s32 @!p0 $0x108  }
0x21: {  	s3 =	sadd.s32 s3, s9;
	s6 =	sadd.s32 @!p0 $0x88, s6;
	s7 =	simm.s32 @p2 $0x1082  }
0x22: {  	[simem:s7], [sflag:s8] =	dma.local @!p0 [hbm:s6], $0xF7A  }
0x23: {  	s9 =	sor.u32 $0xD0000000, s2;
	s6 =	simm.s32 $0x108;
	_ =	swait.ge @!p0 [sflag:s8], $0x0  }
0x24: {  	s3 =	sadd.s32 $0x88, s3;
	s6 =	simm.s32 @!p1 $0x1082;
	[sflag:s4] =	ssyncset.s32 $0xFFFFF086  }
0x25: {  	[simem:s6], [sflag:s4] =	dma.local [hbm:s3], $0xF7A  }
0x26: {  	[smem:$0x3F9E] =	sst s1;
	(tag) =	ssettag s2;
	_ =	strace s9  }
0x27: {  	s1 =	sld [smem:$0x3FAE]  }
0x28: {  	s2 =	sld [smem:$0x3FAF]  }
0x29: {  	s4 =	sld [smem:$0x3FB1]  }
0x2a: {  	p0 =	seq.s32 s5, $0x0;
	s5 =	sld [smem:$0x3FB2]  }
0x2b: {  	s6 =	sld [smem:$0x3FB3]  }
0x2c: {  	s7 =	sld [smem:$0x3FB4]  }
0x2d: {  	s3 =	simm.s32 $0x108;
	s8 =	sld [smem:$0x3FB5]  }
0x2e: {  	s3 =	simm.s32 @!p0 $0x1082;
	s9 =	sld [smem:$0x3FB6]  }
0x2f: {  	lr =	sadd.s32 s0, s3;
	s0 =	sld [smem:$0x3FAD]  }
0x30: {  	s3 =	sld [smem:$0x3FB0]  }
0x31: {  	[smem:$0x3FB9] =	sst s10  }
0x32: {  	s10 =	sld [smem:$0x3FB7];
	_ =	sdelay $0x3  }
0x33: {  	p0 =	seq.s32 s10, $0x1;
	s10 =	sld [smem:$0x3FB9];
	_ =	sdelay $0x3  }
0x34: {  	[smem:$0x3FB9] =	sst s10  }
0x35: {  	s10 =	sld [smem:$0x3FB8];
	_ =	sdelay $0x3  }
0x36: {  	p1 =	seq.s32 s10, $0x1;
	s10 =	sld [smem:$0x3FB9];
	_ =	sdelay $0x3  }
0x37: {  	[smem:$0x3FB9] =	sst s10  }
0x38: {  	s10 =	sld [smem:$0x3FBA]  }
0x39: {  	_ = 	snop;
	(pc) =	sbr.ind lr, $3  }
0x3a: {  	_ = 	snop  }
0x3b: {  	_ = 	snop  }
0x3c: {  	p2 =	seq.s32 s10, $0x1;
	s10 =	sld [smem:$0x3FB9]  }
0x3d: {  	_ =	shalt  }
0x3e: {  	_ =	shalt  }
0x3f: {  	_ =	shalt  }
0x40: {  	_ =	shalt  }
0x41: {  	_ =	shalt  }
0x42: {  	_ =	shalt  }
0x43: {  	_ =	shalt  }
0x44: {  	_ =	shalt  }
0x45: {  	_ =	shalt  }
0x46: {  	_ =	shalt  }
0x47: {  	_ =	shalt  }
0x48: {  	_ =	shalt  }
0x49: {  	_ =	shalt  }
0x4a: {  	_ =	shalt  }
0x4b: {  	_ =	shalt  }
0x4c: {  	_ =	shalt  }
0x4d: {  	_ =	shalt  }
0x4e: {  	_ =	shalt  }
0x4f: {  	_ =	shalt  }
0x50: {  	_ =	shalt  }
0x51: {  	_ =	shalt  }
0x52: {  	_ =	shalt  }
0x53: {  	_ =	shalt  }
0x54: {  	_ =	shalt  }
0x55: {  	_ =	shalt  }
0x56: {  	_ =	shalt  }
0x57: {  	_ =	shalt  }
0x58: {  	_ =	shalt  }
0x59: {  	_ =	shalt  }
0x5a: {  	_ =	shalt  }
0x5b: {  	_ =	shalt  }
0x5c: {  	_ =	shalt  }
0x5d: {  	_ =	shalt  }
0x5e: {  	_ =	shalt  }
0x5f: {  	_ =	shalt  }
0x60: {  	_ =	shalt  }
0x61: {  	_ =	shalt  }
0x62: {  	_ =	shalt  }
0x63: {  	_ =	shalt  }
0x64: {  	_ =	shalt  }
0x65: {  	_ =	shalt  }
0x66: {  	_ =	shalt  }
0x67: {  	_ =	shalt  }
0x68: {  	_ =	shalt  }
0x69: {  	_ =	shalt  }
0x6a: {  	_ =	shalt  }
0x6b: {  	_ =	shalt  }
0x6c: {  	_ =	shalt  }
0x6d: {  	_ =	shalt  }
0x6e: {  	_ =	shalt  }
0x6f: {  	_ =	shalt  }
0x70: {  	_ =	shalt  }
0x71: {  	_ =	shalt  }
0x72: {  	_ =	shalt  }
0x73: {  	_ =	shalt  }
0x74: {  	_ =	shalt  }
0x75: {  	_ =	shalt  }
0x76: {  	_ =	shalt  }
0x77: {  	_ =	shalt  }
0x78: {  	_ =	shalt  }
0x79: {  	_ =	shalt  }
0x7a: {  	_ =	shalt  }
0x7b: {  	_ =	shalt  }
0x7c: {  	_ =	shalt  }
0x7d: {  	_ =	shalt  }
0x7e: {  	_ =	shalt  }
0x7f: {  	_ =	shalt  }
0x80: {  	_ =	shalt  }
0x81: {  	_ =	shalt  }
0x82: {  	_ =	shalt  }
0x83: {  	_ =	shalt  }
0x84: {  	_ =	shalt  }
0x85: {  	_ =	shalt  }
0x86: {  	_ =	shalt  }
0x87: {  	_ =	shalt  }
.Lfunc_end0:
.L_simem_size_0:
called_computation_lowered:
.L_overlay_start_0:
0x88: {  	s2 =	sld [smem:$0x3FD9]  }
0x89: {  	s3 =	sld [smem:$0x3FFE];
	_ =	sdelay $0x1  }
0x8a: {  	s1 =	srdreg.scid  }
0x8b: {  	s0 =	sand.u32 $0x1, s1  }
0x8c: {  	s18 =	sshll.u32 s0, $0xA;
	s2 =	sadd.s32 s3, s2  }
0x8d: {  	s2 =	sadd.s32 s2, s18  }
0x8e: {  	[smem:$0x3FC5] =	sst s2  }
0x8f: {  	_ = 	snop  }
0x90: {  	s2 =	sld [smem:$0x3FC9]  }
0x91: {  	s19 =	sld [smem:$0x3FC8]  }
0x92: {  	s4 =	sld [smem:$0x3FC7]  }
0x93: {  	s5 =	sld [smem:$0x3FD0];
	(tm) =	ssettm $0x1  }
0x94: {  	s6 =	sld [smem:$0x3FFB];
	_ =	sdelay $0x3  }
0x95: {  	_ =	strace s6  }
0x96: {  	s6 =	sld [smem:$0x3FFC];
	_ =	sdelay $0x3  }
0x97: {  	_ =	strace s6  }
0x98: {  	s6 =	sld [smem:$0x3FFD];
	_ =	sdelay $0x3  }
0x99: {  	_ =	strace s6  }
0x9a: {  	_ =	strace $0x8FFFFFFF  }
0x9b: {  	s20 =	sld [smem:$0x3FDB];
	_ =	sdelay $0x1  }
0x9c: {  	s7 =	simm.s32 $_scs_section_size  }
0x9d: {  	s8 =	simm.s32 $_size__tile_overlayer_lowered;
	s9 =	simm.s32 $_tile_overlayer_lowered  }
0x9e: {  	s23 =	simm.s32 $0x1BFF;
	s22 =	sshll.u32 s9, $0x1;
	s6 =	sadd.s32 s7, s20  }
0x9f: {  	s10 =	simm.s32 $0x0;
	s21 =	sshll.u32 s8, $0x1;
	s8 =	sadd.s32 s22, s6  }
0xa0: {  	[timem:s10], [sflag:s23] =	dma.local [hbm:s8], s21  }
0xa1: {  	_ =	swait.ge [sflag:s23], s21  }
0xa2: {  	s7 =	ssub.s32 $0x0, s21;
	[sflag:s23] =	ssyncset.done $0x0  }
0xa3: {  	[sflag:s23] =	ssyncadd.s32 s7;
	_ =	sdelay $0x1  }
0xa4: {  	s24 =	simm.s32 $0x1B8B  }
0xa5: {  	_ =	swait.ge [sflag:s24], $0x1  }
0xa6: {  	[sflag:s24] =	ssyncset.done $0x0  }
0xa7: {  	s25 =	simm.s32 $0x1B8E;
	[sflag:s24] =	ssyncadd.s32 $0xFFFFFFFF  }
0xa8: {  	s26 =	simm.s32 $execute0_lowered;
	[smem:$0x3FD2] =	sst s25  }
0xa9: {  	s7 =	sshll.u32 s26, $0x1;
	_ =	strace $0x80000046;
	[dreg:$0x1] =	wrdreg $0xFFFFFFFF  }
0xaa: {  	s28 =	simm.s32 $_size_execute0_lowered;
	s6 =	sadd.s32 s6, s7;
	[dreg:$0x0] =	wrdreg $0x0  }
0xab: {  	s7 =	sshll.u32 s28, $0x1;
	[dreg:$0x2] =	wrdreg s6  }
0xac: {  	[dreg:$0x3] =	wrdreg s7  }
0xad: {  	[dreg:$0x4] =	wrdreg $0xC0  }
0xae: {  	_ =	task [dreg:s10], $0x5FFFF  }
0xaf: {  	[dreg:$0x1] =	wrdreg $0xFFFFFFFF  }
0xb0: {  	[dreg:$0x0] =	wrdreg $0x60  }
0xb1: {  	[dreg:$0x2] =	wrdreg s2  }
0xb2: {  	[dreg:$0x3] =	wrdreg s19  }
0xb3: {  	[dreg:$0x4] =	wrdreg s4  }
0xb4: {  	[dreg:$0x5] =	wrdreg s5  }
0xb5: {  	[dreg:$0x6] =	wrdreg $0x9  }
0xb6: {  	_ =	task.clear_ibuf [dreg:s10], $0x7FFFF;
	_ =	strace $0x90000046  }
0xb7: {  	s29 =	simm.s32 $0x9;
	_ =	strace $0x80000048  }
0xb8: {  	_ =	swait.ge [sflag:s29], $0x1  }
0xb9: {  	[sflag:s29] =	ssyncadd.s32 $0xFFFFFFFF  }
0xba: {  	_ =	strace $0x90000048  }
0xbb: {  	_ =	sfence  }
0xbc: {  	s30 =	sld [smem:$0x0];
	_ =	sdelay $0x2  }
0xbd: {  	s31 =	sshll.u32 s1, $0xD;
	s1 =	sshrl.u32 s1, $0x2  }
0xbe: {  	s3 =	sand.u32 $0x4000, s31;
	s1 =	sadd.s32 s1, s30  }
0xbf: {  	s0 =	sor.u32 s3, s0;
	s1 =	sshll.u32 s1, $0x11  }
0xc0: {  	s0 =	sor.u32 s1, s0  }
0xc1: {  	s0 =	sadd.s32 $0x8F2B, s0  }
0xc2: {  	[sflag:s0] =	ssyncadd.remote.s32 $0x1  }
0xc3: {  	_ =	sfence.sel $0xFFFF  }
0xc4: {  	[dreg:$0x0] =	wrdreg $0xFFFFFFFF;
	(pc) =	sbr.abs _section_cstart, $3  }
0xc5: {  	[dreg:$0x1] =	wrdreg $0xFFFFFFFF  }
0xc6: {  	_ =	task.clear_ibuf [dreg:s10], $0x2FFFF;
	_ =	strace $0x9FFFFFFF  }
0xc7: {  	(tm) =	ssettm $0x7FFFFFFF  }
tec
execute0_lowered:
.L_overlay_start_1:
0x0: {  	(tag) =	ssettag $0x1  }
0x1: {  	s0 =	rddreg [dreg:$0x0]  }
0x2: {  	s1 =	rddreg [dreg:$0x1]  }
0x3: {  	s2 =	rddreg [dreg:$0x2]  }
0x4: {  	s3 =	rddreg [dreg:$0x3]  }
0x5: {  	s4 =	simm.s32 $0x0;
	s5 =	srdreg.scid;
	s6 =	stileid.u32  }
0x6: {  	s10 =	simm.s32 $0x400;
	s11 =	simm.s32 $0x8400;
	s13 =	simm.s32 $0x100  }
0x7: {  	s14 =	simm.s32 $0x4400;
	s16 =	simm.s32 $0xC400;
	s18 =	simm.s32 $0x1  }
0x8: {  	s19 =	simm.s32 $0x200;
	s22 =	simm.s32 $0x2;
	s23 =	simm.s32 $0x300  }
0x9: {  	s25 =	simm.s32 $0x10580;
	s26 =	simm.s32 $0x10600;
	s28 =	simm.s32 $0x0  }
0xa: {  	[smem:$0x7FF] =	sst s4;
	s5 =	sand.u32 $0x1, s5;
	s6 =	sshll.u32 s6, $0x1  }
0xb: {  	_ =	strace $0x80000047;
	s7 =	ssub.s32 $0x2, s5;
	s5 =	sor.u32 s5, s6  }
0xc: {  	s31 =	sshrl.u32 s7, $0x1;
	s8 =	sshll.u32 s5, $0x7;
	s9 =	sshll.u32 s5, $0x6  }
0xd: {  	v0 =	vlaneseq.u32;
	s7 =	ssub.s32 s7, s31;
	s5 =	sadd.s32 s0, s8;
	s6 =	sadd.s32 s3, s9  }
0xe: {  	v1 =	vmul.u32 $0x80, v0;
	s8 =	simm.s32 $0x3;
	s9 =	simm.s32 $0x80;
	s7 =	smax.u32 s7, $0x1  }
.LBB2_1:
0xf: {  	[tilespmem:s4], [sflag:$0x3] =	stream.linear.gather [hbm4b:s5+s4], $0x400, $0x38;
	[tilespmem:$0x10800] =	vst v63  }
0x10: {  	_ =	swait.ge [sflag:s8], $0x400  }
0x11: {  	[sflag:s8] =	ssyncset.done $0x0  }
0x12: {  	[sflag:s8] =	ssyncadd.s32 $0xFFFFFC00  }
0x13: {  	[tilespmem:s10], [sflag:$0x1] =	stream.indirect.gather [hbm4b:s1+s9], $0x80, s4, s9, $0xb8;
	[tilespmem:$0x10800] =	vst v63  }
0x14: {  	_ = 	snop  }
0x15: {  	[tilespmem:s11], [sflag:$0x1] =	stream.indirect.gather [hbm4b:s1+s9], $0x80, s9, s9, $0xb8;
	[tilespmem:$0x10800] =	vst v63  }
0x16: {  	s0 =	simm.s32 $0x10400  }
0x17: {  	[tilespmem:s0], [sflag:$0x1] =	stream.indirect.gather [hbm4b:s2+s9], $0x1, s4, s9, $0xb8;
	[tilespmem:$0x10800] =	vst v63  }
0x18: {  	_ = 	snop  }
0x19: {  	[tilespmem:s14], [sflag:$0x2] =	stream.indirect.gather [hbm4b:s1+s9], $0x80, s13, s9, $0xb8;
	[tilespmem:$0x10800] =	vst v63  }
0x1a: {  	s30 =	simm.s32 $0x180  }
0x1b: {  	[tilespmem:s16], [sflag:$0x2] =	stream.indirect.gather [hbm4b:s1+s9], $0x80, s30, s9, $0xb8;
	[tilespmem:$0x10800] =	vst v63  }
0x1c: {  	s31 =	simm.s32 $0x10480  }
0x1d: {  	[tilespmem:s31], [sflag:$0x2] =	stream.indirect.gather [hbm4b:s2+s9], $0x1, s13, s9, $0xb8;
	[tilespmem:$0x10800] =	vst v63  }
0x1e: {  	_ =	swait.ge [sflag:s18], $0x4000  }
0x1f: {  	[sflag:s18] =	ssyncset.done $0x0  }
0x20: {  	[sflag:s18] =	ssyncadd.s32 $0xFFFFC000  }
0x21: {  	_ =	swait.ge [sflag:s18], $0x4000  }
0x22: {  	[sflag:s18] =	ssyncset.done $0x0  }
0x23: {  	[sflag:s18] =	ssyncadd.s32 $0xFFFFC000  }
0x24: {  	_ =	swait.ge [sflag:s18], $0x80  }
0x25: {  	[sflag:s18] =	ssyncset.done $0x0  }
0x26: {  	s29 =	simm.s32 $0x0;
	[sflag:s18] =	ssyncadd.s32 $0xFFFFFF80  }
.LBB2_2:
0x27: {  	s30 =	sshll.u32 s29, $0x4  }
0x28: {  	v2 =	vmov s30  }
0x29: {  	s0 =	simm.s32 $0x33;
	s3 =	simm.s32 $0x0;
	v2 =	vshll.u32 v2, $0x7  }
0x2a: {  	v4 =	vadd.s32 s0, v0;
	v5 =	vadd.s32 s3, v0;
	v2 =	vor.u32 v1, v2  }
0x2b: {  	s21 =	simm.s32 $0x20;
	v4 =	vand.u32 $0x3F, v4;
	v6 =	vor.u32 v2, v5  }
0x2c: {  	s31 =	simm.s32 $0x2;
	v15 =	vadd.s32 s21, v0;
	v12 =	vor.u32 v2, v4  }
0x2d: {  	v18 =	vadd.s32 s31, v0;
	s3 =	simm.s32 $0x1;
	v16 =	vor.u32 v2, v15  }
0x2e: {  	v20 =	vadd.s32 s3, v0;
	v19 =	vor.u32 v2, v18  }
0x2f: {  	v3 =	vor.u32 $0x40, v2;
	v21 =	vor.u32 v2, v20  }
0x30: {  	s17 =	simm.s32 $0x21;
	v7 =	vor.u32 v4, v3;
	v6 =	vld.idx.msk [tilespmem:v6+s10+$0x0], $0xffff  }
0x31: {  	s15 =	simm.s32 $0x3;
	v9 =	vadd.s32 s17, v0;
	v5 =	vor.u32 v5, v3;
	v12 =	vld.idx.msk [tilespmem:v12+s10+$0x0], $0xffff  }
0x32: {  	s20 =	simm.s32 $0x10;
	v8 =	vadd.s32 s15, v0;
	v11 =	vor.u32 v9, v3;
	v16 =	vld.idx.msk [tilespmem:v16+s10+$0x0], $0xffff  }
0x33: {  	v10 =	vor.u32 v8, v3;
	v4 =	vadd.s32 s20, v0;
	v19 =	vld.idx.msk [tilespmem:v19+s10+$0x0], $0xffff  }
0x34: {  	v13 =	vor.u32 v2, v4;
	v21 =	vld.idx.msk [tilespmem:v21+s10+$0x0], $0xffff  }
0x35: {  	s24 =	simm.s32 $0x30;
	v14 =	vor.u32 v4, v3;
	v7 =	vld.idx.msk [tilespmem:v7+s11+$0x0], $0xffff  }
0x36: {  	v17 =	vadd.s32 s24, v0;
	v8 =	vor.u32 v2, v8;
	v5 =	vld.idx.msk [tilespmem:v5+s11+$0x0], $0xffff  }
0x37: {  	s12 =	simm.s32 $0x11;
	v4 =	vld.idx.msk [tilespmem:v11+s11+$0x0], $0xffff;
	v11 =	vor.u32 v15, v3;
	v15 =	vand.u32 $0x3F, v17  }
0x38: {  	v22 =	vadd.s32 s12, v0;
	v10 =	vld.idx.msk [tilespmem:v10+s11+$0x0], $0xffff;
	v17 =	vor.u32 v2, v15  }
0x39: {  	v24 =	vor.u32 v2, v22;
	v13 =	vld.idx.msk [tilespmem:v13+s10+$0x0], $0xffff  }
0x3a: {  	v15 =	vor.u32 v15, v3;
	v14 =	vld.idx.msk [tilespmem:v14+s11+$0x0], $0xffff  }
0x3b: {  	s17 =	simm.s32 $0x12;
	v18 =	vor.u32 v18, v3;
	v8 =	vld.idx.msk [tilespmem:v8+s10+$0x0], $0xffff  }
0x3c: {  	s15 =	simm.s32 $0x31;
	v26 =	vadd.s32 s17, v0;
	v20 =	vor.u32 v20, v3;
	v22 =	vor.u32 v22, v3;
	s20 =	simm.s32 $0x32;
	v11 =	vld.idx.msk [tilespmem:v11+s11+$0x0], $0xffff  }
0x3d: {  	v28 =	vmul.f32 v5, v6;
	v5 =	vadd.s32 s20, v0;
	v23 =	vld.idx.msk [tilespmem:v17+s10+$0x0], $0xffff;
	v17 =	vadd.s32 s15, v0  }
0x3e: {  	v31 =	vld.idx.msk [tilespmem:v24+s10+$0x0], $0xffff;
	v30 =	vand.u32 $0x3F, v5;
	v5 =	vmul.f32 v7, v12;
	v12 =	vor.u32 v2, v26  }
0x3f: {  	v15 =	vld.idx.msk [tilespmem:v15+s11+$0x0], $0xffff;
	v13 =	vmul.f32 v14, v13;
	v14 =	vor.u32 v2, v9;
	v17 =	vand.u32 $0x3F, v17  }
0x40: {  	s21 =	simm.s32 $0x22;
	v27 =	vld.idx.msk [tilespmem:v18+s11+$0x0], $0xffff;
	v18 =	vor.u32 v2, v17  }
0x41: {  	v25 =	vimm.f32 $0.0e+00;
	v24 =	vadd.s32 s21, v0;
	v20 =	vld.idx.msk [tilespmem:v20+s11+$0x0], $0xffff;
	v29 =	vor.u32 v17, v3  }
0x42: {  	v22 =	vld.idx.msk [tilespmem:v22+s11+$0x0], $0xffff;
	v6 =	vmul.f32 v10, v8;
	v9 =	vmul.f32 v11, v16;
	v16 =	vor.u32 v26, v3  }
0x43: {  	s24 =	simm.s32 $0x13;
	v28 =	vadd.f32 v28, v25;
	v10 =	vadd.f32 v13, v25;
	v26 =	vor.u32 v2, v24;
	v12 =	vld.idx.msk [tilespmem:v12+s10+$0x0], $0xffff  }
0x44: {  	v13 =	vadd.s32 s24, v0;
	v24 =	vor.u32 v24, v3;
	v11 =	vmul.f32 v15, v23;
	v14 =	vld.idx.msk [tilespmem:v14+s10+$0x0], $0xffff  }
0x45: {  	s31 =	simm.s32 $0x23;
	v23 =	vor.u32 v2, v13;
	v8 =	vadd.f32 v9, v25;
	v9 =	vmul.f32 v27, v19;
	v17 =	vld.idx.msk [tilespmem:v18+s10+$0x0], $0xffff  }
0x46: {  	v19 =	vmul.f32 v20, v21;
	v18 =	vld.idx.msk [tilespmem:v29+s11+$0x0], $0xffff;
	v11 =	vadd.f32 v11, v25;
	v25 =	vadd.s32 s31, v0  }
0x47: {  	v7 =	vor.u32 v30, v3;
	v20 =	vor.u32 v13, v3;
	v21 =	vor.u32 v2, v25;
	v15 =	vld.idx.msk [tilespmem:v16+s11+$0x0], $0xffff  }
0x48: {  	s0 =	simm.s32 $0x37;
	v13 =	vadd.f32 v19, v28;
	v19 =	vmul.f32 v22, v31;
	v22 =	vor.u32 v2, v30;
	v16 =	vld.idx.msk [tilespmem:v26+s10+$0x0], $0xffff  }
.LBB2_3:
0x49: {  	s3 =	sadd.s32 $0xFFFFFFCD, s0  }
0x4a: {  	s12 =	sadd.s32 $0xFFFFFFEE, s0;
	s15 =	sadd.s32 $0xFFFFFFFE, s0;
	v26 =	vadd.s32 s0, v0;
	v23 =	vld.idx.msk [tilespmem:v23+s10+$0x0], $0xffff;
	v25 =	vor.u32 v25, v3;
	s31 =	smov.u32 s0  }
0x4b: {  	s17 =	sadd.s32 $0xFFFFFFCE, s0;
	s20 =	sadd.s32 $0xFFFFFFD0, s0;
	v27 =	vadd.s32 s3, v0;
	v28 =	vadd.s32 s12, v0;
	s12 =	sadd.s32 $0xFFFFFFFF, s0;
	v26 =	vand.u32 $0x3F, v26;
	v24 =	vld.idx.msk [tilespmem:v24+s11+$0x0], $0xffff  }
0x4c: {  	v17 =	vmul.f32 v18, v17;
	s21 =	sadd.s32 $0xFFFFFFDD, s31;
	s24 =	sadd.s32 $0xFFFFFFDF, s31;
	s3 =	sadd.s32 $0x4, s0;
	v29 =	vor.u32 v2, v27;
	v30 =	vor.u32 v28, v3;
	v20 =	vld.idx.msk [tilespmem:v20+s11+$0x0], $0xffff  }
0x4d: {  	p0 =	sne.s32 s0, $0x3F;
	v18 =	vor.u32 v27, v3;
	v27 =	vadd.s32 s21, v0;
	v31 =	vor.u32 v26, v3;
	v21 =	vld.idx.msk [tilespmem:v21+s10+$0x0], $0xffff  }
0x4e: {  	v32 =	vadd.s32 s20, v0;
	s0 =	sadd.s32 $0xFFFFFFDE, s31;
	s20 =	sadd.s32 $0xFFFFFFED, s31;
	v34 =	vadd.s32 s15, v0;
	v33 =	vor.u32 v2, v27;
	v22 =	vld.idx.msk [tilespmem:v22+s10+$0x0], $0xffff  }
0x4f: {  	s15 =	sadd.s32 $0xFFFFFFFD, s31;
	v35 =	vor.u32 v32, v3;
	v36 =	vadd.s32 s20, v0;
	v27 =	vor.u32 v27, v3;
	v7 =	vld.idx.msk [tilespmem:v7+s11+$0x0], $0xffff  }
0x50: {  	s20 =	sadd.s32 $0xFFFFFFCF, s31;
	v38 =	vadd.s32 s15, v0;
	v26 =	vor.u32 v2, v26;
	v37 =	vor.u32 v2, v36;
	v25 =	vld.idx.msk [tilespmem:v25+s11+$0x0], $0xffff  }
0x51: {  	v10 =	vadd.f32 v19, v10;
	v36 =	vor.u32 v36, v3;
	v38 =	vand.u32 $0x3F, v38;
	v29 =	vld.idx.msk [tilespmem:v29+s10+$0x0], $0xffff  }
0x52: {  	v19 =	vor.u32 v2, v32;
	v32 =	vadd.s32 s0, v0;
	v39 =	vor.u32 v2, v38;
	v31 =	vld.idx.msk [tilespmem:v31+s11+$0x0], $0xffff  }
0x53: {  	v40 =	vadd.s32 s20, v0;
	v12 =	vmul.f32 v15, v12;
	v38 =	vor.u32 v38, v3;
	v18 =	vld.idx.msk [tilespmem:v18+s11+$0x0], $0xffff  }
0x54: {  	v41 =	vadd.s32 s12, v0;
	v14 =	vmul.f32 v4, v14;
	v15 =	vld.idx.msk [tilespmem:v35+s11+$0x0], $0xffff;
	v35 =	vadd.s32 s24, v0  }
0x55: {  	v42 =	vadd.s32 s17, v0;
	v11 =	vadd.f32 v17, v11;
	v16 =	vmul.f32 v24, v16;
	v4 =	vld.idx.msk [tilespmem:v30+s11+$0x0], $0xffff  }
0x56: {  	v9 =	vadd.f32 v9, v13;
	v17 =	vand.u32 $0x3F, v34;
	v8 =	vadd.f32 v14, v8;
	v24 =	vld.idx.msk [tilespmem:v26+s10+$0x0], $0xffff  }
0x57: {  	v10 =	vadd.f32 v12, v10;
	v12 =	vmul.f32 v20, v23;
	v26 =	vand.u32 $0x3F, v41;
	v13 =	vld.idx.msk [tilespmem:v19+s10+$0x0], $0xffff  }
0x58: {  	v9 =	vadd.f32 v6, v9;
	v6 =	vadd.f32 v16, v8;
	v8 =	vmul.f32 v25, v21;
	v14 =	vld.idx.msk [tilespmem:v33+s10+$0x0], $0xffff  }
0x59: {  	v20 =	vmul.f32 v7, v22;
	v16 =	vmul.f32 v18, v29;
	v18 =	vor.u32 v2, v40;
	v19 =	vld.idx.msk [tilespmem:v27+s11+$0x0], $0xffff  }
0x5a: {  	v21 =	vor.u32 v40, v3;
	v7 =	vor.u32 v26, v3;
	v8 =	vadd.f32 v8, v6;
	v22 =	vld.idx.msk [tilespmem:v37+s10+$0x0], $0xffff  }
0x5b: {  	v23 =	vor.u32 v2, v42;
	v10 =	vadd.f32 v12, v10;
	v11 =	vadd.f32 v20, v11;
	v25 =	vld.idx.msk [tilespmem:v36+s11+$0x0], $0xffff  }
0x5c: {  	v12 =	vor.u32 v42, v3;
	v24 =	vmul.f32 v31, v24;
	v20 =	vld.idx.msk [tilespmem:v39+s10+$0x0], $0xffff  }
0x5d: {  	v11 =	vadd.f32 v5, v11;
	v6 =	vmul.f32 v15, v13;
	v13 =	vor.u32 v2, v32;
	v15 =	vld.idx.msk [tilespmem:v38+s11+$0x0], $0xffff  }
0x5e: {  	v27 =	vor.u32 v32, v3;
	v5 =	vmov v24;
	v18 =	vld.idx.msk [tilespmem:v18+s10+$0x0], $0xffff  }
0x5f: {  	v14 =	vmul.f32 v19, v14;
	v19 =	vor.u32 v2, v17;
	v21 =	vld.idx.msk [tilespmem:v21+s11+$0x0], $0xffff  }
0x60: {  	v24 =	vor.u32 v17, v3;
	v29 =	vld.idx.msk [tilespmem:v23+s10+$0x0], $0xffff  }
0x61: {  	v17 =	vmul.f32 v25, v22;
	v30 =	vld.idx.msk [tilespmem:v12+s11+$0x0], $0xffff;
	v12 =	vor.u32 v2, v35  }
0x62: {  	s0 =	sadd.s32 $0xFFFFFFEF, s31;
	v10 =	vadd.f32 v14, v10;
	v14 =	vor.u32 v2, v28;
	v22 =	vld.idx.msk [tilespmem:v13+s10+$0x0], $0xffff;
	v13 =	vor.u32 v35, v3  }
0x63: {  	s12 =	sadd.s32 $0xFFFFFFE0, s31;
	v25 =	vadd.s32 s0, v0;
	v8 =	vadd.f32 v17, v8;
	v15 =	vmul.f32 v15, v20;
	v27 =	vld.idx.msk [tilespmem:v27+s11+$0x0], $0xffff  }
0x64: {  	v16 =	vadd.f32 v16, v9;
	v28 =	vor.u32 v2, v25;
	v20 =	vadd.s32 s12, v0;
	v17 =	vld.idx.msk [tilespmem:v19+s10+$0x0], $0xffff  }
.Ltmp0:
0x65: {  	v23 =	vor.u32 v2, v20;
	v9 =	vmul.f32 v21, v18;
	v11 =	vadd.f32 v15, v11;
	v18 =	vld.idx.msk [tilespmem:v24+s11+$0x0], $0xffff;
	(pc) =	sbr.rel @p0 .LBB2_3-.Ltmp0, $4  }
0x66: {  	s0 =	sadd.s32 $0xFFFFFFF0, s31;
	v24 =	vor.u32 v25, v3;
	v12 =	vld.idx.msk [tilespmem:v12+s10+$0x0], $0xffff  }
0x67: {  	v20 =	vor.u32 v20, v3;
	v25 =	vadd.s32 s0, v0;
	v19 =	vmul.f32 v30, v29;
	v14 =	vld.idx.msk [tilespmem:v14+s10+$0x0], $0xffff  }
0x68: {  	v21 =	vor.u32 v2, v25;
	v15 =	vld.idx.msk [tilespmem:v13+s11+$0x0], $0xffff  }
0x69: {  	s0 =	smov.u32 s3;
	v13 =	vadd.f32 v19, v16;
	v19 =	vmul.f32 v27, v22;
	v22 =	vor.u32 v2, v26;
	v16 =	vld.idx.msk [tilespmem:v28+s10+$0x0], $0xffff  }
0x6a: {  	_ =	sdelay $0x3  }
0x6b: {  	v2 =	vld.idx.msk [tilespmem:v23+s10+$0x0], $0xffff  }
0x6c: {  	v3 =	vor.u32 v25, v3;
	v60 =	vld.idx.msk [tilespmem:v24+s11+$0x0], $0xffff  }
0x6d: {  	v21 =	vld.idx.msk [tilespmem:v21+s10+$0x0], $0xffff  }
0x6e: {  	v22 =	vld.idx.msk [tilespmem:v22+s10+$0x0], $0xffff  }
0x6f: {  	v7 =	vld.idx.msk [tilespmem:v7+s11+$0x0], $0xffff  }
0x70: {  	v20 =	vld.idx.msk [tilespmem:v20+s11+$0x0], $0xffff  }
0x71: {  	v61 =	vmul.f32 v18, v17;
	v3 =	vld.idx.msk [tilespmem:v3+s11+$0x0], $0xffff  }
0x72: {  	v4 =	vmul.f32 v4, v14  }
0x73: {  	v10 =	vadd.f32 v19, v10;
	v11 =	vadd.f32 v61, v11;
	v62 =	vmul.f32 v15, v12  }
0x74: {  	v4 =	vadd.f32 v4, v8;
	v16 =	vmul.f32 v60, v16;
	v7 =	vmul.f32 v7, v22  }
0x75: {  	v9 =	vadd.f32 v9, v13;
	v8 =	vadd.f32 v62, v10;
	v2 =	vmul.f32 v20, v2  }
0x76: {  	v4 =	vadd.f32 v16, v4;
	v7 =	vadd.f32 v7, v11;
	v3 =	vmul.f32 v3, v21  }
0x77: {  	v63 =	vld [tilespmem:s30+$0x10400];
	v6 =	vadd.f32 v6, v9;
	v2 =	vadd.f32 v2, v8  }
0x78: {  	v5 =	vadd.f32 v5, v7;
	v3 =	vadd.f32 v3, v4;
	_ =	sdelay $0x1  }
0x79: {  	s29 =	sadd.s32 $0x1, s29;
	v2 =	vadd.f32 v2, v6;
	v3 =	vadd.f32 v5, v3  }
0x7a: {  	p0 =	sne.s32 s29, $0x8  }
.Ltmp1:
0x7b: {  	v2 =	vadd.f32 v3, v2;
	v3 =	vadd.f32 v63, v63;
	(pc) =	sbr.rel @p0 .LBB2_2-.Ltmp1, $3  }
0x7c: {  	_ = 	snop  }
0x7d: {  	v2 =	vadd.f32 v3, v2;
	_ =	sdelay $0x1  }
0x7e: {  	[tilespmem:s30+$0x10600] =	vst v2  }
0x7f: {  	[tilespmem:s10], [sflag:$0x1] =	stream.indirect.gather [hbm4b:s1+s9], $0x80, s19, s9, $0xb8;
	[tilespmem:$0x10800] =	vst v63  }
0x80: {  	s0 =	simm.s32 $0x280  }
0x81: {  	[tilespmem:s11], [sflag:$0x1] =	stream.indirect.gather [hbm4b:s1+s9], $0x80, s0, s9, $0xb8;
	[tilespmem:$0x10800] =	vst v63  }
0x82: {  	s31 =	simm.s32 $0x10500  }
0x83: {  	[tilespmem:s31], [sflag:$0x1] =	stream.indirect.gather [hbm4b:s2+s9], $0x1, s19, s9, $0xb8;
	[tilespmem:$0x10800] =	vst v63  }
0x84: {  	_ =	swait.ge [sflag:s22], $0x4000  }
0x85: {  	[sflag:s22] =	ssyncset.done $0x0  }
0x86: {  	[sflag:s22] =	ssyncadd.s32 $0xFFFFC000  }
0x87: {  	_ =	swait.ge [sflag:s22], $0x4000  }
0x88: {  	[sflag:s22] =	ssyncset.done $0x0  }
0x89: {  	[sflag:s22] =	ssyncadd.s32 $0xFFFFC000  }
0x8a: {  	_ =	swait.ge [sflag:s22], $0x80  }
0x8b: {  	[sflag:s22] =	ssyncset.done $0x0  }
0x8c: {  	s29 =	simm.s32 $0x0;
	[sflag:s22] =	ssyncadd.s32 $0xFFFFFF80  }
.LBB2_6:
0x8d: {  	s30 =	sshll.u32 s29, $0x4  }
0x8e: {  	v2 =	vmov s30  }
0x8f: {  	s0 =	simm.s32 $0x33;
	s3 =	simm.s32 $0x0;
	v2 =	vshll.u32 v2, $0x7  }
0x90: {  	v4 =	vadd.s32 s0, v0;
	v5 =	vadd.s32 s3, v0;
	v2 =	vor.u32 v1, v2  }
0x91: {  	s21 =	simm.s32 $0x20;
	v4 =	vand.u32 $0x3F, v4;
	v6 =	vor.u32 v2, v5  }
0x92: {  	s31 =	simm.s32 $0x2;
	v15 =	vadd.s32 s21, v0;
	v12 =	vor.u32 v2, v4  }
0x93: {  	v18 =	vadd.s32 s31, v0;
	s3 =	simm.s32 $0x1;
	v16 =	vor.u32 v2, v15  }
0x94: {  	v20 =	vadd.s32 s3, v0;
	v19 =	vor.u32 v2, v18  }
0x95: {  	v3 =	vor.u32 $0x40, v2;
	v21 =	vor.u32 v2, v20  }
0x96: {  	s17 =	simm.s32 $0x21;
	v7 =	vor.u32 v4, v3;
	v6 =	vld.idx.msk [tilespmem:v6+s14+$0x0], $0xffff  }
0x97: {  	s15 =	simm.s32 $0x3;
	v9 =	vadd.s32 s17, v0;
	v5 =	vor.u32 v5, v3;
	v12 =	vld.idx.msk [tilespmem:v12+s14+$0x0], $0xffff  }
0x98: {  	s20 =	simm.s32 $0x10;
	v8 =	vadd.s32 s15, v0;
	v11 =	vor.u32 v9, v3;
	v16 =	vld.idx.msk [tilespmem:v16+s14+$0x0], $0xffff  }
0x99: {  	v10 =	vor.u32 v8, v3;
	v4 =	vadd.s32 s20, v0;
	v19 =	vld.idx.msk [tilespmem:v19+s14+$0x0], $0xffff  }
0x9a: {  	v13 =	vor.u32 v2, v4;
	v21 =	vld.idx.msk [tilespmem:v21+s14+$0x0], $0xffff  }
0x9b: {  	s24 =	simm.s32 $0x30;
	v14 =	vor.u32 v4, v3;
	v7 =	vld.idx.msk [tilespmem:v7+s16+$0x0], $0xffff  }
0x9c: {  	v17 =	vadd.s32 s24, v0;
	v8 =	vor.u32 v2, v8;
	v5 =	vld.idx.msk [tilespmem:v5+s16+$0x0], $0xffff  }
0x9d: {  	s12 =	simm.s32 $0x11;
	v4 =	vld.idx.msk [tilespmem:v11+s16+$0x0], $0xffff;
	v11 =	vor.u32 v15, v3;
	v15 =	vand.u32 $0x3F, v17  }
0x9e: {  	v22 =	vadd.s32 s12, v0;
	v10 =	vld.idx.msk [tilespmem:v10+s16+$0x0], $0xffff;
	v17 =	vor.u32 v2, v15  }
0x9f: {  	v24 =	vor.u32 v2, v22;
	v13 =	vld.idx.msk [tilespmem:v13+s14+$0x0], $0xffff  }
0xa0: {  	v15 =	vor.u32 v15, v3;
	v14 =	vld.idx.msk [tilespmem:v14+s16+$0x0], $0xffff  }
0xa1: {  	s17 =	simm.s32 $0x12;
	v18 =	vor.u32 v18, v3;
	v8 =	vld.idx.msk [tilespmem:v8+s14+$0x0], $0xffff  }
0xa2: {  	s15 =	simm.s32 $0x31;
	v26 =	vadd.s32 s17, v0;
	v20 =	vor.u32 v20, v3;
	v22 =	vor.u32 v22, v3;
	s20 =	simm.s32 $0x32;
	v11 =	vld.idx.msk [tilespmem:v11+s16+$0x0], $0xffff  }
0xa3: {  	v28 =	vmul.f32 v5, v6;
	v5 =	vadd.s32 s20, v0;
	v23 =	vld.idx.msk [tilespmem:v17+s14+$0x0], $0xffff;
	v17 =	vadd.s32 s15, v0  }
0xa4: {  	v31 =	vld.idx.msk [tilespmem:v24+s14+$0x0], $0xffff;
	v30 =	vand.u32 $0x3F, v5;
	v5 =	vmul.f32 v7, v12;
	v12 =	vor.u32 v2, v26  }
0xa5: {  	v15 =	vld.idx.msk [tilespmem:v15+s16+$0x0], $0xffff;
	v13 =	vmul.f32 v14, v13;
	v14 =	vor.u32 v2, v9;
	v17 =	vand.u32 $0x3F, v17  }
0xa6: {  	s21 =	simm.s32 $0x22;
	v27 =	vld.idx.msk [tilespmem:v18+s16+$0x0], $0xffff;
	v18 =	vor.u32 v2, v17  }
0xa7: {  	v25 =	vimm.f32 $0.0e+00;
	v24 =	vadd.s32 s21, v0;
	v20 =	vld.idx.msk [tilespmem:v20+s16+$0x0], $0xffff;
	v29 =	vor.u32 v17, v3  }
0xa8: {  	v22 =	vld.idx.msk [tilespmem:v22+s16+$0x0], $0xffff;
	v6 =	vmul.f32 v10, v8;
	v9 =	vmul.f32 v11, v16;
	v16 =	vor.u32 v26, v3  }
0xa9: {  	s24 =	simm.s32 $0x13;
	v28 =	vadd.f32 v28, v25;
	v10 =	vadd.f32 v13, v25;
	v26 =	vor.u32 v2, v24;
	v12 =	vld.idx.msk [tilespmem:v12+s14+$0x0], $0xffff  }
0xaa: {  	v13 =	vadd.s32 s24, v0;
	v24 =	vor.u32 v24, v3;
	v11 =	vmul.f32 v15, v23;
	v14 =	vld.idx.msk [tilespmem:v14+s14+$0x0], $0xffff  }
0xab: {  	s31 =	simm.s32 $0x23;
	v23 =	vor.u32 v2, v13;
	v8 =	vadd.f32 v9, v25;
	v9 =	vmul.f32 v27, v19;
	v17 =	vld.idx.msk [tilespmem:v18+s14+$0x0], $0xffff  }
0xac: {  	v19 =	vmul.f32 v20, v21;
	v18 =	vld.idx.msk [tilespmem:v29+s16+$0x0], $0xffff;
	v11 =	vadd.f32 v11, v25;
	v25 =	vadd.s32 s31, v0  }
0xad: {  	v7 =	vor.u32 v30, v3;
	v20 =	vor.u32 v13, v3;
	v21 =	vor.u32 v2, v25;
	v15 =	vld.idx.msk [tilespmem:v16+s16+$0x0], $0xffff  }
0xae: {  	s3 =	simm.s32 $0x37;
	v13 =	vadd.f32 v19, v28;
	v19 =	vmul.f32 v22, v31;
	v22 =	vor.u32 v2, v30;
	v16 =	vld.idx.msk [tilespmem:v26+s14+$0x0], $0xffff  }
.LBB2_7:
0xaf: {  	s0 =	sadd.s32 $0xFFFFFFCD, s3  }
0xb0: {  	s12 =	sadd.s32 $0xFFFFFFEE, s3;
	s15 =	sadd.s32 $0xFFFFFFFE, s3;
	v26 =	vadd.s32 s3, v0;
	v23 =	vld.idx.msk [tilespmem:v23+s14+$0x0], $0xffff;
	v25 =	vor.u32 v25, v3;
	s31 =	smov.u32 s3  }
0xb1: {  	s17 =	sadd.s32 $0xFFFFFFCE, s3;
	s20 =	sadd.s32 $0xFFFFFFD0, s3;
	v27 =	vadd.s32 s0, v0;
	v28 =	vadd.s32 s12, v0;
	s12 =	sadd.s32 $0xFFFFFFFF, s3;
	v26 =	vand.u32 $0x3F, v26;
	v24 =	vld.idx.msk [tilespmem:v24+s16+$0x0], $0xffff  }
0xb2: {  	v17 =	vmul.f32 v18, v17;
	s21 =	sadd.s32 $0xFFFFFFDD, s31;
	s24 =	sadd.s32 $0xFFFFFFDF, s31;
	s0 =	sadd.s32 $0x4, s3;
	v29 =	vor.u32 v2, v27;
	v30 =	vor.u32 v28, v3;
	v20 =	vld.idx.msk [tilespmem:v20+s16+$0x0], $0xffff  }
0xb3: {  	p0 =	sne.s32 s3, $0x3F;
	v18 =	vor.u32 v27, v3;
	v27 =	vadd.s32 s21, v0;
	v31 =	vor.u32 v26, v3;
	v21 =	vld.idx.msk [tilespmem:v21+s14+$0x0], $0xffff  }
0xb4: {  	v32 =	vadd.s32 s20, v0;
	s3 =	sadd.s32 $0xFFFFFFDE, s31;
	s20 =	sadd.s32 $0xFFFFFFED, s31;
	v34 =	vadd.s32 s15, v0;
	v33 =	vor.u32 v2, v27;
	v22 =	vld.idx.msk [tilespmem:v22+s14+$0x0], $0xffff  }
0xb5: {  	s15 =	sadd.s32 $0xFFFFFFFD, s31;
	v35 =	vor.u32 v32, v3;
	v36 =	vadd.s32 s20, v0;
	v27 =	vor.u32 v27, v3;
	v7 =	vld.idx.msk [tilespmem:v7+s16+$0x0], $0xffff  }
0xb6: {  	s20 =	sadd.s32 $0xFFFFFFCF, s31;
	v38 =	vadd.s32 s15, v0;
	v26 =	vor.u32 v2, v26;
	v37 =	vor.u32 v2, v36;
	v25 =	vld.idx.msk [tilespmem:v25+s16+$0x0], $0xffff  }
0xb7: {  	v10 =	vadd.f32 v19, v10;
	v36 =	vor.u32 v36, v3;
	v38 =	vand.u32 $0x3F, v38;
	v29 =	vld.idx.msk [tilespmem:v29+s14+$0x0], $0xffff  }
0xb8: {  	v19 =	vor.u32 v2, v32;
	v32 =	vadd.s32 s3, v0;
	v39 =	vor.u32 v2, v38;
	v31 =	vld.idx.msk [tilespmem:v31+s16+$0x0], $0xffff  }
0xb9: {  	v40 =	vadd.s32 s20, v0;
	v12 =	vmul.f32 v15, v12;
	v38 =	vor.u32 v38, v3;
	v18 =	vld.idx.msk [tilespmem:v18+s16+$0x0], $0xffff  }
0xba: {  	v41 =	vadd.s32 s12, v0;
	v14 =	vmul.f32 v4, v14;
	v15 =	vld.idx.msk [tilespmem:v35+s16+$0x0], $0xffff;
	v35 =	vadd.s32 s24, v0  }
0xbb: {  	v42 =	vadd.s32 s17, v0;
	v11 =	vadd.f32 v17, v11;
	v16 =	vmul.f32 v24, v16;
	v4 =	vld.idx.msk [tilespmem:v30+s16+$0x0], $0xffff  }
0xbc: {  	v9 =	vadd.f32 v9, v13;
	v17 =	vand.u32 $0x3F, v34;
	v8 =	vadd.f32 v14, v8;
	v24 =	vld.idx.msk [tilespmem:v26+s14+$0x0], $0xffff  }
0xbd: {  	v10 =	vadd.f32 v12, v10;
	v12 =	vmul.f32 v20, v23;
	v26 =	vand.u32 $0x3F, v41;
	v13 =	vld.idx.msk [tilespmem:v19+s14+$0x0], $0xffff  }
0xbe: {  	v9 =	vadd.f32 v6, v9;
	v6 =	vadd.f32 v16, v8;
	v8 =	vmul.f32 v25, v21;
	v14 =	vld.idx.msk [tilespmem:v33+s14+$0x0], $0xffff  }
0xbf: {  	v20 =	vmul.f32 v7, v22;
	v16 =	vmul.f32 v18, v29;
	v18 =	vor.u32 v2, v40;
	v19 =	vld.idx.msk [tilespmem:v27+s16+$0x0], $0xffff  }
0xc0: {  	v21 =	vor.u32 v40, v3;
	v7 =	vor.u32 v26, v3;
	v8 =	vadd.f32 v8, v6;
	v22 =	vld.idx.msk [tilespmem:v37+s14+$0x0], $0xffff  }
0xc1: {  	v23 =	vor.u32 v2, v42;
	v10 =	vadd.f32 v12, v10;
	v11 =	vadd.f32 v20, v11;
	v25 =	vld.idx.msk [tilespmem:v36+s16+$0x0], $0xffff  }
0xc2: {  	v12 =	vor.u32 v42, v3;
	v24 =	vmul.f32 v31, v24;
	v20 =	vld.idx.msk [tilespmem:v39+s14+$0x0], $0xffff  }
0xc3: {  	v11 =	vadd.f32 v5, v11;
	v6 =	vmul.f32 v15, v13;
	v13 =	vor.u32 v2, v32;
	v15 =	vld.idx.msk [tilespmem:v38+s16+$0x0], $0xffff  }
0xc4: {  	v27 =	vor.u32 v32, v3;
	v5 =	vmov v24;
	v18 =	vld.idx.msk [tilespmem:v18+s14+$0x0], $0xffff  }
0xc5: {  	v14 =	vmul.f32 v19, v14;
	v19 =	vor.u32 v2, v17;
	v21 =	vld.idx.msk [tilespmem:v21+s16+$0x0], $0xffff  }
0xc6: {  	v24 =	vor.u32 v17, v3;
	v29 =	vld.idx.msk [tilespmem:v23+s14+$0x0], $0xffff  }
0xc7: {  	v17 =	vmul.f32 v25, v22;
	v30 =	vld.idx.msk [tilespmem:v12+s16+$0x0], $0xffff;
	v12 =	vor.u32 v2, v35  }
0xc8: {  	s3 =	sadd.s32 $0xFFFFFFEF, s31;
	v10 =	vadd.f32 v14, v10;
	v14 =	vor.u32 v2, v28;
	v22 =	vld.idx.msk [tilespmem:v13+s14+$0x0], $0xffff;
	v13 =	vor.u32 v35, v3  }
0xc9: {  	s12 =	sadd.s32 $0xFFFFFFE0, s31;
	v25 =	vadd.s32 s3, v0;
	v8 =	vadd.f32 v17, v8;
	v15 =	vmul.f32 v15, v20;
	v27 =	vld.idx.msk [tilespmem:v27+s16+$0x0], $0xffff  }
0xca: {  	v16 =	vadd.f32 v16, v9;
	v28 =	vor.u32 v2, v25;
	v20 =	vadd.s32 s12, v0;
	v17 =	vld.idx.msk [tilespmem:v19+s14+$0x0], $0xffff  }
.Ltmp2:
0xcb: {  	v23 =	vor.u32 v2, v20;
	v9 =	vmul.f32 v21, v18;
	v11 =	vadd.f32 v15, v11;
	v18 =	vld.idx.msk [tilespmem:v24+s16+$0x0], $0xffff;
	(pc) =	sbr.rel @p0 .LBB2_7-.Ltmp2, $4  }
0xcc: {  	s3 =	sadd.s32 $0xFFFFFFF0, s31;
	v24 =	vor.u32 v25, v3;
	v12 =	vld.idx.msk [tilespmem:v12+s14+$0x0], $0xffff  }
0xcd: {  	v20 =	vor.u32 v20, v3;
	v25 =	vadd.s32 s3, v0;
	v19 =	vmul.f32 v30, v29;
	v14 =	vld.idx.msk [tilespmem:v14+s14+$0x0], $0xffff  }
0xce: {  	v21 =	vor.u32 v2, v25;
	v15 =	vld.idx.msk [tilespmem:v13+s16+$0x0], $0xffff  }
0xcf: {  	s3 =	smov.u32 s0;
	v13 =	vadd.f32 v19, v16;
	v19 =	vmul.f32 v27, v22;
	v22 =	vor.u32 v2, v26;
	v16 =	vld.idx.msk [tilespmem:v28+s14+$0x0], $0xffff  }
0xd0: {  	_ =	sdelay $0x3  }
0xd1: {  	v2 =	vld.idx.msk [tilespmem:v23+s14+$0x0], $0xffff  }
0xd2: {  	v3 =	vor.u32 v25, v3;
	v60 =	vld.idx.msk [tilespmem:v24+s16+$0x0], $0xffff  }
0xd3: {  	v21 =	vld.idx.msk [tilespmem:v21+s14+$0x0], $0xffff  }
0xd4: {  	v22 =	vld.idx.msk [tilespmem:v22+s14+$0x0], $0xffff  }
0xd5: {  	v7 =	vld.idx.msk [tilespmem:v7+s16+$0x0], $0xffff  }
0xd6: {  	v20 =	vld.idx.msk [tilespmem:v20+s16+$0x0], $0xffff  }
0xd7: {  	v61 =	vmul.f32 v18, v17;
	v3 =	vld.idx.msk [tilespmem:v3+s16+$0x0], $0xffff  }
0xd8: {  	v4 =	vmul.f32 v4, v14  }
0xd9: {  	v10 =	vadd.f32 v19, v10;
	v11 =	vadd.f32 v61, v11;
	v62 =	vmul.f32 v15, v12  }
0xda: {  	v4 =	vadd.f32 v4, v8;
	v16 =	vmul.f32 v60, v16;
	v7 =	vmul.f32 v7, v22  }
0xdb: {  	v9 =	vadd.f32 v9, v13;
	v8 =	vadd.f32 v62, v10;
	v2 =	vmul.f32 v20, v2  }
0xdc: {  	v4 =	vadd.f32 v16, v4;
	v7 =	vadd.f32 v7, v11;
	v3 =	vmul.f32 v3, v21  }
0xdd: {  	v63 =	vld [tilespmem:s30+$0x10480];
	v6 =	vadd.f32 v6, v9;
	v2 =	vadd.f32 v2, v8  }
0xde: {  	v5 =	vadd.f32 v5, v7;
	v3 =	vadd.f32 v3, v4;
	_ =	sdelay $0x1  }
0xdf: {  	s29 =	sadd.s32 $0x1, s29;
	v2 =	vadd.f32 v2, v6;
	v3 =	vadd.f32 v5, v3  }
0xe0: {  	p0 =	sne.s32 s29, $0x8  }
.Ltmp3:
0xe1: {  	v2 =	vadd.f32 v3, v2;
	v3 =	vadd.f32 v63, v63;
	(pc) =	sbr.rel @p0 .LBB2_6-.Ltmp3, $3  }
0xe2: {  	_ = 	snop  }
0xe3: {  	v2 =	vadd.f32 v3, v2;
	_ =	sdelay $0x1  }
0xe4: {  	[tilespmem:s30+$0x10680] =	vst v2  }
0xe5: {  	[tilespmem:s14], [sflag:$0x2] =	stream.indirect.gather [hbm4b:s1+s9], $0x80, s23, s9, $0xb8;
	[tilespmem:$0x10800] =	vst v63  }
0xe6: {  	s0 =	simm.s32 $0x380  }
0xe7: {  	[tilespmem:s16], [sflag:$0x2] =	stream.indirect.gather [hbm4b:s1+s9], $0x80, s0, s9, $0xb8;
	[tilespmem:$0x10800] =	vst v63  }
0xe8: {  	_ = 	snop  }
0xe9: {  	[tilespmem:s25], [sflag:$0x2] =	stream.indirect.gather [hbm4b:s2+s9], $0x1, s23, s9, $0xb8;
	[tilespmem:$0x10800] =	vst v63  }
0xea: {  	_ =	swait.ge [sflag:s18], $0x4000  }
0xeb: {  	[sflag:s18] =	ssyncset.done $0x0  }
0xec: {  	[sflag:s18] =	ssyncadd.s32 $0xFFFFC000  }
0xed: {  	_ =	swait.ge [sflag:s18], $0x4000  }
0xee: {  	[sflag:s18] =	ssyncset.done $0x0  }
0xef: {  	[sflag:s18] =	ssyncadd.s32 $0xFFFFC000  }
0xf0: {  	_ =	swait.ge [sflag:s18], $0x80  }
0xf1: {  	[sflag:s18] =	ssyncset.done $0x0  }
0xf2: {  	s29 =	simm.s32 $0x0;
	[sflag:s18] =	ssyncadd.s32 $0xFFFFFF80  }
.LBB2_10:
0xf3: {  	s30 =	sshll.u32 s29, $0x4  }
0xf4: {  	v2 =	vmov s30  }
0xf5: {  	s0 =	simm.s32 $0x33;
	s3 =	simm.s32 $0x0;
	v2 =	vshll.u32 v2, $0x7  }
0xf6: {  	v4 =	vadd.s32 s0, v0;
	v5 =	vadd.s32 s3, v0;
	v2 =	vor.u32 v1, v2  }
0xf7: {  	s21 =	simm.s32 $0x20;
	v4 =	vand.u32 $0x3F, v4;
	v6 =	vor.u32 v2, v5  }
0xf8: {  	s31 =	simm.s32 $0x2;
	v15 =	vadd.s32 s21, v0;
	v12 =	vor.u32 v2, v4  }
0xf9: {  	v18 =	vadd.s32 s31, v0;
	s3 =	simm.s32 $0x1;
	v16 =	vor.u32 v2, v15  }
0xfa: {  	v20 =	vadd.s32 s3, v0;
	v19 =	vor.u32 v2, v18  }
0xfb: {  	v3 =	vor.u32 $0x40, v2;
	v21 =	vor.u32 v2, v20  }
0xfc: {  	s17 =	simm.s32 $0x21;
	v7 =	vor.u32 v4, v3;
	v6 =	vld.idx.msk [tilespmem:v6+s10+$0x0], $0xffff  }
0xfd: {  	s15 =	simm.s32 $0x3;
	v9 =	vadd.s32 s17, v0;
	v5 =	vor.u32 v5, v3;
	v12 =	vld.idx.msk [tilespmem:v12+s10+$0x0], $0xffff  }
0xfe: {  	s20 =	simm.s32 $0x10;
	v8 =	vadd.s32 s15, v0;
	v11 =	vor.u32 v9, v3;
	v16 =	vld.idx.msk [tilespmem:v16+s10+$0x0], $0xffff  }
0xff: {  	v10 =	vor.u32 v8, v3;
	v4 =	vadd.s32 s20, v0;
	v19 =	vld.idx.msk [tilespmem:v19+s10+$0x0], $0xffff  }
0x100: {  	v13 =	vor.u32 v2, v4;
	v21 =	vld.idx.msk [tilespmem:v21+s10+$0x0], $0xffff  }
0x101: {  	s24 =	simm.s32 $0x30;
	v14 =	vor.u32 v4, v3;
	v7 =	vld.idx.msk [tilespmem:v7+s11+$0x0], $0xffff  }
0x102: {  	v17 =	vadd.s32 s24, v0;
	v8 =	vor.u32 v2, v8;
	v5 =	vld.idx.msk [tilespmem:v5+s11+$0x0], $0xffff  }
0x103: {  	s12 =	simm.s32 $0x11;
	v4 =	vld.idx.msk [tilespmem:v11+s11+$0x0], $0xffff;
	v11 =	vor.u32 v15, v3;
	v15 =	vand.u32 $0x3F, v17  }
0x104: {  	v22 =	vadd.s32 s12, v0;
	v10 =	vld.idx.msk [tilespmem:v10+s11+$0x0], $0xffff;
	v17 =	vor.u32 v2, v15  }
0x105: {  	v24 =	vor.u32 v2, v22;
	v13 =	vld.idx.msk [tilespmem:v13+s10+$0x0], $0xffff  }
0x106: {  	v15 =	vor.u32 v15, v3;
	v14 =	vld.idx.msk [tilespmem:v14+s11+$0x0], $0xffff  }
0x107: {  	s17 =	simm.s32 $0x12;
	v18 =	vor.u32 v18, v3;
	v8 =	vld.idx.msk [tilespmem:v8+s10+$0x0], $0xffff  }
0x108: {  	s15 =	simm.s32 $0x31;
	v26 =	vadd.s32 s17, v0;
	v20 =	vor.u32 v20, v3;
	v22 =	vor.u32 v22, v3;
	s20 =	simm.s32 $0x32;
	v11 =	vld.idx.msk [tilespmem:v11+s11+$0x0], $0xffff  }
0x109: {  	v28 =	vmul.f32 v5, v6;
	v5 =	vadd.s32 s20, v0;
	v23 =	vld.idx.msk [tilespmem:v17+s10+$0x0], $0xffff;
	v17 =	vadd.s32 s15, v0  }
0x10a: {  	v31 =	vld.idx.msk [tilespmem:v24+s10+$0x0], $0xffff;
	v30 =	vand.u32 $0x3F, v5;
	v5 =	vmul.f32 v7, v12;
	v12 =	vor.u32 v2, v26  }
0x10b: {  	v15 =	vld.idx.msk [tilespmem:v15+s11+$0x0], $0xffff;
	v13 =	vmul.f32 v14, v13;
	v14 =	vor.u32 v2, v9;
	v17 =	vand.u32 $0x3F, v17  }
0x10c: {  	s21 =	simm.s32 $0x22;
	v27 =	vld.idx.msk [tilespmem:v18+s11+$0x0], $0xffff;
	v18 =	vor.u32 v2, v17  }
0x10d: {  	v25 =	vimm.f32 $0.0e+00;
	v24 =	vadd.s32 s21, v0;
	v20 =	vld.idx.msk [tilespmem:v20+s11+$0x0], $0xffff;
	v29 =	vor.u32 v17, v3  }
0x10e: {  	v22 =	vld.idx.msk [tilespmem:v22+s11+$0x0], $0xffff;
	v6 =	vmul.f32 v10, v8;
	v9 =	vmul.f32 v11, v16;
	v16 =	vor.u32 v26, v3  }
0x10f: {  	s24 =	simm.s32 $0x13;
	v28 =	vadd.f32 v28, v25;
	v10 =	vadd.f32 v13, v25;
	v26 =	vor.u32 v2, v24;
	v12 =	vld.idx.msk [tilespmem:v12+s10+$0x0], $0xffff  }
0x110: {  	v13 =	vadd.s32 s24, v0;
	v24 =	vor.u32 v24, v3;
	v11 =	vmul.f32 v15, v23;
	v14 =	vld.idx.msk [tilespmem:v14+s10+$0x0], $0xffff  }
0x111: {  	s31 =	simm.s32 $0x23;
	v23 =	vor.u32 v2, v13;
	v8 =	vadd.f32 v9, v25;
	v9 =	vmul.f32 v27, v19;
	v17 =	vld.idx.msk [tilespmem:v18+s10+$0x0], $0xffff  }
0x112: {  	v19 =	vmul.f32 v20, v21;
	v18 =	vld.idx.msk [tilespmem:v29+s11+$0x0], $0xffff;
	v11 =	vadd.f32 v11, v25;
	v25 =	vadd.s32 s31, v0  }
0x113: {  	v7 =	vor.u32 v30, v3;
	v20 =	vor.u32 v13, v3;
	v21 =	vor.u32 v2, v25;
	v15 =	vld.idx.msk [tilespmem:v16+s11+$0x0], $0xffff  }
0x114: {  	s3 =	simm.s32 $0x37;
	v13 =	vadd.f32 v19, v28;
	v19 =	vmul.f32 v22, v31;
	v22 =	vor.u32 v2, v30;
	v16 =	vld.idx.msk [tilespmem:v26+s10+$0x0], $0xffff  }
.LBB2_11:
0x115: {  	s0 =	sadd.s32 $0xFFFFFFCD, s3  }
0x116: {  	s12 =	sadd.s32 $0xFFFFFFEE, s3;
	s15 =	sadd.s32 $0xFFFFFFFE, s3;
	v26 =	vadd.s32 s3, v0;
	v23 =	vld.idx.msk [tilespmem:v23+s10+$0x0], $0xffff;
	v25 =	vor.u32 v25, v3;
	s31 =	smov.u32 s3  }
0x117: {  	s17 =	sadd.s32 $0xFFFFFFCE, s3;
	s20 =	sadd.s32 $0xFFFFFFD0, s3;
	v27 =	vadd.s32 s0, v0;
	v28 =	vadd.s32 s12, v0;
	s12 =	sadd.s32 $0xFFFFFFFF, s3;
	v26 =	vand.u32 $0x3F, v26;
	v24 =	vld.idx.msk [tilespmem:v24+s11+$0x0], $0xffff  }
0x118: {  	v17 =	vmul.f32 v18, v17;
	s21 =	sadd.s32 $0xFFFFFFDD, s31;
	s24 =	sadd.s32 $0xFFFFFFDF, s31;
	s0 =	sadd.s32 $0x4, s3;
	v29 =	vor.u32 v2, v27;
	v30 =	vor.u32 v28, v3;
	v20 =	vld.idx.msk [tilespmem:v20+s11+$0x0], $0xffff  }
0x119: {  	p0 =	sne.s32 s3, $0x3F;
	v18 =	vor.u32 v27, v3;
	v27 =	vadd.s32 s21, v0;
	v31 =	vor.u32 v26, v3;
	v21 =	vld.idx.msk [tilespmem:v21+s10+$0x0], $0xffff  }
0x11a: {  	v32 =	vadd.s32 s20, v0;
	s3 =	sadd.s32 $0xFFFFFFDE, s31;
	s20 =	sadd.s32 $0xFFFFFFED, s31;
	v34 =	vadd.s32 s15, v0;
	v33 =	vor.u32 v2, v27;
	v22 =	vld.idx.msk [tilespmem:v22+s10+$0x0], $0xffff  }
0x11b: {  	s15 =	sadd.s32 $0xFFFFFFFD, s31;
	v35 =	vor.u32 v32, v3;
	v36 =	vadd.s32 s20, v0;
	v27 =	vor.u32 v27, v3;
	v7 =	vld.idx.msk [tilespmem:v7+s11+$0x0], $0xffff  }
0x11c: {  	s20 =	sadd.s32 $0xFFFFFFCF, s31;
	v38 =	vadd.s32 s15, v0;
	v26 =	vor.u32 v2, v26;
	v37 =	vor.u32 v2, v36;
	v25 =	vld.idx.msk [tilespmem:v25+s11+$0x0], $0xffff  }
0x11d: {  	v10 =	vadd.f32 v19, v10;
	v36 =	vor.u32 v36, v3;
	v38 =	vand.u32 $0x3F, v38;
	v29 =	vld.idx.msk [tilespmem:v29+s10+$0x0], $0xffff  }
0x11e: {  	v19 =	vor.u32 v2, v32;
	v32 =	vadd.s32 s3, v0;
	v39 =	vor.u32 v2, v38;
	v31 =	vld.idx.msk [tilespmem:v31+s11+$0x0], $0xffff  }
0x11f: {  	v40 =	vadd.s32 s20, v0;
	v12 =	vmul.f32 v15, v12;
	v38 =	vor.u32 v38, v3;
	v18 =	vld.idx.msk [tilespmem:v18+s11+$0x0], $0xffff  }
0x120: {  	v41 =	vadd.s32 s12, v0;
	v14 =	vmul.f32 v4, v14;
	v15 =	vld.idx.msk [tilespmem:v35+s11+$0x0], $0xffff;
	v35 =	vadd.s32 s24, v0  }
0x121: {  	v42 =	vadd.s32 s17, v0;
	v11 =	vadd.f32 v17, v11;
	v16 =	vmul.f32 v24, v16;
	v4 =	vld.idx.msk [tilespmem:v30+s11+$0x0], $0xffff  }
0x122: {  	v9 =	vadd.f32 v9, v13;
	v17 =	vand.u32 $0x3F, v34;
	v8 =	vadd.f32 v14, v8;
	v24 =	vld.idx.msk [tilespmem:v26+s10+$0x0], $0xffff  }
0x123: {  	v10 =	vadd.f32 v12, v10;
	v12 =	vmul.f32 v20, v23;
	v26 =	vand.u32 $0x3F, v41;
	v13 =	vld.idx.msk [tilespmem:v19+s10+$0x0], $0xffff  }
0x124: {  	v9 =	vadd.f32 v6, v9;
	v6 =	vadd.f32 v16, v8;
	v8 =	vmul.f32 v25, v21;
	v14 =	vld.idx.msk [tilespmem:v33+s10+$0x0], $0xffff  }
0x125: {  	v20 =	vmul.f32 v7, v22;
	v16 =	vmul.f32 v18, v29;
	v18 =	vor.u32 v2, v40;
	v19 =	vld.idx.msk [tilespmem:v27+s11+$0x0], $0xffff  }
0x126: {  	v21 =	vor.u32 v40, v3;
	v7 =	vor.u32 v26, v3;
	v8 =	vadd.f32 v8, v6;
	v22 =	vld.idx.msk [tilespmem:v37+s10+$0x0], $0xffff  }
0x127: {  	v23 =	vor.u32 v2, v42;
	v10 =	vadd.f32 v12, v10;
	v11 =	vadd.f32 v20, v11;
	v25 =	vld.idx.msk [tilespmem:v36+s11+$0x0], $0xffff  }
0x128: {  	v12 =	vor.u32 v42, v3;
	v24 =	vmul.f32 v31, v24;
	v20 =	vld.idx.msk [tilespmem:v39+s10+$0x0], $0xffff  }
0x129: {  	v11 =	vadd.f32 v5, v11;
	v6 =	vmul.f32 v15, v13;
	v13 =	vor.u32 v2, v32;
	v15 =	vld.idx.msk [tilespmem:v38+s11+$0x0], $0xffff  }
0x12a: {  	v27 =	vor.u32 v32, v3;
	v5 =	vmov v24;
	v18 =	vld.idx.msk [tilespmem:v18+s10+$0x0], $0xffff  }
0x12b: {  	v14 =	vmul.f32 v19, v14;
	v19 =	vor.u32 v2, v17;
	v21 =	vld.idx.msk [tilespmem:v21+s11+$0x0], $0xffff  }
0x12c: {  	v24 =	vor.u32 v17, v3;
	v29 =	vld.idx.msk [tilespmem:v23+s10+$0x0], $0xffff  }
0x12d: {  	v17 =	vmul.f32 v25, v22;
	v30 =	vld.idx.msk [tilespmem:v12+s11+$0x0], $0xffff;
	v12 =	vor.u32 v2, v35  }
0x12e: {  	s3 =	sadd.s32 $0xFFFFFFEF, s31;
	v10 =	vadd.f32 v14, v10;
	v14 =	vor.u32 v2, v28;
	v22 =	vld.idx.msk [tilespmem:v13+s10+$0x0], $0xffff;
	v13 =	vor.u32 v35, v3  }
0x12f: {  	s12 =	sadd.s32 $0xFFFFFFE0, s31;
	v25 =	vadd.s32 s3, v0;
	v8 =	vadd.f32 v17, v8;
	v15 =	vmul.f32 v15, v20;
	v27 =	vld.idx.msk [tilespmem:v27+s11+$0x0], $0xffff  }
0x130: {  	v16 =	vadd.f32 v16, v9;
	v28 =	vor.u32 v2, v25;
	v20 =	vadd.s32 s12, v0;
	v17 =	vld.idx.msk [tilespmem:v19+s10+$0x0], $0xffff  }
.Ltmp4:
0x131: {  	v23 =	vor.u32 v2, v20;
	v9 =	vmul.f32 v21, v18;
	v11 =	vadd.f32 v15, v11;
	v18 =	vld.idx.msk [tilespmem:v24+s11+$0x0], $0xffff;
	(pc) =	sbr.rel @p0 .LBB2_11-.Ltmp4, $4  }
0x132: {  	s3 =	sadd.s32 $0xFFFFFFF0, s31;
	v24 =	vor.u32 v25, v3;
	v12 =	vld.idx.msk [tilespmem:v12+s10+$0x0], $0xffff  }
0x133: {  	v20 =	vor.u32 v20, v3;
	v25 =	vadd.s32 s3, v0;
	v19 =	vmul.f32 v30, v29;
	v14 =	vld.idx.msk [tilespmem:v14+s10+$0x0], $0xffff  }
0x134: {  	v21 =	vor.u32 v2, v25;
	v15 =	vld.idx.msk [tilespmem:v13+s11+$0x0], $0xffff  }
0x135: {  	s3 =	smov.u32 s0;
	v13 =	vadd.f32 v19, v16;
	v19 =	vmul.f32 v27, v22;
	v22 =	vor.u32 v2, v26;
	v16 =	vld.idx.msk [tilespmem:v28+s10+$0x0], $0xffff  }
0x136: {  	_ =	sdelay $0x3  }
0x137: {  	v2 =	vld.idx.msk [tilespmem:v23+s10+$0x0], $0xffff  }
0x138: {  	v3 =	vor.u32 v25, v3;
	v60 =	vld.idx.msk [tilespmem:v24+s11+$0x0], $0xffff  }
0x139: {  	v21 =	vld.idx.msk [tilespmem:v21+s10+$0x0], $0xffff  }
0x13a: {  	v22 =	vld.idx.msk [tilespmem:v22+s10+$0x0], $0xffff  }
0x13b: {  	v7 =	vld.idx.msk [tilespmem:v7+s11+$0x0], $0xffff  }
0x13c: {  	v20 =	vld.idx.msk [tilespmem:v20+s11+$0x0], $0xffff  }
0x13d: {  	v61 =	vmul.f32 v18, v17;
	v3 =	vld.idx.msk [tilespmem:v3+s11+$0x0], $0xffff  }
0x13e: {  	v4 =	vmul.f32 v4, v14  }
0x13f: {  	v10 =	vadd.f32 v19, v10;
	v11 =	vadd.f32 v61, v11;
	v62 =	vmul.f32 v15, v12  }
0x140: {  	v4 =	vadd.f32 v4, v8;
	v16 =	vmul.f32 v60, v16;
	v7 =	vmul.f32 v7, v22  }
0x141: {  	v9 =	vadd.f32 v9, v13;
	v8 =	vadd.f32 v62, v10;
	v2 =	vmul.f32 v20, v2  }
0x142: {  	v4 =	vadd.f32 v16, v4;
	v7 =	vadd.f32 v7, v11;
	v3 =	vmul.f32 v3, v21  }
0x143: {  	v63 =	vld [tilespmem:s30+$0x10500];
	v6 =	vadd.f32 v6, v9;
	v2 =	vadd.f32 v2, v8  }
0x144: {  	v5 =	vadd.f32 v5, v7;
	v3 =	vadd.f32 v3, v4;
	_ =	sdelay $0x1  }
0x145: {  	s29 =	sadd.s32 $0x1, s29;
	v2 =	vadd.f32 v2, v6;
	v3 =	vadd.f32 v5, v3  }
0x146: {  	p0 =	sne.s32 s29, $0x8  }
.Ltmp5:
0x147: {  	v2 =	vadd.f32 v3, v2;
	v3 =	vadd.f32 v63, v63;
	(pc) =	sbr.rel @p0 .LBB2_10-.Ltmp5, $3  }
0x148: {  	_ = 	snop  }
0x149: {  	v2 =	vadd.f32 v3, v2;
	_ =	sdelay $0x1  }
0x14a: {  	[tilespmem:s30+$0x10700] =	vst v2  }
0x14b: {  	_ =	swait.ge [sflag:s22], $0x4000  }
0x14c: {  	[sflag:s22] =	ssyncset.done $0x0  }
0x14d: {  	[sflag:s22] =	ssyncadd.s32 $0xFFFFC000  }
0x14e: {  	_ =	swait.ge [sflag:s22], $0x4000  }
0x14f: {  	[sflag:s22] =	ssyncset.done $0x0  }
0x150: {  	[sflag:s22] =	ssyncadd.s32 $0xFFFFC000  }
0x151: {  	_ =	swait.ge [sflag:s22], $0x80  }
0x152: {  	[sflag:s22] =	ssyncset.done $0x0  }
0x153: {  	s29 =	simm.s32 $0x0;
	[sflag:s22] =	ssyncadd.s32 $0xFFFFFF80  }
.LBB2_14:
0x154: {  	s30 =	sshll.u32 s29, $0x4  }
0x155: {  	v2 =	vmov s30  }
0x156: {  	s0 =	simm.s32 $0x33;
	s3 =	simm.s32 $0x0;
	v2 =	vshll.u32 v2, $0x7  }
0x157: {  	v4 =	vadd.s32 s0, v0;
	v5 =	vadd.s32 s3, v0;
	v2 =	vor.u32 v1, v2  }
0x158: {  	s21 =	simm.s32 $0x20;
	v4 =	vand.u32 $0x3F, v4;
	v6 =	vor.u32 v2, v5  }
0x159: {  	s31 =	simm.s32 $0x2;
	v15 =	vadd.s32 s21, v0;
	v12 =	vor.u32 v2, v4  }
0x15a: {  	v18 =	vadd.s32 s31, v0;
	s3 =	simm.s32 $0x1;
	v16 =	vor.u32 v2, v15  }
0x15b: {  	v20 =	vadd.s32 s3, v0;
	v19 =	vor.u32 v2, v18  }
0x15c: {  	v3 =	vor.u32 $0x40, v2;
	v21 =	vor.u32 v2, v20  }
0x15d: {  	s17 =	simm.s32 $0x21;
	v7 =	vor.u32 v4, v3;
	v6 =	vld.idx.msk [tilespmem:v6+s14+$0x0], $0xffff  }
0x15e: {  	s15 =	simm.s32 $0x3;
	v9 =	vadd.s32 s17, v0;
	v5 =	vor.u32 v5, v3;
	v12 =	vld.idx.msk [tilespmem:v12+s14+$0x0], $0xffff  }
0x15f: {  	s20 =	simm.s32 $0x10;
	v8 =	vadd.s32 s15, v0;
	v11 =	vor.u32 v9, v3;
	v16 =	vld.idx.msk [tilespmem:v16+s14+$0x0], $0xffff  }
0x160: {  	v10 =	vor.u32 v8, v3;
	v4 =	vadd.s32 s20, v0;
	v19 =	vld.idx.msk [tilespmem:v19+s14+$0x0], $0xffff  }
0x161: {  	v13 =	vor.u32 v2, v4;
	v21 =	vld.idx.msk [tilespmem:v21+s14+$0x0], $0xffff  }
0x162: {  	s24 =	simm.s32 $0x30;
	v14 =	vor.u32 v4, v3;
	v7 =	vld.idx.msk [tilespmem:v7+s16+$0x0], $0xffff  }
0x163: {  	v17 =	vadd.s32 s24, v0;
	v8 =	vor.u32 v2, v8;
	v5 =	vld.idx.msk [tilespmem:v5+s16+$0x0], $0xffff  }
0x164: {  	s12 =	simm.s32 $0x11;
	v4 =	vld.idx.msk [tilespmem:v11+s16+$0x0], $0xffff;
	v11 =	vor.u32 v15, v3;
	v15 =	vand.u32 $0x3F, v17  }
0x165: {  	v22 =	vadd.s32 s12, v0;
	v10 =	vld.idx.msk [tilespmem:v10+s16+$0x0], $0xffff;
	v17 =	vor.u32 v2, v15  }
0x166: {  	v24 =	vor.u32 v2, v22;
	v13 =	vld.idx.msk [tilespmem:v13+s14+$0x0], $0xffff  }
0x167: {  	v15 =	vor.u32 v15, v3;
	v14 =	vld.idx.msk [tilespmem:v14+s16+$0x0], $0xffff  }
0x168: {  	s17 =	simm.s32 $0x12;
	v18 =	vor.u32 v18, v3;
	v8 =	vld.idx.msk [tilespmem:v8+s14+$0x0], $0xffff  }
0x169: {  	s15 =	simm.s32 $0x31;
	v26 =	vadd.s32 s17, v0;
	v20 =	vor.u32 v20, v3;
	v22 =	vor.u32 v22, v3;
	s20 =	simm.s32 $0x32;
	v11 =	vld.idx.msk [tilespmem:v11+s16+$0x0], $0xffff  }
0x16a: {  	v28 =	vmul.f32 v5, v6;
	v5 =	vadd.s32 s20, v0;
	v23 =	vld.idx.msk [tilespmem:v17+s14+$0x0], $0xffff;
	v17 =	vadd.s32 s15, v0  }
0x16b: {  	v31 =	vld.idx.msk [tilespmem:v24+s14+$0x0], $0xffff;
	v30 =	vand.u32 $0x3F, v5;
	v5 =	vmul.f32 v7, v12;
	v12 =	vor.u32 v2, v26  }
0x16c: {  	v15 =	vld.idx.msk [tilespmem:v15+s16+$0x0], $0xffff;
	v13 =	vmul.f32 v14, v13;
	v14 =	vor.u32 v2, v9;
	v17 =	vand.u32 $0x3F, v17  }
0x16d: {  	s21 =	simm.s32 $0x22;
	v27 =	vld.idx.msk [tilespmem:v18+s16+$0x0], $0xffff;
	v18 =	vor.u32 v2, v17  }
0x16e: {  	v25 =	vimm.f32 $0.0e+00;
	v24 =	vadd.s32 s21, v0;
	v20 =	vld.idx.msk [tilespmem:v20+s16+$0x0], $0xffff;
	v29 =	vor.u32 v17, v3  }
0x16f: {  	v22 =	vld.idx.msk [tilespmem:v22+s16+$0x0], $0xffff;
	v6 =	vmul.f32 v10, v8;
	v9 =	vmul.f32 v11, v16;
	v16 =	vor.u32 v26, v3  }
0x170: {  	s24 =	simm.s32 $0x13;
	v28 =	vadd.f32 v28, v25;
	v10 =	vadd.f32 v13, v25;
	v26 =	vor.u32 v2, v24;
	v12 =	vld.idx.msk [tilespmem:v12+s14+$0x0], $0xffff  }
0x171: {  	v13 =	vadd.s32 s24, v0;
	v24 =	vor.u32 v24, v3;
	v11 =	vmul.f32 v15, v23;
	v14 =	vld.idx.msk [tilespmem:v14+s14+$0x0], $0xffff  }
0x172: {  	s31 =	simm.s32 $0x23;
	v23 =	vor.u32 v2, v13;
	v8 =	vadd.f32 v9, v25;
	v9 =	vmul.f32 v27, v19;
	v17 =	vld.idx.msk [tilespmem:v18+s14+$0x0], $0xffff  }
0x173: {  	v19 =	vmul.f32 v20, v21;
	v18 =	vld.idx.msk [tilespmem:v29+s16+$0x0], $0xffff;
	v11 =	vadd.f32 v11, v25;
	v25 =	vadd.s32 s31, v0  }
0x174: {  	v7 =	vor.u32 v30, v3;
	v20 =	vor.u32 v13, v3;
	v21 =	vor.u32 v2, v25;
	v15 =	vld.idx.msk [tilespmem:v16+s16+$0x0], $0xffff  }
0x175: {  	s3 =	simm.s32 $0x37;
	v13 =	vadd.f32 v19, v28;
	v19 =	vmul.f32 v22, v31;
	v22 =	vor.u32 v2, v30;
	v16 =	vld.idx.msk [tilespmem:v26+s14+$0x0], $0xffff  }
.LBB2_15:
0x176: {  	s0 =	sadd.s32 $0xFFFFFFCD, s3  }
0x177: {  	s12 =	sadd.s32 $0xFFFFFFEE, s3;
	s15 =	sadd.s32 $0xFFFFFFFE, s3;
	v26 =	vadd.s32 s3, v0;
	v23 =	vld.idx.msk [tilespmem:v23+s14+$0x0], $0xffff;
	v25 =	vor.u32 v25, v3;
	s31 =	smov.u32 s3  }
0x178: {  	s17 =	sadd.s32 $0xFFFFFFCE, s3;
	s20 =	sadd.s32 $0xFFFFFFD0, s3;
	v27 =	vadd.s32 s0, v0;
	v28 =	vadd.s32 s12, v0;
	s12 =	sadd.s32 $0xFFFFFFFF, s3;
	v26 =	vand.u32 $0x3F, v26;
	v24 =	vld.idx.msk [tilespmem:v24+s16+$0x0], $0xffff  }
0x179: {  	v17 =	vmul.f32 v18, v17;
	s21 =	sadd.s32 $0xFFFFFFDD, s31;
	s24 =	sadd.s32 $0xFFFFFFDF, s31;
	s0 =	sadd.s32 $0x4, s3;
	v29 =	vor.u32 v2, v27;
	v30 =	vor.u32 v28, v3;
	v20 =	vld.idx.msk [tilespmem:v20+s16+$0x0], $0xffff  }
0x17a: {  	p0 =	sne.s32 s3, $0x3F;
	v18 =	vor.u32 v27, v3;
	v27 =	vadd.s32 s21, v0;
	v31 =	vor.u32 v26, v3;
	v21 =	vld.idx.msk [tilespmem:v21+s14+$0x0], $0xffff  }
0x17b: {  	v32 =	vadd.s32 s20, v0;
	s3 =	sadd.s32 $0xFFFFFFDE, s31;
	s20 =	sadd.s32 $0xFFFFFFED, s31;
	v34 =	vadd.s32 s15, v0;
	v33 =	vor.u32 v2, v27;
	v22 =	vld.idx.msk [tilespmem:v22+s14+$0x0], $0xffff  }
0x17c: {  	s15 =	sadd.s32 $0xFFFFFFFD, s31;
	v35 =	vor.u32 v32, v3;
	v36 =	vadd.s32 s20, v0;
	v27 =	vor.u32 v27, v3;
	v7 =	vld.idx.msk [tilespmem:v7+s16+$0x0], $0xffff  }
0x17d: {  	s20 =	sadd.s32 $0xFFFFFFCF, s31;
	v38 =	vadd.s32 s15, v0;
	v26 =	vor.u32 v2, v26;
	v37 =	vor.u32 v2, v36;
	v25 =	vld.idx.msk [tilespmem:v25+s16+$0x0], $0xffff  }
0x17e: {  	v10 =	vadd.f32 v19, v10;
	v36 =	vor.u32 v36, v3;
	v38 =	vand.u32 $0x3F, v38;
	v29 =	vld.idx.msk [tilespmem:v29+s14+$0x0], $0xffff  }
0x17f: {  	v19 =	vor.u32 v2, v32;
	v32 =	vadd.s32 s3, v0;
	v39 =	vor.u32 v2, v38;
	v31 =	vld.idx.msk [tilespmem:v31+s16+$0x0], $0xffff  }
0x180: {  	v40 =	vadd.s32 s20, v0;
	v12 =	vmul.f32 v15, v12;
	v38 =	vor.u32 v38, v3;
	v18 =	vld.idx.msk [tilespmem:v18+s16+$0x0], $0xffff  }
0x181: {  	v41 =	vadd.s32 s12, v0;
	v14 =	vmul.f32 v4, v14;
	v15 =	vld.idx.msk [tilespmem:v35+s16+$0x0], $0xffff;
	v35 =	vadd.s32 s24, v0  }
0x182: {  	v42 =	vadd.s32 s17, v0;
	v11 =	vadd.f32 v17, v11;
	v16 =	vmul.f32 v24, v16;
	v4 =	vld.idx.msk [tilespmem:v30+s16+$0x0], $0xffff  }
0x183: {  	v9 =	vadd.f32 v9, v13;
	v17 =	vand.u32 $0x3F, v34;
	v8 =	vadd.f32 v14, v8;
	v24 =	vld.idx.msk [tilespmem:v26+s14+$0x0], $0xffff  }
0x184: {  	v10 =	vadd.f32 v12, v10;
	v12 =	vmul.f32 v20, v23;
	v26 =	vand.u32 $0x3F, v41;
	v13 =	vld.idx.msk [tilespmem:v19+s14+$0x0], $0xffff  }
0x185: {  	v9 =	vadd.f32 v6, v9;
	v6 =	vadd.f32 v16, v8;
	v8 =	vmul.f32 v25, v21;
	v14 =	vld.idx.msk [tilespmem:v33+s14+$0x0], $0xffff  }
0x186: {  	v20 =	vmul.f32 v7, v22;
	v16 =	vmul.f32 v18, v29;
	v18 =	vor.u32 v2, v40;
	v19 =	vld.idx.msk [tilespmem:v27+s16+$0x0], $0xffff  }
0x187: {  	v21 =	vor.u32 v40, v3;
	v7 =	vor.u32 v26, v3;
	v8 =	vadd.f32 v8, v6;
	v22 =	vld.idx.msk [tilespmem:v37+s14+$0x0], $0xffff  }
0x188: {  	v23 =	vor.u32 v2, v42;
	v10 =	vadd.f32 v12, v10;
	v11 =	vadd.f32 v20, v11;
	v25 =	vld.idx.msk [tilespmem:v36+s16+$0x0], $0xffff  }
0x189: {  	v12 =	vor.u32 v42, v3;
	v24 =	vmul.f32 v31, v24;
	v20 =	vld.idx.msk [tilespmem:v39+s14+$0x0], $0xffff  }
0x18a: {  	v11 =	vadd.f32 v5, v11;
	v6 =	vmul.f32 v15, v13;
	v13 =	vor.u32 v2, v32;
	v15 =	vld.idx.msk [tilespmem:v38+s16+$0x0], $0xffff  }
0x18b: {  	v27 =	vor.u32 v32, v3;
	v5 =	vmov v24;
	v18 =	vld.idx.msk [tilespmem:v18+s14+$0x0], $0xffff  }
0x18c: {  	v14 =	vmul.f32 v19, v14;
	v19 =	vor.u32 v2, v17;
	v21 =	vld.idx.msk [tilespmem:v21+s16+$0x0], $0xffff  }
0x18d: {  	v24 =	vor.u32 v17, v3;
	v29 =	vld.idx.msk [tilespmem:v23+s14+$0x0], $0xffff  }
0x18e: {  	v17 =	vmul.f32 v25, v22;
	v30 =	vld.idx.msk [tilespmem:v12+s16+$0x0], $0xffff;
	v12 =	vor.u32 v2, v35  }
0x18f: {  	s3 =	sadd.s32 $0xFFFFFFEF, s31;
	v10 =	vadd.f32 v14, v10;
	v14 =	vor.u32 v2, v28;
	v22 =	vld.idx.msk [tilespmem:v13+s14+$0x0], $0xffff;
	v13 =	vor.u32 v35, v3  }
0x190: {  	s12 =	sadd.s32 $0xFFFFFFE0, s31;
	v25 =	vadd.s32 s3, v0;
	v8 =	vadd.f32 v17, v8;
	v15 =	vmul.f32 v15, v20;
	v27 =	vld.idx.msk [tilespmem:v27+s16+$0x0], $0xffff  }
0x191: {  	v16 =	vadd.f32 v16, v9;
	v28 =	vor.u32 v2, v25;
	v20 =	vadd.s32 s12, v0;
	v17 =	vld.idx.msk [tilespmem:v19+s14+$0x0], $0xffff  }
.Ltmp6:
0x192: {  	v23 =	vor.u32 v2, v20;
	v9 =	vmul.f32 v21, v18;
	v11 =	vadd.f32 v15, v11;
	v18 =	vld.idx.msk [tilespmem:v24+s16+$0x0], $0xffff;
	(pc) =	sbr.rel @p0 .LBB2_15-.Ltmp6, $4  }
0x193: {  	s3 =	sadd.s32 $0xFFFFFFF0, s31;
	v24 =	vor.u32 v25, v3;
	v12 =	vld.idx.msk [tilespmem:v12+s14+$0x0], $0xffff  }
0x194: {  	v20 =	vor.u32 v20, v3;
	v25 =	vadd.s32 s3, v0;
	v19 =	vmul.f32 v30, v29;
	v14 =	vld.idx.msk [tilespmem:v14+s14+$0x0], $0xffff  }
0x195: {  	v21 =	vor.u32 v2, v25;
	v15 =	vld.idx.msk [tilespmem:v13+s16+$0x0], $0xffff  }
0x196: {  	s3 =	smov.u32 s0;
	v13 =	vadd.f32 v19, v16;
	v19 =	vmul.f32 v27, v22;
	v22 =	vor.u32 v2, v26;
	v16 =	vld.idx.msk [tilespmem:v28+s14+$0x0], $0xffff  }
0x197: {  	_ =	sdelay $0x3  }
0x198: {  	v2 =	vld.idx.msk [tilespmem:v23+s14+$0x0], $0xffff  }
0x199: {  	v3 =	vor.u32 v25, v3;
	v60 =	vld.idx.msk [tilespmem:v24+s16+$0x0], $0xffff  }
0x19a: {  	v21 =	vld.idx.msk [tilespmem:v21+s14+$0x0], $0xffff  }
0x19b: {  	v22 =	vld.idx.msk [tilespmem:v22+s14+$0x0], $0xffff  }
0x19c: {  	v7 =	vld.idx.msk [tilespmem:v7+s16+$0x0], $0xffff  }
0x19d: {  	v20 =	vld.idx.msk [tilespmem:v20+s16+$0x0], $0xffff  }
0x19e: {  	v61 =	vmul.f32 v18, v17;
	v3 =	vld.idx.msk [tilespmem:v3+s16+$0x0], $0xffff  }
0x19f: {  	v4 =	vmul.f32 v4, v14  }
0x1a0: {  	v10 =	vadd.f32 v19, v10;
	v11 =	vadd.f32 v61, v11;
	v62 =	vmul.f32 v15, v12  }
0x1a1: {  	v4 =	vadd.f32 v4, v8;
	v16 =	vmul.f32 v60, v16;
	v7 =	vmul.f32 v7, v22  }
0x1a2: {  	v9 =	vadd.f32 v9, v13;
	v8 =	vadd.f32 v62, v10;
	v2 =	vmul.f32 v20, v2  }
0x1a3: {  	v4 =	vadd.f32 v16, v4;
	v7 =	vadd.f32 v7, v11;
	v3 =	vmul.f32 v3, v21  }
0x1a4: {  	v63 =	vld [tilespmem:s30+$0x10580];
	v6 =	vadd.f32 v6, v9;
	v2 =	vadd.f32 v2, v8  }
0x1a5: {  	v5 =	vadd.f32 v5, v7;
	v3 =	vadd.f32 v3, v4;
	_ =	sdelay $0x1  }
0x1a6: {  	s29 =	sadd.s32 $0x1, s29;
	v2 =	vadd.f32 v2, v6;
	v3 =	vadd.f32 v5, v3  }
0x1a7: {  	p0 =	sne.s32 s29, $0x8  }
.Ltmp7:
0x1a8: {  	v2 =	vadd.f32 v3, v2;
	v3 =	vadd.f32 v63, v63;
	(pc) =	sbr.rel @p0 .LBB2_14-.Ltmp7, $3  }
0x1a9: {  	_ = 	snop  }
0x1aa: {  	v2 =	vadd.f32 v3, v2;
	_ =	sdelay $0x1  }
0x1ab: {  	[tilespmem:s30+$0x10780] =	vst v2  }
0x1ac: {  	s28 =	sadd.s32 $0x1, s28  }
0x1ad: {  	p0 =	sne.s32 s28, s7  }
.Ltmp8:
0x1ae: {  	_ = 	snop;
	(pc) =	sbr.rel @p0 .LBB2_1-.Ltmp8, $4  }
0x1af: {  	[hbm4b:s6+s4] =	stream.linear.scatter [tilespmem:s26], [sflag:$0x3], $0x200, $0x38;
	[tilespmem:$0x10800] =	vst v63  }
0x1b0: {  	_ =	swait.ge [sflag:s8], $0x200  }
0x1b1: {  	[sflag:s8] =	ssyncset.done $0x0  }
0x1b2: {  	[sflag:s8] =	ssyncadd.s32 $0xFFFFFE00  }
0x1b3: {  	_ =	sfence.sel $0x180000  }
0x1b4: {  	[bflag:$0x0] =	sbarrier.arrive $0xFFFF  }
0x1b5: {  	_ =	strace $0x90000047  }
0x1b6: {  	s0 =	stileid.u32;
	[bflag:$0x2] =	sbarrier.arrive $0xFFFF  }
0x1b7: {  	p0 =	sne.s32 s0, $0x0;
	s0 =	rddreg [dreg:$0x4]  }
0x1b8: {  	s0 =	sadd.s32 @!p0 $0x100000, s0  }
0x1b9: {  	[sflag:s0] =	ssyncadd.tile.s32 @!p0 $0x1;
	_ =	shalt  }
.Lfunc_end2:
_tile_overlayer_lowered:
.L_overlay_start_2:
0x1ba: {  	(tag) =	ssettag $0x2  }
0x1bb: {  	s0 =	rddreg [dreg:$0x0];
	s2 =	stileid.u32  }
0x1bc: {  	s1 =	rddreg [dreg:$0x1];
	p0 =	sne.s32 s2, $0x0  }
0x1bd: {  	s3 =	rddreg [dreg:$0x2];
	[bflag:$0x3] =	sbarrier.arrive $0xFFFF;
	s2 =	simm.s32 @!p0 $0x1C03  }
0x1be: {  	[timem:s3], [sflag:s2] =	dma.local @!p0 [hbm:s0], s1  }
0x1bf: {  	s0 =	simm.s32 @!p0 $0x3  }
0x1c0: {  	_ =	swait.ge @!p0 [sflag:s0], s1  }
0x1c1: {  	s1 =	ssub.s32 @!p0 $0x0, s1;
	[sflag:s0] =	ssyncset.done @!p0 $0x0  }
0x1c2: {  	[sflag:s0] =	ssyncadd.s32 @!p0 s1  }
0x1c3: {  	[bflag:$0x3] =	sbarrier.arrive $0xFFFF  }
0x1c4: {  	_ =	shalt  }

</sc_bundles>
